<compile_context>
chip_gen: v7x
topology: tpu7x:2x2x1
jax: 0.10.2.dev20260603
libtpu: 0.0.44.dev20260713+nightly
codegen_flags: <defaults>
</compile_context>

<pallas_src>
import functools

import jax
import jax.numpy as jnp
from jax import lax
from jax.experimental import pallas as pl
from jax.experimental.pallas import tpu as pltpu
from jax.experimental.pallas import tpu_sc as plsc

E = 64
LANES = 16
NW = 32
CHUNK = 512
OUT_STRIDE = 144

TOP_P = 0.75
KEEP_TOP_K = 2
ENTROPY_THRESH = 3.8
ENTROPY_EPS = 1e-5
AUX_LOSS_COEF = 0.001
DYN_LOSS_COEF = 0.001

_LN2 = 0.6931471805599453
_LOGC = (127.0 + 0.0450466) * _LN2
_LOGS = _LN2 / (1 << 23)


def _vlog(x):
    y = plsc.bitcast(x, jnp.int32).astype(jnp.float32) * _LOGS - _LOGC
    y = y + x * jnp.exp(-y) - 1.0
    y = y + x * jnp.exp(-y) - 1.0
    return y


def _msort(x):
    return jnp.sort(x)


_GATHER_DNUMS = lax.GatherDimensionNumbers(
    offset_dims=(), collapsed_slice_dims=(0,), start_index_map=(0,))


def _vgather(src, idx):
    return lax.gather(src, idx[:, None], _GATHER_DNUMS, (1,),
                      mode=lax.GatherScatterMode.PROMISE_IN_BOUNDS)


def _msort_d(x):
    return plsc.sort_key_val(x, x, descending=True)[0]


def _sort64(q0, q1, q2, q3):
    t0, t1 = _msort(q0), _msort_d(q1)
    t2, t3 = _msort(q2), _msort_d(q3)
    a0 = _msort(jnp.minimum(t0, t1))
    a1 = _msort(jnp.maximum(t0, t1))
    b0 = _msort_d(jnp.maximum(t2, t3))
    b1 = _msort_d(jnp.minimum(t2, t3))
    lo0, hi0 = jnp.minimum(a0, b0), jnp.maximum(a0, b0)
    lo1, hi1 = jnp.minimum(a1, b1), jnp.maximum(a1, b1)
    s0 = _msort(jnp.minimum(lo0, lo1))
    s1 = _msort(jnp.maximum(lo0, lo1))
    s2 = _msort(jnp.minimum(hi0, hi1))
    s3 = _msort(jnp.maximum(hi0, hi1))
    return s0, s1, s2, s3


def _row_contrib(buf, base):
    l0 = buf[pl.ds(base, LANES)]
    l1 = buf[pl.ds(base + 16, LANES)]
    l2 = buf[pl.ds(base + 32, LANES)]
    l3 = buf[pl.ds(base + 48, LANES)]

    mx = jnp.max(jnp.maximum(jnp.maximum(l0, l1), jnp.maximum(l2, l3)))
    e0, e1 = jnp.exp(l0 - mx), jnp.exp(l1 - mx)
    e2, e3 = jnp.exp(l2 - mx), jnp.exp(l3 - mx)
    s = jnp.sum((e0 + e1) + (e2 + e3))
    rv = 1.0 / (jnp.zeros((LANES,), jnp.float32) + s)
    q0, q1, q2, q3 = e0 * rv, e1 * rv, e2 * rv, e3 * rv

    ent = -jnp.sum((q0 * _vlog(q0 + ENTROPY_EPS) + q1 * _vlog(q1 + ENTROPY_EPS))
                   + (q2 * _vlog(q2 + ENTROPY_EPS) + q3 * _vlog(q3 + ENTROPY_EPS)))

    s0, s1, s2, s3 = _sort64(q0, q1, q2, q3)

    i15 = jnp.full((LANES,), 15, jnp.int32)
    c0 = plsc.cumsum(s0)
    c1r = plsc.cumsum(s1)
    c2r = plsc.cumsum(s2)
    c3r = plsc.cumsum(s3)
    r0 = _vgather(c0, i15)
    r1 = _vgather(c1r, i15)
    r2 = _vgather(c2r, i15)
    r01 = r0 + r1
    c1 = c1r + r0
    c2 = c2r + r01
    c3 = c3r + (r01 + r2)
    tot = 1.0
    d0 = s0 + (tot - c0)
    d1 = s1 + (tot - c1)
    d2 = s2 + (tot - c2)
    d3 = s3 + (tot - c3)

    m = (plsc.all_reduce_population_count(d0 <= TOP_P)
         + plsc.all_reduce_population_count(d1 <= TOP_P)) + (
        plsc.all_reduce_population_count(d2 <= TOP_P)
         + plsc.all_reduce_population_count(d3 <= TOP_P))
    k = jnp.maximum(m, KEEP_TOP_K)
    jt = E - k

    g0 = _vgather(s0, jnp.clip(jt, 0, 15))
    g1 = _vgather(s1, jnp.clip(jt - 16, 0, 15))
    g2 = _vgather(s2, jnp.clip(jt - 32, 0, 15))
    g3 = _vgather(s3, jnp.clip(jt - 48, 0, 15))
    vsel = jt >> 4
    th = jnp.where(vsel == 0, g0,
                   jnp.where(vsel == 1, g1, jnp.where(vsel == 2, g2, g3)))

    ent_keep = ent >= ENTROPY_THRESH
    k0 = (q0 >= th) | ent_keep
    k1 = (q1 >= th) | ent_keep
    k2 = (q2 >= th) | ent_keep
    k3 = (q3 >= th) | ent_keep
    w0 = jnp.where(k0, q0, 0.0)
    w1 = jnp.where(k1, q1, 0.0)
    w2 = jnp.where(k2, q2, 0.0)
    w3 = jnp.where(k3, q3, 0.0)
    return w0, w1, w2, w3, ent


def _row_body(i, carry, buf, attn, cbase):
    (ar0, ar1, ar2, ar3, am0, am1, am2, am3, ent_acc) = carry
    x0, x1, x2, x3, enta = _row_contrib(buf, i * (2 * E))
    y0, y1, y2, y3, entb = _row_contrib(buf, i * (2 * E) + E)
    wa = plsc.load_gather(attn, [jnp.full((LANES,), cbase + 2 * i, jnp.int32)])
    wb = plsc.load_gather(attn, [jnp.full((LANES,), cbase + 2 * i + 1, jnp.int32)])
    ar0 = ar0 + (x0 * wa + y0 * wb)
    ar1 = ar1 + (x1 * wa + y1 * wb)
    ar2 = ar2 + (x2 * wa + y2 * wb)
    ar3 = ar3 + (x3 * wa + y3 * wb)
    am0 = am0 + (jnp.where(x0 > 0.0, wa, 0.0) + jnp.where(y0 > 0.0, wb, 0.0))
    am1 = am1 + (jnp.where(x1 > 0.0, wa, 0.0) + jnp.where(y1 > 0.0, wb, 0.0))
    am2 = am2 + (jnp.where(x2 > 0.0, wa, 0.0) + jnp.where(y2 > 0.0, wb, 0.0))
    am3 = am3 + (jnp.where(x3 > 0.0, wa, 0.0) + jnp.where(y3 > 0.0, wb, 0.0))
    return (ar0, ar1, ar2, ar3, am0, am1, am2, am3, ent_acc + (enta + entb))


def _sc_body(gate_hbm, attn_hbm, out_hbm, buf_a, buf_b, attn_v, stage,
             sem_a, sem_b):
    wid = lax.axis_index("s") * 2 + lax.axis_index("c")
    rows_per_w = 16384
    n_chunks = rows_per_w // CHUNK
    wbase = wid * rows_per_w * E
    pltpu.sync_copy(attn_hbm, attn_v)

    pltpu.async_copy(gate_hbm.at[pl.ds(wbase, CHUNK * E)], buf_a, sem_a)

    zero = jnp.zeros((LANES,), jnp.float32)
    init = (zero,) * 8 + (jnp.float32(0.0),)

    def pair_body(c2, carry):
        ca = 2 * c2
        pltpu.make_async_copy(gate_hbm.at[pl.ds(0, CHUNK * E)], buf_a,
                              sem_a).wait()
        pltpu.async_copy(
            gate_hbm.at[pl.ds(wbase + (ca + 1) * (CHUNK * E), CHUNK * E)],
            buf_b, sem_b)
        carry = lax.fori_loop(
            0, CHUNK // 2,
            functools.partial(_row_body, buf=buf_a, attn=attn_v,
                              cbase=ca * CHUNK),
            carry)
        pltpu.make_async_copy(gate_hbm.at[pl.ds(0, CHUNK * E)], buf_b,
                              sem_b).wait()

        @pl.when(ca + 2 < n_chunks)
        def _():
            pltpu.async_copy(
                gate_hbm.at[pl.ds(wbase + (ca + 2) * (CHUNK * E), CHUNK * E)],
                buf_a, sem_a)

        carry = lax.fori_loop(
            0, CHUNK // 2,
            functools.partial(_row_body, buf=buf_b, attn=attn_v,
                              cbase=(ca + 1) * CHUNK),
            carry)
        return carry

    res = lax.fori_loop(0, n_chunks // 2, pair_body, init)
    for j in range(4):
        stage[pl.ds(j * LANES, LANES)] = res[j]
        stage[pl.ds(E + j * LANES, LANES)] = res[4 + j]
    stage[pl.ds(2 * E, LANES)] = jnp.zeros((LANES,), jnp.float32) + res[8]
    pltpu.sync_copy(stage, out_hbm.at[pl.ds(wid * OUT_STRIDE, OUT_STRIDE)])


def kernel(gate_logits, attention_mask):
    n_rows = gate_logits.size // E
    gate_flat = gate_logits.reshape(n_rows * E)
    attn_flat = attention_mask.reshape(-1).astype(jnp.float32)
    n_layers = n_rows // attn_flat.shape[0]

    mesh = plsc.VectorSubcoreMesh(core_axis_name="c", subcore_axis_name="s",
                                  num_cores=2, num_subcores=16)
    run = pl.kernel(
        _sc_body,
        out_type=jax.ShapeDtypeStruct((NW * OUT_STRIDE,), jnp.float32),
        mesh=mesh,
        scratch_types=[
            pltpu.VMEM((CHUNK * E,), jnp.float32),
            pltpu.VMEM((CHUNK * E,), jnp.float32),
            pltpu.VMEM((attn_flat.shape[0],), jnp.float32),
            pltpu.VMEM((OUT_STRIDE,), jnp.float32),
            pltpu.SemaphoreType.DMA,
            pltpu.SemaphoreType.DMA,
        ],
        compiler_params=pltpu.CompilerParams(needs_layout_passes=False),
    )
    partials = run(gate_flat, attn_flat).reshape(NW, OUT_STRIDE)

    routing_sum = partials[:, :E].sum(0)
    mask_sum = partials[:, E : 2 * E].sum(0)
    ent_sum = partials[:, 2 * E].sum()
    denom = n_layers * attn_flat.sum()
    tokens_per_expert = mask_sum / denom
    router_prob_per_expert = routing_sum / denom
    overall = jnp.sum(tokens_per_expert * router_prob_per_expert)
    return (ent_sum / n_rows) * DYN_LOSS_COEF + overall * E * AUX_LOSS_COEF

# --- scband reference (transcript-rebuilt; emitter-appended) ---
"""Pipeline reference for scband-dyn-mole-router-loss-29532195127558 (READ-ONLY COPY).

The authoritative reference and input builder live on the scoring server;
editing this copy changes nothing except your own understanding.
"""

import jax, jax.numpy as jnp
import numpy as np

ENTROPY_THRESH = 3.8
ENTROPY_EPS = 1e-05
ENTROPY_Q = 1.0
KEEP_TOP_K = 2
TOP_P = 0.75
AUX_LOSS_COEF = 0.001
DYN_LOSS_COEF = 0.001


def tsallis_entropy(p, q, eps):
    if abs(q - 1.0) < 1e-9:
        return -jnp.sum(p * jnp.log(p + eps), axis=-1)
    return (1.0 - jnp.sum(p ** q, axis=-1)) / (q - 1.0)


def setup_inputs(seed: int = 0) -> dict:
    key = jax.random.key(seed)
    k1, _ = jax.random.split(key)
    gate_logits = jax.random.normal(k1, (32, 16384, 64), dtype=jnp.float32)
    attention_mask = jnp.ones((4, 4096), dtype=jnp.int32)
    return {"gate_logits": gate_logits, "attention_mask": attention_mask}


def reference(gate_logits, attention_mask):
    num_experts = gate_logits.shape[-1]
    # _unpack_router_logits: concat per-layer [tokens, E] logits
    logits = gate_logits.reshape(-1, num_experts)
    # softmax router probabilities
    rw = jax.nn.softmax(logits, axis=-1)
    # _dynamic_routing: sort descending, cumulative top-p mask
    sorted_indices = jnp.argsort(-rw, axis=-1)
    sorted_probs = jnp.take_along_axis(rw, sorted_indices, axis=-1)
    cum = jnp.cumsum(sorted_probs, axis=-1)
    em = cum > TOP_P
    col = jnp.arange(num_experts)[None, :]
    em = jnp.logical_and(em, col >= KEEP_TOP_K)
    # scatter mask back to original expert order (inverse permutation)
    inv = jnp.argsort(sorted_indices, axis=-1)
    em_unsorted = jnp.take_along_axis(em, inv, axis=-1)
    router_entropy = tsallis_entropy(rw, ENTROPY_Q, ENTROPY_EPS)
    em_unsorted = jnp.where((router_entropy >= ENTROPY_THRESH)[:, None], False, em_unsorted)
    routing_weights = jnp.where(em_unsorted, 0.0, rw)
    entropy_loss = jnp.mean(router_entropy)
    expert_mask_f = (routing_weights > 0.0).astype(jnp.float32)
    B, S = attention_mask.shape
    L = routing_weights.shape[0] // (B * S)
    eam = jnp.broadcast_to(attention_mask[None, :, :, None].astype(jnp.float32), (L, B, S, num_experts)).reshape(-1, num_experts)
    tokens_per_expert = jnp.sum(expert_mask_f * eam, axis=0) / jnp.sum(eam, axis=0)
    router_prob_per_expert = jnp.sum(routing_weights * eam, axis=0) / jnp.sum(eam, axis=0)
    overall_loss = jnp.sum(tokens_per_expert * router_prob_per_expert)
    return entropy_loss * DYN_LOSS_COEF + overall_loss * num_experts * AUX_LOSS_COEF

if __name__ == "__main__":
    import jax
    _d = setup_inputs()
    print(jax.jit(kernel)(*tuple(_d.values())))

</pallas_src>

<mosaic_0001>
#map = affine_map<(d0, d1) -> (0)>
module attributes {stable_mosaic.version = 14 : i64} {
  func.func @_sc_body(%arg0: i32, %arg1: i32, %arg2: memref<33554432xf32, #tpu.memory_space<hbm>>, %arg3: memref<16384xf32, #tpu.memory_space<hbm>>, %arg4: memref<4608xf32, #tpu.memory_space<hbm>>, %arg5: memref<32768xf32, #tpu.memory_space<vmem>>, %arg6: memref<32768xf32, #tpu.memory_space<vmem>>, %arg7: memref<16384xf32, #tpu.memory_space<vmem>>, %arg8: memref<144xf32, #tpu.memory_space<vmem>>, %arg9: memref<!tpu.dma_semaphore, #tpu.memory_space<semaphore_mem>>, %arg10: memref<!tpu.dma_semaphore, #tpu.memory_space<semaphore_mem>>) attributes {dimension_semantics = [#tpu.dimension_semantics<core_parallel>, #tpu.dimension_semantics<subcore_parallel>], iteration_bounds = array<i64: 2, 16>, scalar_prefetch = 0 : i64, scratch_operands = 6 : i64, tpu.core_type = #tpu.core_type<sc_vector_subcore>, window_params = [{transform_indices = #map}, {transform_indices = #map}, {transform_indices = #map}]} {
    %mul3A = arith.constant 2 : i32
    %mul3A_0 = arith.muli %arg1, %mul3A : i32
    %add3A = arith.addi %mul3A_0, %arg0 : i32
    %mul3A_1 = arith.constant 16384 : i32
    %mul3A_2 = arith.muli %add3A, %mul3A_1 : i32
    %mul3A_3 = arith.constant 64 : i32
    %mul3A_4 = arith.muli %mul3A_2, %mul3A_3 : i32
    "tpu.region"() ({
      %run_scoped3A = tpu.sem_alloc : memref<!tpu.dma_semaphore, #tpu.memory_space<semaphore_mem>>
      tpu.enqueue_dma source(%arg3 : memref<16384xf32, #tpu.memory_space<hbm>>) target(%arg7 : memref<16384xf32, #tpu.memory_space<vmem>>) target_semaphore(%run_scoped3A : memref<!tpu.dma_semaphore, #tpu.memory_space<semaphore_mem>>)
      tpu.wait_dma2 semaphore(%run_scoped3A : memref<!tpu.dma_semaphore, #tpu.memory_space<semaphore_mem>>) src(%arg3 : memref<16384xf32, #tpu.memory_space<hbm>>) dst(%arg7 : memref<16384xf32, #tpu.memory_space<vmem>>)
      tpu.yield
    }) : () -> ()
    %dma_start3A = tpu.memref_slice %arg2[%mul3A_4] : memref<33554432xf32, #tpu.memory_space<hbm>> -> memref<32768xf32, #tpu.memory_space<hbm>>
    %dma_start3A_5 = tpu.memref_slice %arg2[%mul3A_4] : memref<33554432xf32, #tpu.memory_space<hbm>> -> memref<32768xf32, #tpu.memory_space<hbm>>
    tpu.enqueue_dma source(%dma_start3A_5 : memref<32768xf32, #tpu.memory_space<hbm>>) target(%arg5 : memref<32768xf32, #tpu.memory_space<vmem>>) target_semaphore(%arg9 : memref<!tpu.dma_semaphore, #tpu.memory_space<semaphore_mem>>)
    %broadcast_in_dim3A = arith.constant 0.000000e+00 : f32
    %broadcast_in_dim3A_6 = vector.broadcast %broadcast_in_dim3A : f32 to vector<16xf32>
    %scan3A = arith.constant 0.000000e+00 : f32
    %scan3A_7 = arith.constant 0 : i32
    %scan3A_8 = arith.constant 16 : i32
    %scan3A_9 = arith.addi %scan3A_7, %scan3A_8 : i32
    %scan3A_10 = arith.constant 1 : i32
    %scan3A_11:9 = scf.for %scan3A_36 = %scan3A_7 to %scan3A_9 step %scan3A_10 iter_args(%scan3A_37 = %broadcast_in_dim3A_6, %scan3A_38 = %broadcast_in_dim3A_6, %scan3A_39 = %broadcast_in_dim3A_6, %scan3A_40 = %broadcast_in_dim3A_6, %scan3A_41 = %broadcast_in_dim3A_6, %scan3A_42 = %broadcast_in_dim3A_6, %scan3A_43 = %broadcast_in_dim3A_6, %scan3A_44 = %broadcast_in_dim3A_6, %scan3A_45 = %scan3A) -> (vector<16xf32>, vector<16xf32>, vector<16xf32>, vector<16xf32>, vector<16xf32>, vector<16xf32>, vector<16xf32>, vector<16xf32>, f32)  : i32 {
      %mul3A_46 = arith.constant 2 : i32
      %mul3A_47 = arith.muli %mul3A_46, %scan3A_36 : i32
      %dma_wait3A = arith.constant 0 : i32
      %dma_wait3A_48 = tpu.memref_slice %arg2[%dma_wait3A] : memref<33554432xf32, #tpu.memory_space<hbm>> -> memref<32768xf32, #tpu.memory_space<hbm>>
      %dma_wait3A_49 = arith.constant 0 : i32
      %dma_wait3A_50 = tpu.memref_slice %arg2[%dma_wait3A_49] : memref<33554432xf32, #tpu.memory_space<hbm>> -> memref<32768xf32, #tpu.memory_space<hbm>>
      tpu.wait_dma2 semaphore(%arg9 : memref<!tpu.dma_semaphore, #tpu.memory_space<semaphore_mem>>) src(%dma_wait3A_50 : memref<32768xf32, #tpu.memory_space<hbm>>) dst(%arg5 : memref<32768xf32, #tpu.memory_space<vmem>>)
      %add3A_51 = arith.constant 1 : i32
      %add3A_52 = arith.addi %mul3A_47, %add3A_51 : i32
      %mul3A_53 = arith.constant 32768 : i32
      %mul3A_54 = arith.muli %add3A_52, %mul3A_53 : i32
      %add3A_55 = arith.addi %mul3A_4, %mul3A_54 : i32
      %dma_start3A_56 = tpu.memref_slice %arg2[%add3A_55] : memref<33554432xf32, #tpu.memory_space<hbm>> -> memref<32768xf32, #tpu.memory_space<hbm>>
      %dma_start3A_57 = tpu.memref_slice %arg2[%add3A_55] : memref<33554432xf32, #tpu.memory_space<hbm>> -> memref<32768xf32, #tpu.memory_space<hbm>>
      tpu.enqueue_dma source(%dma_start3A_57 : memref<32768xf32, #tpu.memory_space<hbm>>) target(%arg6 : memref<32768xf32, #tpu.memory_space<vmem>>) target_semaphore(%arg10 : memref<!tpu.dma_semaphore, #tpu.memory_space<semaphore_mem>>)
      %mul3A_58 = arith.constant 512 : i32
      %mul3A_59 = arith.muli %mul3A_47, %mul3A_58 : i32
      %scan3A_60 = arith.constant 0 : i32
      %scan3A_61 = arith.constant 256 : i32
      %scan3A_62 = arith.addi %scan3A_60, %scan3A_61 : i32
      %scan3A_63 = arith.constant 1 : i32
      %scan3A_64:9 = scf.for %scan3A_84 = %scan3A_60 to %scan3A_62 step %scan3A_63 iter_args(%scan3A_85 = %scan3A_37, %scan3A_86 = %scan3A_38, %scan3A_87 = %scan3A_39, %scan3A_88 = %scan3A_40, %scan3A_89 = %scan3A_41, %scan3A_90 = %scan3A_42, %scan3A_91 = %scan3A_43, %scan3A_92 = %scan3A_44, %scan3A_93 = %scan3A_45) -> (vector<16xf32>, vector<16xf32>, vector<16xf32>, vector<16xf32>, vector<16xf32>, vector<16xf32>, vector<16xf32>, vector<16xf32>, f32)  : i32 {
        %mul3A_94 = arith.constant 128 : i32
        %mul3A_95 = arith.muli %scan3A_84, %mul3A_94 : i32
        %get3A = arith.index_cast %mul3A_95 : i32 to index
        %get3A_96 = tpu.vector_load %arg5[%get3A] {strides = array<i32>} : memref<32768xf32, #tpu.memory_space<vmem>>, vector<16xf32>,
        %add3A_97 = arith.constant 16 : i32
        %add3A_98 = arith.addi %mul3A_95, %add3A_97 : i32
        %get3A_99 = arith.index_cast %add3A_98 : i32 to index
        %get3A_100 = tpu.vector_load %arg5[%get3A_99] {strides = array<i32>} : memref<32768xf32, #tpu.memory_space<vmem>>, vector<16xf32>,
        %add3A_101 = arith.constant 32 : i32
        %add3A_102 = arith.addi %mul3A_95, %add3A_101 : i32
        %get3A_103 = arith.index_cast %add3A_102 : i32 to index
        %get3A_104 = tpu.vector_load %arg5[%get3A_103] {strides = array<i32>} : memref<32768xf32, #tpu.memory_space<vmem>>, vector<16xf32>,
        %add3A_105 = arith.constant 48 : i32
        %add3A_106 = arith.addi %mul3A_95, %add3A_105 : i32
        %get3A_107 = arith.index_cast %add3A_106 : i32 to index
        %get3A_108 = tpu.vector_load %arg5[%get3A_107] {strides = array<i32>} : memref<32768xf32, #tpu.memory_space<vmem>>, vector<16xf32>,
        %max3A = arith.maximumf %get3A_96, %get3A_100 : vector<16xf32>
        %max3A_109 = arith.maximumf %get3A_104, %get3A_108 : vector<16xf32>
        %max3A_110 = arith.maximumf %max3A, %max3A_109 : vector<16xf32>
        %reduce_max3A = arith.constant true
        %reduce_max3A_111 = vector.broadcast %reduce_max3A : i1 to vector<16xi1>
        %reduce_max3A_112 = tpu.scan <max>, %max3A_110 masked %reduce_max3A_111 : vector<16xf32>, vector<16xi1> -> vector<16xf32>
        %reduce_max3A_113 = vector.extract %reduce_max3A_112[15] : f32 from vector<16xf32>
        %sub3A = vector.broadcast %reduce_max3A_113 : f32 to vector<16xf32>
        %sub3A_114 = arith.subf %get3A_96, %sub3A : vector<16xf32>
        %exp3A = math.exp %sub3A_114 : vector<16xf32>
        %sub3A_115 = vector.broadcast %reduce_max3A_113 : f32 to vector<16xf32>
        %sub3A_116 = arith.subf %get3A_100, %sub3A_115 : vector<16xf32>
        %exp3A_117 = math.exp %sub3A_116 : vector<16xf32>
        %sub3A_118 = vector.broadcast %reduce_max3A_113 : f32 to vector<16xf32>
        %sub3A_119 = arith.subf %get3A_104, %sub3A_118 : vector<16xf32>
        %exp3A_120 = math.exp %sub3A_119 : vector<16xf32>
        %sub3A_121 = vector.broadcast %reduce_max3A_113 : f32 to vector<16xf32>
        %sub3A_122 = arith.subf %get3A_108, %sub3A_121 : vector<16xf32>
        %exp3A_123 = math.exp %sub3A_122 : vector<16xf32>
        %add3A_124 = arith.addf %exp3A, %exp3A_117 : vector<16xf32>
        %add3A_125 = arith.addf %exp3A_120, %exp3A_123 : vector<16xf32>
        %add3A_126 = arith.addf %add3A_124, %add3A_125 : vector<16xf32>
        %reduce_sum3A = arith.constant true
        %reduce_sum3A_127 = vector.broadcast %reduce_sum3A : i1 to vector<16xi1>
        %reduce_sum3A_128 = tpu.scan <sum>, %add3A_126 masked %reduce_sum3A_127 : vector<16xf32>, vector<16xi1> -> vector<16xf32>
        %reduce_sum3A_129 = vector.extract %reduce_sum3A_128[15] : f32 from vector<16xf32>
        %broadcast_in_dim3A_130 = arith.constant 0.000000e+00 : f32
        %broadcast_in_dim3A_131 = vector.broadcast %broadcast_in_dim3A_130 : f32 to vector<16xf32>
        %add3A_132 = vector.broadcast %reduce_sum3A_129 : f32 to vector<16xf32>
        %add3A_133 = arith.addf %broadcast_in_dim3A_131, %add3A_132 : vector<16xf32>
        %div3A = arith.constant 1.000000e+00 : f32
        %div3A_134 = vector.broadcast %div3A : f32 to vector<16xf32>
        %div3A_135 = arith.divf %div3A_134, %add3A_133 : vector<16xf32>
        %mul3A_136 = arith.mulf %exp3A, %div3A_135 : vector<16xf32>
        %mul3A_137 = arith.mulf %exp3A_117, %div3A_135 : vector<16xf32>
        %mul3A_138 = arith.mulf %exp3A_120, %div3A_135 : vector<16xf32>
        %mul3A_139 = arith.mulf %exp3A_123, %div3A_135 : vector<16xf32>
        %add3A_140 = arith.constant 9.99999974E-6 : f32
        %add3A_141 = vector.broadcast %add3A_140 : f32 to vector<16xf32>
        %add3A_142 = arith.addf %mul3A_136, %add3A_141 : vector<16xf32>
        %bitcast3A = vector.bitcast %add3A_142 : vector<16xf32> to vector<16xi32>
        %convert_element_type3A_143 = arith.sitofp %bitcast3A : vector<16xi32> to vector<16xf32>
        %mul3A_144 = arith.constant 8.26295832E-8 : f32
        %mul3A_145 = vector.broadcast %mul3A_144 : f32 to vector<16xf32>
        %mul3A_146 = arith.mulf %convert_element_type3A_143, %mul3A_145 : vector<16xf32>
        %sub3A_147 = arith.constant 88.060913 : f32
        %sub3A_148 = vector.broadcast %sub3A_147 : f32 to vector<16xf32>
        %sub3A_149 = arith.subf %mul3A_146, %sub3A_148 : vector<16xf32>
        %neg3A = arith.constant 0.000000e+00 : f32
        %neg3A_150 = vector.broadcast %neg3A : f32 to vector<16xf32>
        %neg3A_151 = arith.subf %neg3A_150, %sub3A_149 : vector<16xf32>
        %exp3A_152 = math.exp %neg3A_151 : vector<16xf32>
        %mul3A_153 = arith.mulf %add3A_142, %exp3A_152 : vector<16xf32>
        %add3A_154 = arith.addf %sub3A_149, %mul3A_153 : vector<16xf32>
        %sub3A_155 = arith.constant 1.000000e+00 : f32
        %sub3A_156 = vector.broadcast %sub3A_155 : f32 to vector<16xf32>
        %sub3A_157 = arith.subf %add3A_154, %sub3A_156 : vector<16xf32>
        %neg3A_158 = arith.constant 0.000000e+00 : f32
        %neg3A_159 = vector.broadcast %neg3A_158 : f32 to vector<16xf32>
        %neg3A_160 = arith.subf %neg3A_159, %sub3A_157 : vector<16xf32>
        %exp3A_161 = math.exp %neg3A_160 : vector<16xf32>
        %mul3A_162 = arith.mulf %add3A_142, %exp3A_161 : vector<16xf32>
        %add3A_163 = arith.addf %sub3A_157, %mul3A_162 : vector<16xf32>
        %sub3A_164 = arith.constant 1.000000e+00 : f32
        %sub3A_165 = vector.broadcast %sub3A_164 : f32 to vector<16xf32>
        %sub3A_166 = arith.subf %add3A_163, %sub3A_165 : vector<16xf32>
        %mul3A_167 = arith.mulf %mul3A_136, %sub3A_166 : vector<16xf32>
        %add3A_168 = arith.constant 9.99999974E-6 : f32
        %add3A_169 = vector.broadcast %add3A_168 : f32 to vector<16xf32>
        %add3A_170 = arith.addf %mul3A_137, %add3A_169 : vector<16xf32>
        %bitcast3A_171 = vector.bitcast %add3A_170 : vector<16xf32> to vector<16xi32>
        %convert_element_type3A_172 = arith.sitofp %bitcast3A_171 : vector<16xi32> to vector<16xf32>
        %mul3A_173 = arith.constant 8.26295832E-8 : f32
        %mul3A_174 = vector.broadcast %mul3A_173 : f32 to vector<16xf32>
        %mul3A_175 = arith.mulf %convert_element_type3A_172, %mul3A_174 : vector<16xf32>
        %sub3A_176 = arith.constant 88.060913 : f32
        %sub3A_177 = vector.broadcast %sub3A_176 : f32 to vector<16xf32>
        %sub3A_178 = arith.subf %mul3A_175, %sub3A_177 : vector<16xf32>
        %neg3A_179 = arith.constant 0.000000e+00 : f32
        %neg3A_180 = vector.broadcast %neg3A_179 : f32 to vector<16xf32>
        %neg3A_181 = arith.subf %neg3A_180, %sub3A_178 : vector<16xf32>
        %exp3A_182 = math.exp %neg3A_181 : vector<16xf32>
        %mul3A_183 = arith.mulf %add3A_170, %exp3A_182 : vector<16xf32>
        %add3A_184 = arith.addf %sub3A_178, %mul3A_183 : vector<16xf32>
        %sub3A_185 = arith.constant 1.000000e+00 : f32
        %sub3A_186 = vector.broadcast %sub3A_185 : f32 to vector<16xf32>
        %sub3A_187 = arith.subf %add3A_184, %sub3A_186 : vector<16xf32>
        %neg3A_188 = arith.constant 0.000000e+00 : f32
        %neg3A_189 = vector.broadcast %neg3A_188 : f32 to vector<16xf32>
        %neg3A_190 = arith.subf %neg3A_189, %sub3A_187 : vector<16xf32>
        %exp3A_191 = math.exp %neg3A_190 : vector<16xf32>
        %mul3A_192 = arith.mulf %add3A_170, %exp3A_191 : vector<16xf32>
        %add3A_193 = arith.addf %sub3A_187, %mul3A_192 : vector<16xf32>
        %sub3A_194 = arith.constant 1.000000e+00 : f32
        %sub3A_195 = vector.broadcast %sub3A_194 : f32 to vector<16xf32>
        %sub3A_196 = arith.subf %add3A_193, %sub3A_195 : vector<16xf32>
        %mul3A_197 = arith.mulf %mul3A_137, %sub3A_196 : vector<16xf32>
        %add3A_198 = arith.addf %mul3A_167, %mul3A_197 : vector<16xf32>
        %add3A_199 = arith.constant 9.99999974E-6 : f32
        %add3A_200 = vector.broadcast %add3A_199 : f32 to vector<16xf32>
        %add3A_201 = arith.addf %mul3A_138, %add3A_200 : vector<16xf32>
        %bitcast3A_202 = vector.bitcast %add3A_201 : vector<16xf32> to vector<16xi32>
        %convert_element_type3A_203 = arith.sitofp %bitcast3A_202 : vector<16xi32> to vector<16xf32>
        %mul3A_204 = arith.constant 8.26295832E-8 : f32
        %mul3A_205 = vector.broadcast %mul3A_204 : f32 to vector<16xf32>
        %mul3A_206 = arith.mulf %convert_element_type3A_203, %mul3A_205 : vector<16xf32>
        %sub3A_207 = arith.constant 88.060913 : f32
        %sub3A_208 = vector.broadcast %sub3A_207 : f32 to vector<16xf32>
        %sub3A_209 = arith.subf %mul3A_206, %sub3A_208 : vector<16xf32>
        %neg3A_210 = arith.constant 0.000000e+00 : f32
        %neg3A_211 = vector.broadcast %neg3A_210 : f32 to vector<16xf32>
        %neg3A_212 = arith.subf %neg3A_211, %sub3A_209 : vector<16xf32>
        %exp3A_213 = math.exp %neg3A_212 : vector<16xf32>
        %mul3A_214 = arith.mulf %add3A_201, %exp3A_213 : vector<16xf32>
        %add3A_215 = arith.addf %sub3A_209, %mul3A_214 : vector<16xf32>
        %sub3A_216 = arith.constant 1.000000e+00 : f32
        %sub3A_217 = vector.broadcast %sub3A_216 : f32 to vector<16xf32>
        %sub3A_218 = arith.subf %add3A_215, %sub3A_217 : vector<16xf32>
        %neg3A_219 = arith.constant 0.000000e+00 : f32
        %neg3A_220 = vector.broadcast %neg3A_219 : f32 to vector<16xf32>
        %neg3A_221 = arith.subf %neg3A_220, %sub3A_218 : vector<16xf32>
        %exp3A_222 = math.exp %neg3A_221 : vector<16xf32>
        %mul3A_223 = arith.mulf %add3A_201, %exp3A_222 : vector<16xf32>
        %add3A_224 = arith.addf %sub3A_218, %mul3A_223 : vector<16xf32>
        %sub3A_225 = arith.constant 1.000000e+00 : f32
        %sub3A_226 = vector.broadcast %sub3A_225 : f32 to vector<16xf32>
        %sub3A_227 = arith.subf %add3A_224, %sub3A_226 : vector<16xf32>
        %mul3A_228 = arith.mulf %mul3A_138, %sub3A_227 : vector<16xf32>
        %add3A_229 = arith.constant 9.99999974E-6 : f32
        %add3A_230 = vector.broadcast %add3A_229 : f32 to vector<16xf32>
        %add3A_231 = arith.addf %mul3A_139, %add3A_230 : vector<16xf32>
        %bitcast3A_232 = vector.bitcast %add3A_231 : vector<16xf32> to vector<16xi32>
        %convert_element_type3A_233 = arith.sitofp %bitcast3A_232 : vector<16xi32> to vector<16xf32>
        %mul3A_234 = arith.constant 8.26295832E-8 : f32
        %mul3A_235 = vector.broadcast %mul3A_234 : f32 to vector<16xf32>
        %mul3A_236 = arith.mulf %convert_element_type3A_233, %mul3A_235 : vector<16xf32>
        %sub3A_237 = arith.constant 88.060913 : f32
        %sub3A_238 = vector.broadcast %sub3A_237 : f32 to vector<16xf32>
        %sub3A_239 = arith.subf %mul3A_236, %sub3A_238 : vector<16xf32>
        %neg3A_240 = arith.constant 0.000000e+00 : f32
        %neg3A_241 = vector.broadcast %neg3A_240 : f32 to vector<16xf32>
        %neg3A_242 = arith.subf %neg3A_241, %sub3A_239 : vector<16xf32>
        %exp3A_243 = math.exp %neg3A_242 : vector<16xf32>
        %mul3A_244 = arith.mulf %add3A_231, %exp3A_243 : vector<16xf32>
        %add3A_245 = arith.addf %sub3A_239, %mul3A_244 : vector<16xf32>
        %sub3A_246 = arith.constant 1.000000e+00 : f32
        %sub3A_247 = vector.broadcast %sub3A_246 : f32 to vector<16xf32>
        %sub3A_248 = arith.subf %add3A_245, %sub3A_247 : vector<16xf32>
        %neg3A_249 = arith.constant 0.000000e+00 : f32
        %neg3A_250 = vector.broadcast %neg3A_249 : f32 to vector<16xf32>
        %neg3A_251 = arith.subf %neg3A_250, %sub3A_248 : vector<16xf32>
        %exp3A_252 = math.exp %neg3A_251 : vector<16xf32>
        %mul3A_253 = arith.mulf %add3A_231, %exp3A_252 : vector<16xf32>
        %add3A_254 = arith.addf %sub3A_248, %mul3A_253 : vector<16xf32>
        %sub3A_255 = arith.constant 1.000000e+00 : f32
        %sub3A_256 = vector.broadcast %sub3A_255 : f32 to vector<16xf32>
        %sub3A_257 = arith.subf %add3A_254, %sub3A_256 : vector<16xf32>
        %mul3A_258 = arith.mulf %mul3A_139, %sub3A_257 : vector<16xf32>
        %add3A_259 = arith.addf %mul3A_228, %mul3A_258 : vector<16xf32>
        %add3A_260 = arith.addf %add3A_198, %add3A_259 : vector<16xf32>
        %reduce_sum3A_261 = arith.constant true
        %reduce_sum3A_262 = vector.broadcast %reduce_sum3A_261 : i1 to vector<16xi1>
        %reduce_sum3A_263 = tpu.scan <sum>, %add3A_260 masked %reduce_sum3A_262 : vector<16xf32>, vector<16xi1> -> vector<16xf32>
        %reduce_sum3A_264 = vector.extract %reduce_sum3A_263[15] : f32 from vector<16xf32>
        %neg3A_265 = arith.constant 0.000000e+00 : f32
        %neg3A_266 = arith.subf %neg3A_265, %reduce_sum3A_264 : f32
        %sort3A = arith.constant dense<true> : vector<16xi1>
        %sort3A_267, %sort3A_268, %sort3A_269 = tpu.sort %mul3A_136, %mul3A_136 masked %sort3A : (vector<16xf32>, vector<16xf32>, vector<16xi1>) -> (vector<16xi1>, vector<16xf32>, vector<16xf32>)
        %masked_sort3A = arith.constant dense<true> : vector<16xi1>
        %masked_sort3A_270, %masked_sort3A_271, %masked_sort3A_272 = tpu.sort %mul3A_137, %mul3A_137 masked %masked_sort3A {descending = true} : (vector<16xf32>, vector<16xf32>, vector<16xi1>) -> (vector<16xi1>, vector<16xf32>, vector<16xf32>)
        %sort3A_273 = arith.constant dense<true> : vector<16xi1>
        %sort3A_274, %sort3A_275, %sort3A_276 = tpu.sort %mul3A_138, %mul3A_138 masked %sort3A_273 : (vector<16xf32>, vector<16xf32>, vector<16xi1>) -> (vector<16xi1>, vector<16xf32>, vector<16xf32>)
        %masked_sort3A_277 = arith.constant dense<true> : vector<16xi1>
        %masked_sort3A_278, %masked_sort3A_279, %masked_sort3A_280 = tpu.sort %mul3A_139, %mul3A_139 masked %masked_sort3A_277 {descending = true} : (vector<16xf32>, vector<16xf32>, vector<16xi1>) -> (vector<16xi1>, vector<16xf32>, vector<16xf32>)
        %min3A = arith.minimumf %sort3A_268, %masked_sort3A_271 : vector<16xf32>
        %sort3A_281 = arith.constant dense<true> : vector<16xi1>
        %sort3A_282, %sort3A_283, %sort3A_284 = tpu.sort %min3A, %min3A masked %sort3A_281 : (vector<16xf32>, vector<16xf32>, vector<16xi1>) -> (vector<16xi1>, vector<16xf32>, vector<16xf32>)
        %max3A_285 = arith.maximumf %sort3A_268, %masked_sort3A_271 : vector<16xf32>
        %sort3A_286 = arith.constant dense<true> : vector<16xi1>
        %sort3A_287, %sort3A_288, %sort3A_289 = tpu.sort %max3A_285, %max3A_285 masked %sort3A_286 : (vector<16xf32>, vector<16xf32>, vector<16xi1>) -> (vector<16xi1>, vector<16xf32>, vector<16xf32>)
        %max3A_290 = arith.maximumf %sort3A_275, %masked_sort3A_279 : vector<16xf32>
        %masked_sort3A_291 = arith.constant dense<true> : vector<16xi1>
        %masked_sort3A_292, %masked_sort3A_293, %masked_sort3A_294 = tpu.sort %max3A_290, %max3A_290 masked %masked_sort3A_291 {descending = true} : (vector<16xf32>, vector<16xf32>, vector<16xi1>) -> (vector<16xi1>, vector<16xf32>, vector<16xf32>)
        %min3A_295 = arith.minimumf %sort3A_275, %masked_sort3A_279 : vector<16xf32>
        %masked_sort3A_296 = arith.constant dense<true> : vector<16xi1>
        %masked_sort3A_297, %masked_sort3A_298, %masked_sort3A_299 = tpu.sort %min3A_295, %min3A_295 masked %masked_sort3A_296 {descending = true} : (vector<16xf32>, vector<16xf32>, vector<16xi1>) -> (vector<16xi1>, vector<16xf32>, vector<16xf32>)
        %min3A_300 = arith.minimumf %sort3A_283, %masked_sort3A_293 : vector<16xf32>
        %max3A_301 = arith.maximumf %sort3A_283, %masked_sort3A_293 : vector<16xf32>
        %min3A_302 = arith.minimumf %sort3A_288, %masked_sort3A_298 : vector<16xf32>
        %max3A_303 = arith.maximumf %sort3A_288, %masked_sort3A_298 : vector<16xf32>
        %min3A_304 = arith.minimumf %min3A_300, %min3A_302 : vector<16xf32>
        %sort3A_305 = arith.constant dense<true> : vector<16xi1>
        %sort3A_306, %sort3A_307, %sort3A_308 = tpu.sort %min3A_304, %min3A_304 masked %sort3A_305 : (vector<16xf32>, vector<16xf32>, vector<16xi1>) -> (vector<16xi1>, vector<16xf32>, vector<16xf32>)
        %max3A_309 = arith.maximumf %min3A_300, %min3A_302 : vector<16xf32>
        %sort3A_310 = arith.constant dense<true> : vector<16xi1>
        %sort3A_311, %sort3A_312, %sort3A_313 = tpu.sort %max3A_309, %max3A_309 masked %sort3A_310 : (vector<16xf32>, vector<16xf32>, vector<16xi1>) -> (vector<16xi1>, vector<16xf32>, vector<16xf32>)
        %min3A_314 = arith.minimumf %max3A_301, %max3A_303 : vector<16xf32>
        %sort3A_315 = arith.constant dense<true> : vector<16xi1>
        %sort3A_316, %sort3A_317, %sort3A_318 = tpu.sort %min3A_314, %min3A_314 masked %sort3A_315 : (vector<16xf32>, vector<16xf32>, vector<16xi1>) -> (vector<16xi1>, vector<16xf32>, vector<16xf32>)
        %max3A_319 = arith.maximumf %max3A_301, %max3A_303 : vector<16xf32>
        %sort3A_320 = arith.constant dense<true> : vector<16xi1>
        %sort3A_321, %sort3A_322, %sort3A_323 = tpu.sort %max3A_319, %max3A_319 masked %sort3A_320 : (vector<16xf32>, vector<16xf32>, vector<16xi1>) -> (vector<16xi1>, vector<16xf32>, vector<16xf32>)
        %broadcast_in_dim3A_324 = arith.constant 15 : i32
        %broadcast_in_dim3A_325 = vector.broadcast %broadcast_in_dim3A_324 : i32 to vector<16xi32>
        %broadcast_in_dim3A_326 = arith.constant true
        %broadcast_in_dim3A_327 = vector.broadcast %broadcast_in_dim3A_326 : i1 to vector<16xi1>
        %masked_cumsum3A = tpu.scan <sum>, %sort3A_307 masked %broadcast_in_dim3A_327 : vector<16xf32>, vector<16xi1> -> vector<16xf32>
        %broadcast_in_dim3A_328 = arith.constant true
        %broadcast_in_dim3A_329 = vector.broadcast %broadcast_in_dim3A_328 : i1 to vector<16xi1>
        %masked_cumsum3A_330 = tpu.scan <sum>, %sort3A_312 masked %broadcast_in_dim3A_329 : vector<16xf32>, vector<16xi1> -> vector<16xf32>
        %broadcast_in_dim3A_331 = arith.constant true
        %broadcast_in_dim3A_332 = vector.broadcast %broadcast_in_dim3A_331 : i1 to vector<16xi1>
        %masked_cumsum3A_333 = tpu.scan <sum>, %sort3A_317 masked %broadcast_in_dim3A_332 : vector<16xf32>, vector<16xi1> -> vector<16xf32>
        %broadcast_in_dim3A_334 = arith.constant true
        %broadcast_in_dim3A_335 = vector.broadcast %broadcast_in_dim3A_334 : i1 to vector<16xi1>
        %masked_cumsum3A_336 = tpu.scan <sum>, %sort3A_322 masked %broadcast_in_dim3A_335 : vector<16xf32>, vector<16xi1> -> vector<16xf32>
        %broadcast_in_dim3A_337 = vector.shape_cast %broadcast_in_dim3A_325 : vector<16xi32> to vector<16x1xi32>
        %gather3A = vector.shape_cast %broadcast_in_dim3A_337 : vector<16x1xi32> to vector<16xi32>
        %gather3A_338 = tpu.dynamic_gather %masked_cumsum3A[%gather3A] in [0] : vector<16xf32>, vector<16xi32> -> vector<16xf32>
        %broadcast_in_dim3A_339 = vector.shape_cast %broadcast_in_dim3A_325 : vector<16xi32> to vector<16x1xi32>
        %gather3A_340 = vector.shape_cast %broadcast_in_dim3A_339 : vector<16x1xi32> to vector<16xi32>
        %gather3A_341 = tpu.dynamic_gather %masked_cumsum3A_330[%gather3A_340] in [0] : vector<16xf32>, vector<16xi32> -> vector<16xf32>
        %broadcast_in_dim3A_342 = vector.shape_cast %broadcast_in_dim3A_325 : vector<16xi32> to vector<16x1xi32>
        %gather3A_343 = vector.shape_cast %broadcast_in_dim3A_342 : vector<16x1xi32> to vector<16xi32>
        %gather3A_344 = tpu.dynamic_gather %masked_cumsum3A_333[%gather3A_343] in [0] : vector<16xf32>, vector<16xi32> -> vector<16xf32>
        %add3A_345 = arith.addf %gather3A_338, %gather3A_341 : vector<16xf32>
        %add3A_346 = arith.addf %masked_cumsum3A_330, %gather3A_338 : vector<16xf32>
        %add3A_347 = arith.addf %masked_cumsum3A_333, %add3A_345 : vector<16xf32>
        %add3A_348 = arith.addf %add3A_345, %gather3A_344 : vector<16xf32>
        %add3A_349 = arith.addf %masked_cumsum3A_336, %add3A_348 : vector<16xf32>
        %sub3A_350 = arith.constant 1.000000e+00 : f32
        %sub3A_351 = vector.broadcast %sub3A_350 : f32 to vector<16xf32>
        %sub3A_352 = arith.subf %sub3A_351, %masked_cumsum3A : vector<16xf32>
        %add3A_353 = arith.addf %sort3A_307, %sub3A_352 : vector<16xf32>
        %sub3A_354 = arith.constant 1.000000e+00 : f32
        %sub3A_355 = vector.broadcast %sub3A_354 : f32 to vector<16xf32>
        %sub3A_356 = arith.subf %sub3A_355, %add3A_346 : vector<16xf32>
        %add3A_357 = arith.addf %sort3A_312, %sub3A_356 : vector<16xf32>
        %sub3A_358 = arith.constant 1.000000e+00 : f32
        %sub3A_359 = vector.broadcast %sub3A_358 : f32 to vector<16xf32>
        %sub3A_360 = arith.subf %sub3A_359, %add3A_347 : vector<16xf32>
        %add3A_361 = arith.addf %sort3A_317, %sub3A_360 : vector<16xf32>
        %sub3A_362 = arith.constant 1.000000e+00 : f32
        %sub3A_363 = vector.broadcast %sub3A_362 : f32 to vector<16xf32>
        %sub3A_364 = arith.subf %sub3A_363, %add3A_349 : vector<16xf32>
        %add3A_365 = arith.addf %sort3A_322, %sub3A_364 : vector<16xf32>
        %le3A = arith.constant 7.500000e-01 : f32
        %le3A_366 = vector.broadcast %le3A : f32 to vector<16xf32>
        %le3A_367 = arith.cmpf ole, %add3A_353, %le3A_366 : vector<16xf32>
        %all_reduce_population_count3A = tpu.all_reduce %le3A_367 {dim = 0 : i64, kind = #tpu.reduction_kind<sum>} : vector<16xi1> -> vector<16xi32>
        %le3A_368 = arith.constant 7.500000e-01 : f32
        %le3A_369 = vector.broadcast %le3A_368 : f32 to vector<16xf32>
        %le3A_370 = arith.cmpf ole, %add3A_357, %le3A_369 : vector<16xf32>
        %all_reduce_population_count3A_371 = tpu.all_reduce %le3A_370 {dim = 0 : i64, kind = #tpu.reduction_kind<sum>} : vector<16xi1> -> vector<16xi32>
        %add3A_372 = arith.addi %all_reduce_population_count3A, %all_reduce_population_count3A_371 : vector<16xi32>
        %le3A_373 = arith.constant 7.500000e-01 : f32
        %le3A_374 = vector.broadcast %le3A_373 : f32 to vector<16xf32>
        %le3A_375 = arith.cmpf ole, %add3A_361, %le3A_374 : vector<16xf32>
        %all_reduce_population_count3A_376 = tpu.all_reduce %le3A_375 {dim = 0 : i64, kind = #tpu.reduction_kind<sum>} : vector<16xi1> -> vector<16xi32>
        %le3A_377 = arith.constant 7.500000e-01 : f32
        %le3A_378 = vector.broadcast %le3A_377 : f32 to vector<16xf32>
        %le3A_379 = arith.cmpf ole, %add3A_365, %le3A_378 : vector<16xf32>
        %all_reduce_population_count3A_380 = tpu.all_reduce %le3A_379 {dim = 0 : i64, kind = #tpu.reduction_kind<sum>} : vector<16xi1> -> vector<16xi32>
        %add3A_381 = arith.addi %all_reduce_population_count3A_376, %all_reduce_population_count3A_380 : vector<16xi32>
        %add3A_382 = arith.addi %add3A_372, %add3A_381 : vector<16xi32>
        %max3A_383 = arith.constant 2 : i32
        %max3A_384 = vector.broadcast %max3A_383 : i32 to vector<16xi32>
        %max3A_385 = arith.maxsi %add3A_382, %max3A_384 : vector<16xi32>
        %sub3A_386 = arith.constant 64 : i32
        %sub3A_387 = vector.broadcast %sub3A_386 : i32 to vector<16xi32>
        %sub3A_388 = arith.subi %sub3A_387, %max3A_385 : vector<16xi32>
        %jit3A = arith.constant 0 : i32
        %jit3A_389 = arith.constant 15 : i32
        %max3A_390 = vector.broadcast %jit3A : i32 to vector<16xi32>
        %max3A_391 = arith.maxsi %max3A_390, %sub3A_388 : vector<16xi32>
        %min3A_392 = vector.broadcast %jit3A_389 : i32 to vector<16xi32>
        %min3A_393 = arith.minsi %min3A_392, %max3A_391 : vector<16xi32>
        %broadcast_in_dim3A_394 = vector.shape_cast %min3A_393 : vector<16xi32> to vector<16x1xi32>
        %gather3A_395 = vector.shape_cast %broadcast_in_dim3A_394 : vector<16x1xi32> to vector<16xi32>
        %gather3A_396 = tpu.dynamic_gather %sort3A_307[%gather3A_395] in [0] : vector<16xf32>, vector<16xi32> -> vector<16xf32>
        %sub3A_397 = arith.constant 16 : i32
        %sub3A_398 = vector.broadcast %sub3A_397 : i32 to vector<16xi32>
        %sub3A_399 = arith.subi %sub3A_388, %sub3A_398 : vector<16xi32>
        %jit3A_400 = arith.constant 0 : i32
        %jit3A_401 = arith.constant 15 : i32
        %max3A_402 = vector.broadcast %jit3A_400 : i32 to vector<16xi32>
        %max3A_403 = arith.maxsi %max3A_402, %sub3A_399 : vector<16xi32>
        %min3A_404 = vector.broadcast %jit3A_401 : i32 to vector<16xi32>
        %min3A_405 = arith.minsi %min3A_404, %max3A_403 : vector<16xi32>
        %broadcast_in_dim3A_406 = vector.shape_cast %min3A_405 : vector<16xi32> to vector<16x1xi32>
        %gather3A_407 = vector.shape_cast %broadcast_in_dim3A_406 : vector<16x1xi32> to vector<16xi32>
        %gather3A_408 = tpu.dynamic_gather %sort3A_312[%gather3A_407] in [0] : vector<16xf32>, vector<16xi32> -> vector<16xf32>
        %sub3A_409 = arith.constant 32 : i32
        %sub3A_410 = vector.broadcast %sub3A_409 : i32 to vector<16xi32>
        %sub3A_411 = arith.subi %sub3A_388, %sub3A_410 : vector<16xi32>
        %jit3A_412 = arith.constant 0 : i32
        %jit3A_413 = arith.constant 15 : i32
        %max3A_414 = vector.broadcast %jit3A_412 : i32 to vector<16xi32>
        %max3A_415 = arith.maxsi %max3A_414, %sub3A_411 : vector<16xi32>
        %min3A_416 = vector.broadcast %jit3A_413 : i32 to vector<16xi32>
        %min3A_417 = arith.minsi %min3A_416, %max3A_415 : vector<16xi32>
        %broadcast_in_dim3A_418 = vector.shape_cast %min3A_417 : vector<16xi32> to vector<16x1xi32>
        %gather3A_419 = vector.shape_cast %broadcast_in_dim3A_418 : vector<16x1xi32> to vector<16xi32>
        %gather3A_420 = tpu.dynamic_gather %sort3A_317[%gather3A_419] in [0] : vector<16xf32>, vector<16xi32> -> vector<16xf32>
        %sub3A_421 = arith.constant 48 : i32
        %sub3A_422 = vector.broadcast %sub3A_421 : i32 to vector<16xi32>
        %sub3A_423 = arith.subi %sub3A_388, %sub3A_422 : vector<16xi32>
        %jit3A_424 = arith.constant 0 : i32
        %jit3A_425 = arith.constant 15 : i32
        %max3A_426 = vector.broadcast %jit3A_424 : i32 to vector<16xi32>
        %max3A_427 = arith.maxsi %max3A_426, %sub3A_423 : vector<16xi32>
        %min3A_428 = vector.broadcast %jit3A_425 : i32 to vector<16xi32>
        %min3A_429 = arith.minsi %min3A_428, %max3A_427 : vector<16xi32>
        %broadcast_in_dim3A_430 = vector.shape_cast %min3A_429 : vector<16xi32> to vector<16x1xi32>
        %gather3A_431 = vector.shape_cast %broadcast_in_dim3A_430 : vector<16x1xi32> to vector<16xi32>
        %gather3A_432 = tpu.dynamic_gather %sort3A_322[%gather3A_431] in [0] : vector<16xf32>, vector<16xi32> -> vector<16xf32>
        %shift_right_arithmetic3A = arith.constant 4 : i32
        %shift_right_arithmetic3A_433 = vector.broadcast %shift_right_arithmetic3A : i32 to vector<16xi32>
        %shift_right_arithmetic3A_434 = arith.shrsi %sub3A_388, %shift_right_arithmetic3A_433 : vector<16xi32>
        %eq3A = arith.constant 0 : i32
        %eq3A_435 = vector.broadcast %eq3A : i32 to vector<16xi32>
        %eq3A_436 = arith.cmpi eq, %shift_right_arithmetic3A_434, %eq3A_435 : vector<16xi32>
        %eq3A_437 = arith.constant 1 : i32
        %eq3A_438 = vector.broadcast %eq3A_437 : i32 to vector<16xi32>
        %eq3A_439 = arith.cmpi eq, %shift_right_arithmetic3A_434, %eq3A_438 : vector<16xi32>
        %eq3A_440 = arith.constant 2 : i32
        %eq3A_441 = vector.broadcast %eq3A_440 : i32 to vector<16xi32>
        %eq3A_442 = arith.cmpi eq, %shift_right_arithmetic3A_434, %eq3A_441 : vector<16xi32>
        %select_n3A = arith.select %eq3A_442, %gather3A_420, %gather3A_432 : vector<16xi1>, vector<16xf32>
        %select_n3A_443 = arith.select %eq3A_439, %gather3A_408, %select_n3A : vector<16xi1>, vector<16xf32>
        %select_n3A_444 = arith.select %eq3A_436, %gather3A_396, %select_n3A_443 : vector<16xi1>, vector<16xf32>
        %ge3A = arith.constant 3.800000e+00 : f32
        %ge3A_445 = arith.cmpf oge, %neg3A_266, %ge3A : f32
        %ge3A_446 = arith.cmpf oge, %mul3A_136, %select_n3A_444 : vector<16xf32>
        %or3A = vector.broadcast %ge3A_445 : i1 to vector<16xi1>
        %or3A_447 = arith.ori %ge3A_446, %or3A : vector<16xi1>
        %ge3A_448 = arith.cmpf oge, %mul3A_137, %select_n3A_444 : vector<16xf32>
        %or3A_449 = vector.broadcast %ge3A_445 : i1 to vector<16xi1>
        %or3A_450 = arith.ori %ge3A_448, %or3A_449 : vector<16xi1>
        %ge3A_451 = arith.cmpf oge, %mul3A_138, %select_n3A_444 : vector<16xf32>
        %or3A_452 = vector.broadcast %ge3A_445 : i1 to vector<16xi1>
        %or3A_453 = arith.ori %ge3A_451, %or3A_452 : vector<16xi1>
        %ge3A_454 = arith.cmpf oge, %mul3A_139, %select_n3A_444 : vector<16xf32>
        %or3A_455 = vector.broadcast %ge3A_445 : i1 to vector<16xi1>
        %or3A_456 = arith.ori %ge3A_454, %or3A_455 : vector<16xi1>
        %jit3A_457 = arith.constant 0.000000e+00 : f32
        %broadcast_in_dim3A_458 = vector.broadcast %jit3A_457 : f32 to vector<16xf32>
        %select_n3A_459 = arith.select %or3A_447, %mul3A_136, %broadcast_in_dim3A_458 : vector<16xi1>, vector<16xf32>
        %jit3A_460 = arith.constant 0.000000e+00 : f32
        %broadcast_in_dim3A_461 = vector.broadcast %jit3A_460 : f32 to vector<16xf32>
        %select_n3A_462 = arith.select %or3A_450, %mul3A_137, %broadcast_in_dim3A_461 : vector<16xi1>, vector<16xf32>
        %jit3A_463 = arith.constant 0.000000e+00 : f32
        %broadcast_in_dim3A_464 = vector.broadcast %jit3A_463 : f32 to vector<16xf32>
        %select_n3A_465 = arith.select %or3A_453, %mul3A_138, %broadcast_in_dim3A_464 : vector<16xi1>, vector<16xf32>
        %jit3A_466 = arith.constant 0.000000e+00 : f32
        %broadcast_in_dim3A_467 = vector.broadcast %jit3A_466 : f32 to vector<16xf32>
        %select_n3A_468 = arith.select %or3A_456, %mul3A_139, %broadcast_in_dim3A_467 : vector<16xi1>, vector<16xf32>
        %mul3A_469 = arith.constant 128 : i32
        %mul3A_470 = arith.muli %scan3A_84, %mul3A_469 : i32
        %add3A_471 = arith.constant 64 : i32
        %add3A_472 = arith.addi %mul3A_470, %add3A_471 : i32
        %get3A_473 = arith.index_cast %add3A_472 : i32 to index
        %get3A_474 = tpu.vector_load %arg5[%get3A_473] {strides = array<i32>} : memref<32768xf32, #tpu.memory_space<vmem>>, vector<16xf32>,
        %add3A_475 = arith.constant 16 : i32
        %add3A_476 = arith.addi %add3A_472, %add3A_475 : i32
        %get3A_477 = arith.index_cast %add3A_476 : i32 to index
        %get3A_478 = tpu.vector_load %arg5[%get3A_477] {strides = array<i32>} : memref<32768xf32, #tpu.memory_space<vmem>>, vector<16xf32>,
        %add3A_479 = arith.constant 32 : i32
        %add3A_480 = arith.addi %add3A_472, %add3A_479 : i32
        %get3A_481 = arith.index_cast %add3A_480 : i32 to index
        %get3A_482 = tpu.vector_load %arg5[%get3A_481] {strides = array<i32>} : memref<32768xf32, #tpu.memory_space<vmem>>, vector<16xf32>,
        %add3A_483 = arith.constant 48 : i32
        %add3A_484 = arith.addi %add3A_472, %add3A_483 : i32
        %get3A_485 = arith.index_cast %add3A_484 : i32 to index
        %get3A_486 = tpu.vector_load %arg5[%get3A_485] {strides = array<i32>} : memref<32768xf32, #tpu.memory_space<vmem>>, vector<16xf32>,
        %max3A_487 = arith.maximumf %get3A_474, %get3A_478 : vector<16xf32>
        %max3A_488 = arith.maximumf %get3A_482, %get3A_486 : vector<16xf32>
        %max3A_489 = arith.maximumf %max3A_487, %max3A_488 : vector<16xf32>
        %reduce_max3A_490 = arith.constant true
        %reduce_max3A_491 = vector.broadcast %reduce_max3A_490 : i1 to vector<16xi1>
        %reduce_max3A_492 = tpu.scan <max>, %max3A_489 masked %reduce_max3A_491 : vector<16xf32>, vector<16xi1> -> vector<16xf32>
        %reduce_max3A_493 = vector.extract %reduce_max3A_492[15] : f32 from vector<16xf32>
        %sub3A_494 = vector.broadcast %reduce_max3A_493 : f32 to vector<16xf32>
        %sub3A_495 = arith.subf %get3A_474, %sub3A_494 : vector<16xf32>
        %exp3A_496 = math.exp %sub3A_495 : vector<16xf32>
        %sub3A_497 = vector.broadcast %reduce_max3A_493 : f32 to vector<16xf32>
        %sub3A_498 = arith.subf %get3A_478, %sub3A_497 : vector<16xf32>
        %exp3A_499 = math.exp %sub3A_498 : vector<16xf32>
        %sub3A_500 = vector.broadcast %reduce_max3A_493 : f32 to vector<16xf32>
        %sub3A_501 = arith.subf %get3A_482, %sub3A_500 : vector<16xf32>
        %exp3A_502 = math.exp %sub3A_501 : vector<16xf32>
        %sub3A_503 = vector.broadcast %reduce_max3A_493 : f32 to vector<16xf32>
        %sub3A_504 = arith.subf %get3A_486, %sub3A_503 : vector<16xf32>
        %exp3A_505 = math.exp %sub3A_504 : vector<16xf32>
        %add3A_506 = arith.addf %exp3A_496, %exp3A_499 : vector<16xf32>
        %add3A_507 = arith.addf %exp3A_502, %exp3A_505 : vector<16xf32>
        %add3A_508 = arith.addf %add3A_506, %add3A_507 : vector<16xf32>
        %reduce_sum3A_509 = arith.constant true
        %reduce_sum3A_510 = vector.broadcast %reduce_sum3A_509 : i1 to vector<16xi1>
        %reduce_sum3A_511 = tpu.scan <sum>, %add3A_508 masked %reduce_sum3A_510 : vector<16xf32>, vector<16xi1> -> vector<16xf32>
        %reduce_sum3A_512 = vector.extract %reduce_sum3A_511[15] : f32 from vector<16xf32>
        %broadcast_in_dim3A_513 = arith.constant 0.000000e+00 : f32
        %broadcast_in_dim3A_514 = vector.broadcast %broadcast_in_dim3A_513 : f32 to vector<16xf32>
        %add3A_515 = vector.broadcast %reduce_sum3A_512 : f32 to vector<16xf32>
        %add3A_516 = arith.addf %broadcast_in_dim3A_514, %add3A_515 : vector<16xf32>
        %div3A_517 = arith.constant 1.000000e+00 : f32
        %div3A_518 = vector.broadcast %div3A_517 : f32 to vector<16xf32>
        %div3A_519 = arith.divf %div3A_518, %add3A_516 : vector<16xf32>
        %mul3A_520 = arith.mulf %exp3A_496, %div3A_519 : vector<16xf32>
        %mul3A_521 = arith.mulf %exp3A_499, %div3A_519 : vector<16xf32>
        %mul3A_522 = arith.mulf %exp3A_502, %div3A_519 : vector<16xf32>
        %mul3A_523 = arith.mulf %exp3A_505, %div3A_519 : vector<16xf32>
        %add3A_524 = arith.constant 9.99999974E-6 : f32
        %add3A_525 = vector.broadcast %add3A_524 : f32 to vector<16xf32>
        %add3A_526 = arith.addf %mul3A_520, %add3A_525 : vector<16xf32>
        %bitcast3A_527 = vector.bitcast %add3A_526 : vector<16xf32> to vector<16xi32>
        %convert_element_type3A_528 = arith.sitofp %bitcast3A_527 : vector<16xi32> to vector<16xf32>
        %mul3A_529 = arith.constant 8.26295832E-8 : f32
        %mul3A_530 = vector.broadcast %mul3A_529 : f32 to vector<16xf32>
        %mul3A_531 = arith.mulf %convert_element_type3A_528, %mul3A_530 : vector<16xf32>
        %sub3A_532 = arith.constant 88.060913 : f32
        %sub3A_533 = vector.broadcast %sub3A_532 : f32 to vector<16xf32>
        %sub3A_534 = arith.subf %mul3A_531, %sub3A_533 : vector<16xf32>
        %neg3A_535 = arith.constant 0.000000e+00 : f32
        %neg3A_536 = vector.broadcast %neg3A_535 : f32 to vector<16xf32>
        %neg3A_537 = arith.subf %neg3A_536, %sub3A_534 : vector<16xf32>
        %exp3A_538 = math.exp %neg3A_537 : vector<16xf32>
        %mul3A_539 = arith.mulf %add3A_526, %exp3A_538 : vector<16xf32>
        %add3A_540 = arith.addf %sub3A_534, %mul3A_539 : vector<16xf32>
        %sub3A_541 = arith.constant 1.000000e+00 : f32
        %sub3A_542 = vector.broadcast %sub3A_541 : f32 to vector<16xf32>
        %sub3A_543 = arith.subf %add3A_540, %sub3A_542 : vector<16xf32>
        %neg3A_544 = arith.constant 0.000000e+00 : f32
        %neg3A_545 = vector.broadcast %neg3A_544 : f32 to vector<16xf32>
        %neg3A_546 = arith.subf %neg3A_545, %sub3A_543 : vector<16xf32>
        %exp3A_547 = math.exp %neg3A_546 : vector<16xf32>
        %mul3A_548 = arith.mulf %add3A_526, %exp3A_547 : vector<16xf32>
        %add3A_549 = arith.addf %sub3A_543, %mul3A_548 : vector<16xf32>
        %sub3A_550 = arith.constant 1.000000e+00 : f32
        %sub3A_551 = vector.broadcast %sub3A_550 : f32 to vector<16xf32>
        %sub3A_552 = arith.subf %add3A_549, %sub3A_551 : vector<16xf32>
        %mul3A_553 = arith.mulf %mul3A_520, %sub3A_552 : vector<16xf32>
        %add3A_554 = arith.constant 9.99999974E-6 : f32
        %add3A_555 = vector.broadcast %add3A_554 : f32 to vector<16xf32>
        %add3A_556 = arith.addf %mul3A_521, %add3A_555 : vector<16xf32>
        %bitcast3A_557 = vector.bitcast %add3A_556 : vector<16xf32> to vector<16xi32>
        %convert_element_type3A_558 = arith.sitofp %bitcast3A_557 : vector<16xi32> to vector<16xf32>
        %mul3A_559 = arith.constant 8.26295832E-8 : f32
        %mul3A_560 = vector.broadcast %mul3A_559 : f32 to vector<16xf32>
        %mul3A_561 = arith.mulf %convert_element_type3A_558, %mul3A_560 : vector<16xf32>
        %sub3A_562 = arith.constant 88.060913 : f32
        %sub3A_563 = vector.broadcast %sub3A_562 : f32 to vector<16xf32>
        %sub3A_564 = arith.subf %mul3A_561, %sub3A_563 : vector<16xf32>
        %neg3A_565 = arith.constant 0.000000e+00 : f32
        %neg3A_566 = vector.broadcast %neg3A_565 : f32 to vector<16xf32>
        %neg3A_567 = arith.subf %neg3A_566, %sub3A_564 : vector<16xf32>
        %exp3A_568 = math.exp %neg3A_567 : vector<16xf32>
        %mul3A_569 = arith.mulf %add3A_556, %exp3A_568 : vector<16xf32>
        %add3A_570 = arith.addf %sub3A_564, %mul3A_569 : vector<16xf32>
        %sub3A_571 = arith.constant 1.000000e+00 : f32
        %sub3A_572 = vector.broadcast %sub3A_571 : f32 to vector<16xf32>
        %sub3A_573 = arith.subf %add3A_570, %sub3A_572 : vector<16xf32>
        %neg3A_574 = arith.constant 0.000000e+00 : f32
        %neg3A_575 = vector.broadcast %neg3A_574 : f32 to vector<16xf32>
        %neg3A_576 = arith.subf %neg3A_575, %sub3A_573 : vector<16xf32>
        %exp3A_577 = math.exp %neg3A_576 : vector<16xf32>
        %mul3A_578 = arith.mulf %add3A_556, %exp3A_577 : vector<16xf32>
        %add3A_579 = arith.addf %sub3A_573, %mul3A_578 : vector<16xf32>
        %sub3A_580 = arith.constant 1.000000e+00 : f32
        %sub3A_581 = vector.broadcast %sub3A_580 : f32 to vector<16xf32>
        %sub3A_582 = arith.subf %add3A_579, %sub3A_581 : vector<16xf32>
        %mul3A_583 = arith.mulf %mul3A_521, %sub3A_582 : vector<16xf32>
        %add3A_584 = arith.addf %mul3A_553, %mul3A_583 : vector<16xf32>
        %add3A_585 = arith.constant 9.99999974E-6 : f32
        %add3A_586 = vector.broadcast %add3A_585 : f32 to vector<16xf32>
        %add3A_587 = arith.addf %mul3A_522, %add3A_586 : vector<16xf32>
        %bitcast3A_588 = vector.bitcast %add3A_587 : vector<16xf32> to vector<16xi32>
        %convert_element_type3A_589 = arith.sitofp %bitcast3A_588 : vector<16xi32> to vector<16xf32>
        %mul3A_590 = arith.constant 8.26295832E-8 : f32
        %mul3A_591 = vector.broadcast %mul3A_590 : f32 to vector<16xf32>
        %mul3A_592 = arith.mulf %convert_element_type3A_589, %mul3A_591 : vector<16xf32>
        %sub3A_593 = arith.constant 88.060913 : f32
        %sub3A_594 = vector.broadcast %sub3A_593 : f32 to vector<16xf32>
        %sub3A_595 = arith.subf %mul3A_592, %sub3A_594 : vector<16xf32>
        %neg3A_596 = arith.constant 0.000000e+00 : f32
        %neg3A_597 = vector.broadcast %neg3A_596 : f32 to vector<16xf32>
        %neg3A_598 = arith.subf %neg3A_597, %sub3A_595 : vector<16xf32>
        %exp3A_599 = math.exp %neg3A_598 : vector<16xf32>
        %mul3A_600 = arith.mulf %add3A_587, %exp3A_599 : vector<16xf32>
        %add3A_601 = arith.addf %sub3A_595, %mul3A_600 : vector<16xf32>
        %sub3A_602 = arith.constant 1.000000e+00 : f32
        %sub3A_603 = vector.broadcast %sub3A_602 : f32 to vector<16xf32>
        %sub3A_604 = arith.subf %add3A_601, %sub3A_603 : vector<16xf32>
        %neg3A_605 = arith.constant 0.000000e+00 : f32
        %neg3A_606 = vector.broadcast %neg3A_605 : f32 to vector<16xf32>
        %neg3A_607 = arith.subf %neg3A_606, %sub3A_604 : vector<16xf32>
        %exp3A_608 = math.exp %neg3A_607 : vector<16xf32>
        %mul3A_609 = arith.mulf %add3A_587, %exp3A_608 : vector<16xf32>
        %add3A_610 = arith.addf %sub3A_604, %mul3A_609 : vector<16xf32>
        %sub3A_611 = arith.constant 1.000000e+00 : f32
        %sub3A_612 = vector.broadcast %sub3A_611 : f32 to vector<16xf32>
        %sub3A_613 = arith.subf %add3A_610, %sub3A_612 : vector<16xf32>
        %mul3A_614 = arith.mulf %mul3A_522, %sub3A_613 : vector<16xf32>
        %add3A_615 = arith.constant 9.99999974E-6 : f32
        %add3A_616 = vector.broadcast %add3A_615 : f32 to vector<16xf32>
        %add3A_617 = arith.addf %mul3A_523, %add3A_616 : vector<16xf32>
        %bitcast3A_618 = vector.bitcast %add3A_617 : vector<16xf32> to vector<16xi32>
        %convert_element_type3A_619 = arith.sitofp %bitcast3A_618 : vector<16xi32> to vector<16xf32>
        %mul3A_620 = arith.constant 8.26295832E-8 : f32
        %mul3A_621 = vector.broadcast %mul3A_620 : f32 to vector<16xf32>
        %mul3A_622 = arith.mulf %convert_element_type3A_619, %mul3A_621 : vector<16xf32>
        %sub3A_623 = arith.constant 88.060913 : f32
        %sub3A_624 = vector.broadcast %sub3A_623 : f32 to vector<16xf32>
        %sub3A_625 = arith.subf %mul3A_622, %sub3A_624 : vector<16xf32>
        %neg3A_626 = arith.constant 0.000000e+00 : f32
        %neg3A_627 = vector.broadcast %neg3A_626 : f32 to vector<16xf32>
        %neg3A_628 = arith.subf %neg3A_627, %sub3A_625 : vector<16xf32>
        %exp3A_629 = math.exp %neg3A_628 : vector<16xf32>
        %mul3A_630 = arith.mulf %add3A_617, %exp3A_629 : vector<16xf32>
        %add3A_631 = arith.addf %sub3A_625, %mul3A_630 : vector<16xf32>
        %sub3A_632 = arith.constant 1.000000e+00 : f32
        %sub3A_633 = vector.broadcast %sub3A_632 : f32 to vector<16xf32>
        %sub3A_634 = arith.subf %add3A_631, %sub3A_633 : vector<16xf32>
        %neg3A_635 = arith.constant 0.000000e+00 : f32
        %neg3A_636 = vector.broadcast %neg3A_635 : f32 to vector<16xf32>
        %neg3A_637 = arith.subf %neg3A_636, %sub3A_634 : vector<16xf32>
        %exp3A_638 = math.exp %neg3A_637 : vector<16xf32>
        %mul3A_639 = arith.mulf %add3A_617, %exp3A_638 : vector<16xf32>
        %add3A_640 = arith.addf %sub3A_634, %mul3A_639 : vector<16xf32>
        %sub3A_641 = arith.constant 1.000000e+00 : f32
        %sub3A_642 = vector.broadcast %sub3A_641 : f32 to vector<16xf32>
        %sub3A_643 = arith.subf %add3A_640, %sub3A_642 : vector<16xf32>
        %mul3A_644 = arith.mulf %mul3A_523, %sub3A_643 : vector<16xf32>
        %add3A_645 = arith.addf %mul3A_614, %mul3A_644 : vector<16xf32>
        %add3A_646 = arith.addf %add3A_584, %add3A_645 : vector<16xf32>
        %reduce_sum3A_647 = arith.constant true
        %reduce_sum3A_648 = vector.broadcast %reduce_sum3A_647 : i1 to vector<16xi1>
        %reduce_sum3A_649 = tpu.scan <sum>, %add3A_646 masked %reduce_sum3A_648 : vector<16xf32>, vector<16xi1> -> vector<16xf32>
        %reduce_sum3A_650 = vector.extract %reduce_sum3A_649[15] : f32 from vector<16xf32>
        %neg3A_651 = arith.constant 0.000000e+00 : f32
        %neg3A_652 = arith.subf %neg3A_651, %reduce_sum3A_650 : f32
        %sort3A_653 = arith.constant dense<true> : vector<16xi1>
        %sort3A_654, %sort3A_655, %sort3A_656 = tpu.sort %mul3A_520, %mul3A_520 masked %sort3A_653 : (vector<16xf32>, vector<16xf32>, vector<16xi1>) -> (vector<16xi1>, vector<16xf32>, vector<16xf32>)
        %masked_sort3A_657 = arith.constant dense<true> : vector<16xi1>
        %masked_sort3A_658, %masked_sort3A_659, %masked_sort3A_660 = tpu.sort %mul3A_521, %mul3A_521 masked %masked_sort3A_657 {descending = true} : (vector<16xf32>, vector<16xf32>, vector<16xi1>) -> (vector<16xi1>, vector<16xf32>, vector<16xf32>)
        %sort3A_661 = arith.constant dense<true> : vector<16xi1>
        %sort3A_662, %sort3A_663, %sort3A_664 = tpu.sort %mul3A_522, %mul3A_522 masked %sort3A_661 : (vector<16xf32>, vector<16xf32>, vector<16xi1>) -> (vector<16xi1>, vector<16xf32>, vector<16xf32>)
        %masked_sort3A_665 = arith.constant dense<true> : vector<16xi1>
        %masked_sort3A_666, %masked_sort3A_667, %masked_sort3A_668 = tpu.sort %mul3A_523, %mul3A_523 masked %masked_sort3A_665 {descending = true} : (vector<16xf32>, vector<16xf32>, vector<16xi1>) -> (vector<16xi1>, vector<16xf32>, vector<16xf32>)
        %min3A_669 = arith.minimumf %sort3A_655, %masked_sort3A_659 : vector<16xf32>
        %sort3A_670 = arith.constant dense<true> : vector<16xi1>
        %sort3A_671, %sort3A_672, %sort3A_673 = tpu.sort %min3A_669, %min3A_669 masked %sort3A_670 : (vector<16xf32>, vector<16xf32>, vector<16xi1>) -> (vector<16xi1>, vector<16xf32>, vector<16xf32>)
        %max3A_674 = arith.maximumf %sort3A_655, %masked_sort3A_659 : vector<16xf32>
        %sort3A_675 = arith.constant dense<true> : vector<16xi1>
        %sort3A_676, %sort3A_677, %sort3A_678 = tpu.sort %max3A_674, %max3A_674 masked %sort3A_675 : (vector<16xf32>, vector<16xf32>, vector<16xi1>) -> (vector<16xi1>, vector<16xf32>, vector<16xf32>)
        %max3A_679 = arith.maximumf %sort3A_663, %masked_sort3A_667 : vector<16xf32>
        %masked_sort3A_680 = arith.constant dense<true> : vector<16xi1>
        %masked_sort3A_681, %masked_sort3A_682, %masked_sort3A_683 = tpu.sort %max3A_679, %max3A_679 masked %masked_sort3A_680 {descending = true} : (vector<16xf32>, vector<16xf32>, vector<16xi1>) -> (vector<16xi1>, vector<16xf32>, vector<16xf32>)
        %min3A_684 = arith.minimumf %sort3A_663, %masked_sort3A_667 : vector<16xf32>
        %masked_sort3A_685 = arith.constant dense<true> : vector<16xi1>
        %masked_sort3A_686, %masked_sort3A_687, %masked_sort3A_688 = tpu.sort %min3A_684, %min3A_684 masked %masked_sort3A_685 {descending = true} : (vector<16xf32>, vector<16xf32>, vector<16xi1>) -> (vector<16xi1>, vector<16xf32>, vector<16xf32>)
        %min3A_689 = arith.minimumf %sort3A_672, %masked_sort3A_682 : vector<16xf32>
        %max3A_690 = arith.maximumf %sort3A_672, %masked_sort3A_682 : vector<16xf32>
        %min3A_691 = arith.minimumf %sort3A_677, %masked_sort3A_687 : vector<16xf32>
        %max3A_692 = arith.maximumf %sort3A_677, %masked_sort3A_687 : vector<16xf32>
        %min3A_693 = arith.minimumf %min3A_689, %min3A_691 : vector<16xf32>
        %sort3A_694 = arith.constant dense<true> : vector<16xi1>
        %sort3A_695, %sort3A_696, %sort3A_697 = tpu.sort %min3A_693, %min3A_693 masked %sort3A_694 : (vector<16xf32>, vector<16xf32>, vector<16xi1>) -> (vector<16xi1>, vector<16xf32>, vector<16xf32>)
        %max3A_698 = arith.maximumf %min3A_689, %min3A_691 : vector<16xf32>
        %sort3A_699 = arith.constant dense<true> : vector<16xi1>
        %sort3A_700, %sort3A_701, %sort3A_702 = tpu.sort %max3A_698, %max3A_698 masked %sort3A_699 : (vector<16xf32>, vector<16xf32>, vector<16xi1>) -> (vector<16xi1>, vector<16xf32>, vector<16xf32>)
        %min3A_703 = arith.minimumf %max3A_690, %max3A_692 : vector<16xf32>
        %sort3A_704 = arith.constant dense<true> : vector<16xi1>
        %sort3A_705, %sort3A_706, %sort3A_707 = tpu.sort %min3A_703, %min3A_703 masked %sort3A_704 : (vector<16xf32>, vector<16xf32>, vector<16xi1>) -> (vector<16xi1>, vector<16xf32>, vector<16xf32>)
        %max3A_708 = arith.maximumf %max3A_690, %max3A_692 : vector<16xf32>
        %sort3A_709 = arith.constant dense<true> : vector<16xi1>
        %sort3A_710, %sort3A_711, %sort3A_712 = tpu.sort %max3A_708, %max3A_708 masked %sort3A_709 : (vector<16xf32>, vector<16xf32>, vector<16xi1>) -> (vector<16xi1>, vector<16xf32>, vector<16xf32>)
        %broadcast_in_dim3A_713 = arith.constant 15 : i32
        %broadcast_in_dim3A_714 = vector.broadcast %broadcast_in_dim3A_713 : i32 to vector<16xi32>
        %broadcast_in_dim3A_715 = arith.constant true
        %broadcast_in_dim3A_716 = vector.broadcast %broadcast_in_dim3A_715 : i1 to vector<16xi1>
        %masked_cumsum3A_717 = tpu.scan <sum>, %sort3A_696 masked %broadcast_in_dim3A_716 : vector<16xf32>, vector<16xi1> -> vector<16xf32>
        %broadcast_in_dim3A_718 = arith.constant true
        %broadcast_in_dim3A_719 = vector.broadcast %broadcast_in_dim3A_718 : i1 to vector<16xi1>
        %masked_cumsum3A_720 = tpu.scan <sum>, %sort3A_701 masked %broadcast_in_dim3A_719 : vector<16xf32>, vector<16xi1> -> vector<16xf32>
        %broadcast_in_dim3A_721 = arith.constant true
        %broadcast_in_dim3A_722 = vector.broadcast %broadcast_in_dim3A_721 : i1 to vector<16xi1>
        %masked_cumsum3A_723 = tpu.scan <sum>, %sort3A_706 masked %broadcast_in_dim3A_722 : vector<16xf32>, vector<16xi1> -> vector<16xf32>
        %broadcast_in_dim3A_724 = arith.constant true
        %broadcast_in_dim3A_725 = vector.broadcast %broadcast_in_dim3A_724 : i1 to vector<16xi1>
        %masked_cumsum3A_726 = tpu.scan <sum>, %sort3A_711 masked %broadcast_in_dim3A_725 : vector<16xf32>, vector<16xi1> -> vector<16xf32>
        %broadcast_in_dim3A_727 = vector.shape_cast %broadcast_in_dim3A_714 : vector<16xi32> to vector<16x1xi32>
        %gather3A_728 = vector.shape_cast %broadcast_in_dim3A_727 : vector<16x1xi32> to vector<16xi32>
        %gather3A_729 = tpu.dynamic_gather %masked_cumsum3A_717[%gather3A_728] in [0] : vector<16xf32>, vector<16xi32> -> vector<16xf32>
        %broadcast_in_dim3A_730 = vector.shape_cast %broadcast_in_dim3A_714 : vector<16xi32> to vector<16x1xi32>
        %gather3A_731 = vector.shape_cast %broadcast_in_dim3A_730 : vector<16x1xi32> to vector<16xi32>
        %gather3A_732 = tpu.dynamic_gather %masked_cumsum3A_720[%gather3A_731] in [0] : vector<16xf32>, vector<16xi32> -> vector<16xf32>
        %broadcast_in_dim3A_733 = vector.shape_cast %broadcast_in_dim3A_714 : vector<16xi32> to vector<16x1xi32>
        %gather3A_734 = vector.shape_cast %broadcast_in_dim3A_733 : vector<16x1xi32> to vector<16xi32>
        %gather3A_735 = tpu.dynamic_gather %masked_cumsum3A_723[%gather3A_734] in [0] : vector<16xf32>, vector<16xi32> -> vector<16xf32>
        %add3A_736 = arith.addf %gather3A_729, %gather3A_732 : vector<16xf32>
        %add3A_737 = arith.addf %masked_cumsum3A_720, %gather3A_729 : vector<16xf32>
        %add3A_738 = arith.addf %masked_cumsum3A_723, %add3A_736 : vector<16xf32>
        %add3A_739 = arith.addf %add3A_736, %gather3A_735 : vector<16xf32>
        %add3A_740 = arith.addf %masked_cumsum3A_726, %add3A_739 : vector<16xf32>
        %sub3A_741 = arith.constant 1.000000e+00 : f32
        %sub3A_742 = vector.broadcast %sub3A_741 : f32 to vector<16xf32>
        %sub3A_743 = arith.subf %sub3A_742, %masked_cumsum3A_717 : vector<16xf32>
        %add3A_744 = arith.addf %sort3A_696, %sub3A_743 : vector<16xf32>
        %sub3A_745 = arith.constant 1.000000e+00 : f32
        %sub3A_746 = vector.broadcast %sub3A_745 : f32 to vector<16xf32>
        %sub3A_747 = arith.subf %sub3A_746, %add3A_737 : vector<16xf32>
        %add3A_748 = arith.addf %sort3A_701, %sub3A_747 : vector<16xf32>
        %sub3A_749 = arith.constant 1.000000e+00 : f32
        %sub3A_750 = vector.broadcast %sub3A_749 : f32 to vector<16xf32>
        %sub3A_751 = arith.subf %sub3A_750, %add3A_738 : vector<16xf32>
        %add3A_752 = arith.addf %sort3A_706, %sub3A_751 : vector<16xf32>
        %sub3A_753 = arith.constant 1.000000e+00 : f32
        %sub3A_754 = vector.broadcast %sub3A_753 : f32 to vector<16xf32>
        %sub3A_755 = arith.subf %sub3A_754, %add3A_740 : vector<16xf32>
        %add3A_756 = arith.addf %sort3A_711, %sub3A_755 : vector<16xf32>
        %le3A_757 = arith.constant 7.500000e-01 : f32
        %le3A_758 = vector.broadcast %le3A_757 : f32 to vector<16xf32>
        %le3A_759 = arith.cmpf ole, %add3A_744, %le3A_758 : vector<16xf32>
        %all_reduce_population_count3A_760 = tpu.all_reduce %le3A_759 {dim = 0 : i64, kind = #tpu.reduction_kind<sum>} : vector<16xi1> -> vector<16xi32>
        %le3A_761 = arith.constant 7.500000e-01 : f32
        %le3A_762 = vector.broadcast %le3A_761 : f32 to vector<16xf32>
        %le3A_763 = arith.cmpf ole, %add3A_748, %le3A_762 : vector<16xf32>
        %all_reduce_population_count3A_764 = tpu.all_reduce %le3A_763 {dim = 0 : i64, kind = #tpu.reduction_kind<sum>} : vector<16xi1> -> vector<16xi32>
        %add3A_765 = arith.addi %all_reduce_population_count3A_760, %all_reduce_population_count3A_764 : vector<16xi32>
        %le3A_766 = arith.constant 7.500000e-01 : f32
        %le3A_767 = vector.broadcast %le3A_766 : f32 to vector<16xf32>
        %le3A_768 = arith.cmpf ole, %add3A_752, %le3A_767 : vector<16xf32>
        %all_reduce_population_count3A_769 = tpu.all_reduce %le3A_768 {dim = 0 : i64, kind = #tpu.reduction_kind<sum>} : vector<16xi1> -> vector<16xi32>
        %le3A_770 = arith.constant 7.500000e-01 : f32
        %le3A_771 = vector.broadcast %le3A_770 : f32 to vector<16xf32>
        %le3A_772 = arith.cmpf ole, %add3A_756, %le3A_771 : vector<16xf32>
        %all_reduce_population_count3A_773 = tpu.all_reduce %le3A_772 {dim = 0 : i64, kind = #tpu.reduction_kind<sum>} : vector<16xi1> -> vector<16xi32>
        %add3A_774 = arith.addi %all_reduce_population_count3A_769, %all_reduce_population_count3A_773 : vector<16xi32>
        %add3A_775 = arith.addi %add3A_765, %add3A_774 : vector<16xi32>
        %max3A_776 = arith.constant 2 : i32
        %max3A_777 = vector.broadcast %max3A_776 : i32 to vector<16xi32>
        %max3A_778 = arith.maxsi %add3A_775, %max3A_777 : vector<16xi32>
        %sub3A_779 = arith.constant 64 : i32
        %sub3A_780 = vector.broadcast %sub3A_779 : i32 to vector<16xi32>
        %sub3A_781 = arith.subi %sub3A_780, %max3A_778 : vector<16xi32>
        %jit3A_782 = arith.constant 0 : i32
        %jit3A_783 = arith.constant 15 : i32
        %max3A_784 = vector.broadcast %jit3A_782 : i32 to vector<16xi32>
        %max3A_785 = arith.maxsi %max3A_784, %sub3A_781 : vector<16xi32>
        %min3A_786 = vector.broadcast %jit3A_783 : i32 to vector<16xi32>
        %min3A_787 = arith.minsi %min3A_786, %max3A_785 : vector<16xi32>
        %broadcast_in_dim3A_788 = vector.shape_cast %min3A_787 : vector<16xi32> to vector<16x1xi32>
        %gather3A_789 = vector.shape_cast %broadcast_in_dim3A_788 : vector<16x1xi32> to vector<16xi32>
        %gather3A_790 = tpu.dynamic_gather %sort3A_696[%gather3A_789] in [0] : vector<16xf32>, vector<16xi32> -> vector<16xf32>
        %sub3A_791 = arith.constant 16 : i32
        %sub3A_792 = vector.broadcast %sub3A_791 : i32 to vector<16xi32>
        %sub3A_793 = arith.subi %sub3A_781, %sub3A_792 : vector<16xi32>
        %jit3A_794 = arith.constant 0 : i32
        %jit3A_795 = arith.constant 15 : i32
        %max3A_796 = vector.broadcast %jit3A_794 : i32 to vector<16xi32>
        %max3A_797 = arith.maxsi %max3A_796, %sub3A_793 : vector<16xi32>
        %min3A_798 = vector.broadcast %jit3A_795 : i32 to vector<16xi32>
        %min3A_799 = arith.minsi %min3A_798, %max3A_797 : vector<16xi32>
        %broadcast_in_dim3A_800 = vector.shape_cast %min3A_799 : vector<16xi32> to vector<16x1xi32>
        %gather3A_801 = vector.shape_cast %broadcast_in_dim3A_800 : vector<16x1xi32> to vector<16xi32>
        %gather3A_802 = tpu.dynamic_gather %sort3A_701[%gather3A_801] in [0] : vector<16xf32>, vector<16xi32> -> vector<16xf32>
        %sub3A_803 = arith.constant 32 : i32
        %sub3A_804 = vector.broadcast %sub3A_803 : i32 to vector<16xi32>
        %sub3A_805 = arith.subi %sub3A_781, %sub3A_804 : vector<16xi32>
        %jit3A_806 = arith.constant 0 : i32
        %jit3A_807 = arith.constant 15 : i32
        %max3A_808 = vector.broadcast %jit3A_806 : i32 to vector<16xi32>
        %max3A_809 = arith.maxsi %max3A_808, %sub3A_805 : vector<16xi32>
        %min3A_810 = vector.broadcast %jit3A_807 : i32 to vector<16xi32>
        %min3A_811 = arith.minsi %min3A_810, %max3A_809 : vector<16xi32>
        %broadcast_in_dim3A_812 = vector.shape_cast %min3A_811 : vector<16xi32> to vector<16x1xi32>
        %gather3A_813 = vector.shape_cast %broadcast_in_dim3A_812 : vector<16x1xi32> to vector<16xi32>
        %gather3A_814 = tpu.dynamic_gather %sort3A_706[%gather3A_813] in [0] : vector<16xf32>, vector<16xi32> -> vector<16xf32>
        %sub3A_815 = arith.constant 48 : i32
        %sub3A_816 = vector.broadcast %sub3A_815 : i32 to vector<16xi32>
        %sub3A_817 = arith.subi %sub3A_781, %sub3A_816 : vector<16xi32>
        %jit3A_818 = arith.constant 0 : i32
        %jit3A_819 = arith.constant 15 : i32
        %max3A_820 = vector.broadcast %jit3A_818 : i32 to vector<16xi32>
        %max3A_821 = arith.maxsi %max3A_820, %sub3A_817 : vector<16xi32>
        %min3A_822 = vector.broadcast %jit3A_819 : i32 to vector<16xi32>
        %min3A_823 = arith.minsi %min3A_822, %max3A_821 : vector<16xi32>
        %broadcast_in_dim3A_824 = vector.shape_cast %min3A_823 : vector<16xi32> to vector<16x1xi32>
        %gather3A_825 = vector.shape_cast %broadcast_in_dim3A_824 : vector<16x1xi32> to vector<16xi32>
        %gather3A_826 = tpu.dynamic_gather %sort3A_711[%gather3A_825] in [0] : vector<16xf32>, vector<16xi32> -> vector<16xf32>
        %shift_right_arithmetic3A_827 = arith.constant 4 : i32
        %shift_right_arithmetic3A_828 = vector.broadcast %shift_right_arithmetic3A_827 : i32 to vector<16xi32>
        %shift_right_arithmetic3A_829 = arith.shrsi %sub3A_781, %shift_right_arithmetic3A_828 : vector<16xi32>
        %eq3A_830 = arith.constant 0 : i32
        %eq3A_831 = vector.broadcast %eq3A_830 : i32 to vector<16xi32>
        %eq3A_832 = arith.cmpi eq, %shift_right_arithmetic3A_829, %eq3A_831 : vector<16xi32>
        %eq3A_833 = arith.constant 1 : i32
        %eq3A_834 = vector.broadcast %eq3A_833 : i32 to vector<16xi32>
        %eq3A_835 = arith.cmpi eq, %shift_right_arithmetic3A_829, %eq3A_834 : vector<16xi32>
        %eq3A_836 = arith.constant 2 : i32
        %eq3A_837 = vector.broadcast %eq3A_836 : i32 to vector<16xi32>
        %eq3A_838 = arith.cmpi eq, %shift_right_arithmetic3A_829, %eq3A_837 : vector<16xi32>
        %select_n3A_839 = arith.select %eq3A_838, %gather3A_814, %gather3A_826 : vector<16xi1>, vector<16xf32>
        %select_n3A_840 = arith.select %eq3A_835, %gather3A_802, %select_n3A_839 : vector<16xi1>, vector<16xf32>
        %select_n3A_841 = arith.select %eq3A_832, %gather3A_790, %select_n3A_840 : vector<16xi1>, vector<16xf32>
        %ge3A_842 = arith.constant 3.800000e+00 : f32
        %ge3A_843 = arith.cmpf oge, %neg3A_652, %ge3A_842 : f32
        %ge3A_844 = arith.cmpf oge, %mul3A_520, %select_n3A_841 : vector<16xf32>
        %or3A_845 = vector.broadcast %ge3A_843 : i1 to vector<16xi1>
        %or3A_846 = arith.ori %ge3A_844, %or3A_845 : vector<16xi1>
        %ge3A_847 = arith.cmpf oge, %mul3A_521, %select_n3A_841 : vector<16xf32>
        %or3A_848 = vector.broadcast %ge3A_843 : i1 to vector<16xi1>
        %or3A_849 = arith.ori %ge3A_847, %or3A_848 : vector<16xi1>
        %ge3A_850 = arith.cmpf oge, %mul3A_522, %select_n3A_841 : vector<16xf32>
        %or3A_851 = vector.broadcast %ge3A_843 : i1 to vector<16xi1>
        %or3A_852 = arith.ori %ge3A_850, %or3A_851 : vector<16xi1>
        %ge3A_853 = arith.cmpf oge, %mul3A_523, %select_n3A_841 : vector<16xf32>
        %or3A_854 = vector.broadcast %ge3A_843 : i1 to vector<16xi1>
        %or3A_855 = arith.ori %ge3A_853, %or3A_854 : vector<16xi1>
        %jit3A_856 = arith.constant 0.000000e+00 : f32
        %broadcast_in_dim3A_857 = vector.broadcast %jit3A_856 : f32 to vector<16xf32>
        %select_n3A_858 = arith.select %or3A_846, %mul3A_520, %broadcast_in_dim3A_857 : vector<16xi1>, vector<16xf32>
        %jit3A_859 = arith.constant 0.000000e+00 : f32
        %broadcast_in_dim3A_860 = vector.broadcast %jit3A_859 : f32 to vector<16xf32>
        %select_n3A_861 = arith.select %or3A_849, %mul3A_521, %broadcast_in_dim3A_860 : vector<16xi1>, vector<16xf32>
        %jit3A_862 = arith.constant 0.000000e+00 : f32
        %broadcast_in_dim3A_863 = vector.broadcast %jit3A_862 : f32 to vector<16xf32>
        %select_n3A_864 = arith.select %or3A_852, %mul3A_522, %broadcast_in_dim3A_863 : vector<16xi1>, vector<16xf32>
        %jit3A_865 = arith.constant 0.000000e+00 : f32
        %broadcast_in_dim3A_866 = vector.broadcast %jit3A_865 : f32 to vector<16xf32>
        %select_n3A_867 = arith.select %or3A_855, %mul3A_523, %broadcast_in_dim3A_866 : vector<16xi1>, vector<16xf32>
        %mul3A_868 = arith.constant 2 : i32
        %mul3A_869 = arith.muli %mul3A_868, %scan3A_84 : i32
        %add3A_870 = arith.addi %mul3A_59, %mul3A_869 : i32
        %broadcast_in_dim3A_871 = vector.broadcast %add3A_870 : i32 to vector<16xi32>
        %gather3A_872 = tpu.vector_load_idx %arg7[%broadcast_in_dim3A_871] : memref<16384xf32, #tpu.memory_space<vmem>>[vector<16xi32>], vector<16xf32>,
        %mul3A_873 = arith.constant 2 : i32
        %mul3A_874 = arith.muli %mul3A_873, %scan3A_84 : i32
        %add3A_875 = arith.addi %mul3A_59, %mul3A_874 : i32
        %add3A_876 = arith.constant 1 : i32
        %add3A_877 = arith.addi %add3A_875, %add3A_876 : i32
        %broadcast_in_dim3A_878 = vector.broadcast %add3A_877 : i32 to vector<16xi32>
        %gather3A_879 = tpu.vector_load_idx %arg7[%broadcast_in_dim3A_878] : memref<16384xf32, #tpu.memory_space<vmem>>[vector<16xi32>], vector<16xf32>,
        %mul3A_880 = arith.mulf %select_n3A_459, %gather3A_872 : vector<16xf32>
        %mul3A_881 = arith.mulf %select_n3A_858, %gather3A_879 : vector<16xf32>
        %add3A_882 = arith.addf %mul3A_880, %mul3A_881 : vector<16xf32>
        %add3A_883 = arith.addf %scan3A_85, %add3A_882 : vector<16xf32>
        %mul3A_884 = arith.mulf %select_n3A_462, %gather3A_872 : vector<16xf32>
        %mul3A_885 = arith.mulf %select_n3A_861, %gather3A_879 : vector<16xf32>
        %add3A_886 = arith.addf %mul3A_884, %mul3A_885 : vector<16xf32>
        %add3A_887 = arith.addf %scan3A_86, %add3A_886 : vector<16xf32>
        %mul3A_888 = arith.mulf %select_n3A_465, %gather3A_872 : vector<16xf32>
        %mul3A_889 = arith.mulf %select_n3A_864, %gather3A_879 : vector<16xf32>
        %add3A_890 = arith.addf %mul3A_888, %mul3A_889 : vector<16xf32>
        %add3A_891 = arith.addf %scan3A_87, %add3A_890 : vector<16xf32>
        %mul3A_892 = arith.mulf %select_n3A_468, %gather3A_872 : vector<16xf32>
        %mul3A_893 = arith.mulf %select_n3A_867, %gather3A_879 : vector<16xf32>
        %add3A_894 = arith.addf %mul3A_892, %mul3A_893 : vector<16xf32>
        %add3A_895 = arith.addf %scan3A_88, %add3A_894 : vector<16xf32>
        %gt3A = arith.constant 0.000000e+00 : f32
        %gt3A_896 = vector.broadcast %gt3A : f32 to vector<16xf32>
        %gt3A_897 = arith.cmpf ogt, %select_n3A_459, %gt3A_896 : vector<16xf32>
        %jit3A_898 = arith.constant 0.000000e+00 : f32
        %broadcast_in_dim3A_899 = vector.broadcast %jit3A_898 : f32 to vector<16xf32>
        %select_n3A_900 = arith.select %gt3A_897, %gather3A_872, %broadcast_in_dim3A_899 : vector<16xi1>, vector<16xf32>
        %gt3A_901 = arith.constant 0.000000e+00 : f32
        %gt3A_902 = vector.broadcast %gt3A_901 : f32 to vector<16xf32>
        %gt3A_903 = arith.cmpf ogt, %select_n3A_858, %gt3A_902 : vector<16xf32>
        %jit3A_904 = arith.constant 0.000000e+00 : f32
        %broadcast_in_dim3A_905 = vector.broadcast %jit3A_904 : f32 to vector<16xf32>
        %select_n3A_906 = arith.select %gt3A_903, %gather3A_879, %broadcast_in_dim3A_905 : vector<16xi1>, vector<16xf32>
        %add3A_907 = arith.addf %select_n3A_900, %select_n3A_906 : vector<16xf32>
        %add3A_908 = arith.addf %scan3A_89, %add3A_907 : vector<16xf32>
        %gt3A_909 = arith.constant 0.000000e+00 : f32
        %gt3A_910 = vector.broadcast %gt3A_909 : f32 to vector<16xf32>
        %gt3A_911 = arith.cmpf ogt, %select_n3A_462, %gt3A_910 : vector<16xf32>
        %jit3A_912 = arith.constant 0.000000e+00 : f32
        %broadcast_in_dim3A_913 = vector.broadcast %jit3A_912 : f32 to vector<16xf32>
        %select_n3A_914 = arith.select %gt3A_911, %gather3A_872, %broadcast_in_dim3A_913 : vector<16xi1>, vector<16xf32>
        %gt3A_915 = arith.constant 0.000000e+00 : f32
        %gt3A_916 = vector.broadcast %gt3A_915 : f32 to vector<16xf32>
        %gt3A_917 = arith.cmpf ogt, %select_n3A_861, %gt3A_916 : vector<16xf32>
        %jit3A_918 = arith.constant 0.000000e+00 : f32
        %broadcast_in_dim3A_919 = vector.broadcast %jit3A_918 : f32 to vector<16xf32>
        %select_n3A_920 = arith.select %gt3A_917, %gather3A_879, %broadcast_in_dim3A_919 : vector<16xi1>, vector<16xf32>
        %add3A_921 = arith.addf %select_n3A_914, %select_n3A_920 : vector<16xf32>
        %add3A_922 = arith.addf %scan3A_90, %add3A_921 : vector<16xf32>
        %gt3A_923 = arith.constant 0.000000e+00 : f32
        %gt3A_924 = vector.broadcast %gt3A_923 : f32 to vector<16xf32>
        %gt3A_925 = arith.cmpf ogt, %select_n3A_465, %gt3A_924 : vector<16xf32>
        %jit3A_926 = arith.constant 0.000000e+00 : f32
        %broadcast_in_dim3A_927 = vector.broadcast %jit3A_926 : f32 to vector<16xf32>
        %select_n3A_928 = arith.select %gt3A_925, %gather3A_872, %broadcast_in_dim3A_927 : vector<16xi1>, vector<16xf32>
        %gt3A_929 = arith.constant 0.000000e+00 : f32
        %gt3A_930 = vector.broadcast %gt3A_929 : f32 to vector<16xf32>
        %gt3A_931 = arith.cmpf ogt, %select_n3A_864, %gt3A_930 : vector<16xf32>
        %jit3A_932 = arith.constant 0.000000e+00 : f32
        %broadcast_in_dim3A_933 = vector.broadcast %jit3A_932 : f32 to vector<16xf32>
        %select_n3A_934 = arith.select %gt3A_931, %gather3A_879, %broadcast_in_dim3A_933 : vector<16xi1>, vector<16xf32>
        %add3A_935 = arith.addf %select_n3A_928, %select_n3A_934 : vector<16xf32>
        %add3A_936 = arith.addf %scan3A_91, %add3A_935 : vector<16xf32>
        %gt3A_937 = arith.constant 0.000000e+00 : f32
        %gt3A_938 = vector.broadcast %gt3A_937 : f32 to vector<16xf32>
        %gt3A_939 = arith.cmpf ogt, %select_n3A_468, %gt3A_938 : vector<16xf32>
        %jit3A_940 = arith.constant 0.000000e+00 : f32
        %broadcast_in_dim3A_941 = vector.broadcast %jit3A_940 : f32 to vector<16xf32>
        %select_n3A_942 = arith.select %gt3A_939, %gather3A_872, %broadcast_in_dim3A_941 : vector<16xi1>, vector<16xf32>
        %gt3A_943 = arith.constant 0.000000e+00 : f32
        %gt3A_944 = vector.broadcast %gt3A_943 : f32 to vector<16xf32>
        %gt3A_945 = arith.cmpf ogt, %select_n3A_867, %gt3A_944 : vector<16xf32>
        %jit3A_946 = arith.constant 0.000000e+00 : f32
        %broadcast_in_dim3A_947 = vector.broadcast %jit3A_946 : f32 to vector<16xf32>
        %select_n3A_948 = arith.select %gt3A_945, %gather3A_879, %broadcast_in_dim3A_947 : vector<16xi1>, vector<16xf32>
        %add3A_949 = arith.addf %select_n3A_942, %select_n3A_948 : vector<16xf32>
        %add3A_950 = arith.addf %scan3A_92, %add3A_949 : vector<16xf32>
        %add3A_951 = arith.addf %neg3A_266, %neg3A_652 : f32
        %add3A_952 = arith.addf %scan3A_93, %add3A_951 : f32
        scf.yield %add3A_883, %add3A_887, %add3A_891, %add3A_895, %add3A_908, %add3A_922, %add3A_936, %add3A_950, %add3A_952 : vector<16xf32>, vector<16xf32>, vector<16xf32>, vector<16xf32>, vector<16xf32>, vector<16xf32>, vector<16xf32>, vector<16xf32>, f32
      }
      %scan3A_65 = arith.constant 256 : i32
      %dma_wait3A_66 = arith.constant 0 : i32
      %dma_wait3A_67 = tpu.memref_slice %arg2[%dma_wait3A_66] : memref<33554432xf32, #tpu.memory_space<hbm>> -> memref<32768xf32, #tpu.memory_space<hbm>>
      %dma_wait3A_68 = arith.constant 0 : i32
      %dma_wait3A_69 = tpu.memref_slice %arg2[%dma_wait3A_68] : memref<33554432xf32, #tpu.memory_space<hbm>> -> memref<32768xf32, #tpu.memory_space<hbm>>
      tpu.wait_dma2 semaphore(%arg10 : memref<!tpu.dma_semaphore, #tpu.memory_space<semaphore_mem>>) src(%dma_wait3A_69 : memref<32768xf32, #tpu.memory_space<hbm>>) dst(%arg6 : memref<32768xf32, #tpu.memory_space<vmem>>)
      %add3A_70 = arith.constant 2 : i32
      %add3A_71 = arith.addi %mul3A_47, %add3A_70 : i32
      %lt3A = arith.constant 32 : i32
      %lt3A_72 = arith.cmpi slt, %add3A_71, %lt3A : i32
      %convert_element_type3A = arith.extui %lt3A_72 : i1 to i32
      %cond3A = arith.constant 0 : i32
      %cond3A_73 = arith.cmpi ne, %convert_element_type3A, %cond3A : i32
      scf.if %cond3A_73 {
        %add3A_84 = arith.constant 2 : i32
        %add3A_85 = arith.addi %mul3A_47, %add3A_84 : i32
        %mul3A_86 = arith.constant 32768 : i32
        %mul3A_87 = arith.muli %add3A_85, %mul3A_86 : i32
        %add3A_88 = arith.addi %mul3A_4, %mul3A_87 : i32
        %dma_start3A_89 = tpu.memref_slice %arg2[%add3A_88] : memref<33554432xf32, #tpu.memory_space<hbm>> -> memref<32768xf32, #tpu.memory_space<hbm>>
        %dma_start3A_90 = tpu.memref_slice %arg2[%add3A_88] : memref<33554432xf32, #tpu.memory_space<hbm>> -> memref<32768xf32, #tpu.memory_space<hbm>>
        tpu.enqueue_dma source(%dma_start3A_90 : memref<32768xf32, #tpu.memory_space<hbm>>) target(%arg5 : memref<32768xf32, #tpu.memory_space<vmem>>) target_semaphore(%arg9 : memref<!tpu.dma_semaphore, #tpu.memory_space<semaphore_mem>>)
      } else {
      }
      %add3A_74 = arith.constant 1 : i32
      %add3A_75 = arith.addi %mul3A_47, %add3A_74 : i32
      %mul3A_76 = arith.constant 512 : i32
      %mul3A_77 = arith.muli %add3A_75, %mul3A_76 : i32
      %scan3A_78 = arith.constant 0 : i32
      %scan3A_79 = arith.constant 256 : i32
      %scan3A_80 = arith.addi %scan3A_78, %scan3A_79 : i32
      %scan3A_81 = arith.constant 1 : i32
      %scan3A_82:9 = scf.for %scan3A_84 = %scan3A_78 to %scan3A_80 step %scan3A_81 iter_args(%scan3A_85 = %scan3A_64#0, %scan3A_86 = %scan3A_64#1, %scan3A_87 = %scan3A_64#2, %scan3A_88 = %scan3A_64#3, %scan3A_89 = %scan3A_64#4, %scan3A_90 = %scan3A_64#5, %scan3A_91 = %scan3A_64#6, %scan3A_92 = %scan3A_64#7, %scan3A_93 = %scan3A_64#8) -> (vector<16xf32>, vector<16xf32>, vector<16xf32>, vector<16xf32>, vector<16xf32>, vector<16xf32>, vector<16xf32>, vector<16xf32>, f32)  : i32 {
        %mul3A_94 = arith.constant 128 : i32
        %mul3A_95 = arith.muli %scan3A_84, %mul3A_94 : i32
        %get3A = arith.index_cast %mul3A_95 : i32 to index
        %get3A_96 = tpu.vector_load %arg6[%get3A] {strides = array<i32>} : memref<32768xf32, #tpu.memory_space<vmem>>, vector<16xf32>,
        %add3A_97 = arith.constant 16 : i32
        %add3A_98 = arith.addi %mul3A_95, %add3A_97 : i32
        %get3A_99 = arith.index_cast %add3A_98 : i32 to index
        %get3A_100 = tpu.vector_load %arg6[%get3A_99] {strides = array<i32>} : memref<32768xf32, #tpu.memory_space<vmem>>, vector<16xf32>,
        %add3A_101 = arith.constant 32 : i32
        %add3A_102 = arith.addi %mul3A_95, %add3A_101 : i32
        %get3A_103 = arith.index_cast %add3A_102 : i32 to index
        %get3A_104 = tpu.vector_load %arg6[%get3A_103] {strides = array<i32>} : memref<32768xf32, #tpu.memory_space<vmem>>, vector<16xf32>,
        %add3A_105 = arith.constant 48 : i32
        %add3A_106 = arith.addi %mul3A_95, %add3A_105 : i32
        %get3A_107 = arith.index_cast %add3A_106 : i32 to index
        %get3A_108 = tpu.vector_load %arg6[%get3A_107] {strides = array<i32>} : memref<32768xf32, #tpu.memory_space<vmem>>, vector<16xf32>,
        %max3A = arith.maximumf %get3A_96, %get3A_100 : vector<16xf32>
        %max3A_109 = arith.maximumf %get3A_104, %get3A_108 : vector<16xf32>
        %max3A_110 = arith.maximumf %max3A, %max3A_109 : vector<16xf32>
        %reduce_max3A = arith.constant true
        %reduce_max3A_111 = vector.broadcast %reduce_max3A : i1 to vector<16xi1>
        %reduce_max3A_112 = tpu.scan <max>, %max3A_110 masked %reduce_max3A_111 : vector<16xf32>, vector<16xi1> -> vector<16xf32>
        %reduce_max3A_113 = vector.extract %reduce_max3A_112[15] : f32 from vector<16xf32>
        %sub3A = vector.broadcast %reduce_max3A_113 : f32 to vector<16xf32>
        %sub3A_114 = arith.subf %get3A_96, %sub3A : vector<16xf32>
        %exp3A = math.exp %sub3A_114 : vector<16xf32>
        %sub3A_115 = vector.broadcast %reduce_max3A_113 : f32 to vector<16xf32>
        %sub3A_116 = arith.subf %get3A_100, %sub3A_115 : vector<16xf32>
        %exp3A_117 = math.exp %sub3A_116 : vector<16xf32>
        %sub3A_118 = vector.broadcast %reduce_max3A_113 : f32 to vector<16xf32>
        %sub3A_119 = arith.subf %get3A_104, %sub3A_118 : vector<16xf32>
        %exp3A_120 = math.exp %sub3A_119 : vector<16xf32>
        %sub3A_121 = vector.broadcast %reduce_max3A_113 : f32 to vector<16xf32>
        %sub3A_122 = arith.subf %get3A_108, %sub3A_121 : vector<16xf32>
        %exp3A_123 = math.exp %sub3A_122 : vector<16xf32>
        %add3A_124 = arith.addf %exp3A, %exp3A_117 : vector<16xf32>
        %add3A_125 = arith.addf %exp3A_120, %exp3A_123 : vector<16xf32>
        %add3A_126 = arith.addf %add3A_124, %add3A_125 : vector<16xf32>
        %reduce_sum3A = arith.constant true
        %reduce_sum3A_127 = vector.broadcast %reduce_sum3A : i1 to vector<16xi1>
        %reduce_sum3A_128 = tpu.scan <sum>, %add3A_126 masked %reduce_sum3A_127 : vector<16xf32>, vector<16xi1> -> vector<16xf32>
        %reduce_sum3A_129 = vector.extract %reduce_sum3A_128[15] : f32 from vector<16xf32>
        %broadcast_in_dim3A_130 = arith.constant 0.000000e+00 : f32
        %broadcast_in_dim3A_131 = vector.broadcast %broadcast_in_dim3A_130 : f32 to vector<16xf32>
        %add3A_132 = vector.broadcast %reduce_sum3A_129 : f32 to vector<16xf32>
        %add3A_133 = arith.addf %broadcast_in_dim3A_131, %add3A_132 : vector<16xf32>
        %div3A = arith.constant 1.000000e+00 : f32
        %div3A_134 = vector.broadcast %div3A : f32 to vector<16xf32>
        %div3A_135 = arith.divf %div3A_134, %add3A_133 : vector<16xf32>
        %mul3A_136 = arith.mulf %exp3A, %div3A_135 : vector<16xf32>
        %mul3A_137 = arith.mulf %exp3A_117, %div3A_135 : vector<16xf32>
        %mul3A_138 = arith.mulf %exp3A_120, %div3A_135 : vector<16xf32>
        %mul3A_139 = arith.mulf %exp3A_123, %div3A_135 : vector<16xf32>
        %add3A_140 = arith.constant 9.99999974E-6 : f32
        %add3A_141 = vector.broadcast %add3A_140 : f32 to vector<16xf32>
        %add3A_142 = arith.addf %mul3A_136, %add3A_141 : vector<16xf32>
        %bitcast3A = vector.bitcast %add3A_142 : vector<16xf32> to vector<16xi32>
        %convert_element_type3A_143 = arith.sitofp %bitcast3A : vector<16xi32> to vector<16xf32>
        %mul3A_144 = arith.constant 8.26295832E-8 : f32
        %mul3A_145 = vector.broadcast %mul3A_144 : f32 to vector<16xf32>
        %mul3A_146 = arith.mulf %convert_element_type3A_143, %mul3A_145 : vector<16xf32>
        %sub3A_147 = arith.constant 88.060913 : f32
        %sub3A_148 = vector.broadcast %sub3A_147 : f32 to vector<16xf32>
        %sub3A_149 = arith.subf %mul3A_146, %sub3A_148 : vector<16xf32>
        %neg3A = arith.constant 0.000000e+00 : f32
        %neg3A_150 = vector.broadcast %neg3A : f32 to vector<16xf32>
        %neg3A_151 = arith.subf %neg3A_150, %sub3A_149 : vector<16xf32>
        %exp3A_152 = math.exp %neg3A_151 : vector<16xf32>
        %mul3A_153 = arith.mulf %add3A_142, %exp3A_152 : vector<16xf32>
        %add3A_154 = arith.addf %sub3A_149, %mul3A_153 : vector<16xf32>
        %sub3A_155 = arith.constant 1.000000e+00 : f32
        %sub3A_156 = vector.broadcast %sub3A_155 : f32 to vector<16xf32>
        %sub3A_157 = arith.subf %add3A_154, %sub3A_156 : vector<16xf32>
        %neg3A_158 = arith.constant 0.000000e+00 : f32
        %neg3A_159 = vector.broadcast %neg3A_158 : f32 to vector<16xf32>
        %neg3A_160 = arith.subf %neg3A_159, %sub3A_157 : vector<16xf32>
        %exp3A_161 = math.exp %neg3A_160 : vector<16xf32>
        %mul3A_162 = arith.mulf %add3A_142, %exp3A_161 : vector<16xf32>
        %add3A_163 = arith.addf %sub3A_157, %mul3A_162 : vector<16xf32>
        %sub3A_164 = arith.constant 1.000000e+00 : f32
        %sub3A_165 = vector.broadcast %sub3A_164 : f32 to vector<16xf32>
        %sub3A_166 = arith.subf %add3A_163, %sub3A_165 : vector<16xf32>
        %mul3A_167 = arith.mulf %mul3A_136, %sub3A_166 : vector<16xf32>
        %add3A_168 = arith.constant 9.99999974E-6 : f32
        %add3A_169 = vector.broadcast %add3A_168 : f32 to vector<16xf32>
        %add3A_170 = arith.addf %mul3A_137, %add3A_169 : vector<16xf32>
        %bitcast3A_171 = vector.bitcast %add3A_170 : vector<16xf32> to vector<16xi32>
        %convert_element_type3A_172 = arith.sitofp %bitcast3A_171 : vector<16xi32> to vector<16xf32>
        %mul3A_173 = arith.constant 8.26295832E-8 : f32
        %mul3A_174 = vector.broadcast %mul3A_173 : f32 to vector<16xf32>
        %mul3A_175 = arith.mulf %convert_element_type3A_172, %mul3A_174 : vector<16xf32>
        %sub3A_176 = arith.constant 88.060913 : f32
        %sub3A_177 = vector.broadcast %sub3A_176 : f32 to vector<16xf32>
        %sub3A_178 = arith.subf %mul3A_175, %sub3A_177 : vector<16xf32>
        %neg3A_179 = arith.constant 0.000000e+00 : f32
        %neg3A_180 = vector.broadcast %neg3A_179 : f32 to vector<16xf32>
        %neg3A_181 = arith.subf %neg3A_180, %sub3A_178 : vector<16xf32>
        %exp3A_182 = math.exp %neg3A_181 : vector<16xf32>
        %mul3A_183 = arith.mulf %add3A_170, %exp3A_182 : vector<16xf32>
        %add3A_184 = arith.addf %sub3A_178, %mul3A_183 : vector<16xf32>
        %sub3A_185 = arith.constant 1.000000e+00 : f32
        %sub3A_186 = vector.broadcast %sub3A_185 : f32 to vector<16xf32>
        %sub3A_187 = arith.subf %add3A_184, %sub3A_186 : vector<16xf32>
        %neg3A_188 = arith.constant 0.000000e+00 : f32
        %neg3A_189 = vector.broadcast %neg3A_188 : f32 to vector<16xf32>
        %neg3A_190 = arith.subf %neg3A_189, %sub3A_187 : vector<16xf32>
        %exp3A_191 = math.exp %neg3A_190 : vector<16xf32>
        %mul3A_192 = arith.mulf %add3A_170, %exp3A_191 : vector<16xf32>
        %add3A_193 = arith.addf %sub3A_187, %mul3A_192 : vector<16xf32>
        %sub3A_194 = arith.constant 1.000000e+00 : f32
        %sub3A_195 = vector.broadcast %sub3A_194 : f32 to vector<16xf32>
        %sub3A_196 = arith.subf %add3A_193, %sub3A_195 : vector<16xf32>
        %mul3A_197 = arith.mulf %mul3A_137, %sub3A_196 : vector<16xf32>
        %add3A_198 = arith.addf %mul3A_167, %mul3A_197 : vector<16xf32>
        %add3A_199 = arith.constant 9.99999974E-6 : f32
        %add3A_200 = vector.broadcast %add3A_199 : f32 to vector<16xf32>
        %add3A_201 = arith.addf %mul3A_138, %add3A_200 : vector<16xf32>
        %bitcast3A_202 = vector.bitcast %add3A_201 : vector<16xf32> to vector<16xi32>
        %convert_element_type3A_203 = arith.sitofp %bitcast3A_202 : vector<16xi32> to vector<16xf32>
        %mul3A_204 = arith.constant 8.26295832E-8 : f32
        %mul3A_205 = vector.broadcast %mul3A_204 : f32 to vector<16xf32>
        %mul3A_206 = arith.mulf %convert_element_type3A_203, %mul3A_205 : vector<16xf32>
        %sub3A_207 = arith.constant 88.060913 : f32
        %sub3A_208 = vector.broadcast %sub3A_207 : f32 to vector<16xf32>
        %sub3A_209 = arith.subf %mul3A_206, %sub3A_208 : vector<16xf32>
        %neg3A_210 = arith.constant 0.000000e+00 : f32
        %neg3A_211 = vector.broadcast %neg3A_210 : f32 to vector<16xf32>
        %neg3A_212 = arith.subf %neg3A_211, %sub3A_209 : vector<16xf32>
        %exp3A_213 = math.exp %neg3A_212 : vector<16xf32>
        %mul3A_214 = arith.mulf %add3A_201, %exp3A_213 : vector<16xf32>
        %add3A_215 = arith.addf %sub3A_209, %mul3A_214 : vector<16xf32>
        %sub3A_216 = arith.constant 1.000000e+00 : f32
        %sub3A_217 = vector.broadcast %sub3A_216 : f32 to vector<16xf32>
        %sub3A_218 = arith.subf %add3A_215, %sub3A_217 : vector<16xf32>
        %neg3A_219 = arith.constant 0.000000e+00 : f32
        %neg3A_220 = vector.broadcast %neg3A_219 : f32 to vector<16xf32>
        %neg3A_221 = arith.subf %neg3A_220, %sub3A_218 : vector<16xf32>
        %exp3A_222 = math.exp %neg3A_221 : vector<16xf32>
        %mul3A_223 = arith.mulf %add3A_201, %exp3A_222 : vector<16xf32>
        %add3A_224 = arith.addf %sub3A_218, %mul3A_223 : vector<16xf32>
        %sub3A_225 = arith.constant 1.000000e+00 : f32
        %sub3A_226 = vector.broadcast %sub3A_225 : f32 to vector<16xf32>
        %sub3A_227 = arith.subf %add3A_224, %sub3A_226 : vector<16xf32>
        %mul3A_228 = arith.mulf %mul3A_138, %sub3A_227 : vector<16xf32>
        %add3A_229 = arith.constant 9.99999974E-6 : f32
        %add3A_230 = vector.broadcast %add3A_229 : f32 to vector<16xf32>
        %add3A_231 = arith.addf %mul3A_139, %add3A_230 : vector<16xf32>
        %bitcast3A_232 = vector.bitcast %add3A_231 : vector<16xf32> to vector<16xi32>
        %convert_element_type3A_233 = arith.sitofp %bitcast3A_232 : vector<16xi32> to vector<16xf32>
        %mul3A_234 = arith.constant 8.26295832E-8 : f32
        %mul3A_235 = vector.broadcast %mul3A_234 : f32 to vector<16xf32>
        %mul3A_236 = arith.mulf %convert_element_type3A_233, %mul3A_235 : vector<16xf32>
        %sub3A_237 = arith.constant 88.060913 : f32
        %sub3A_238 = vector.broadcast %sub3A_237 : f32 to vector<16xf32>
        %sub3A_239 = arith.subf %mul3A_236, %sub3A_238 : vector<16xf32>
        %neg3A_240 = arith.constant 0.000000e+00 : f32
        %neg3A_241 = vector.broadcast %neg3A_240 : f32 to vector<16xf32>
        %neg3A_242 = arith.subf %neg3A_241, %sub3A_239 : vector<16xf32>
        %exp3A_243 = math.exp %neg3A_242 : vector<16xf32>
        %mul3A_244 = arith.mulf %add3A_231, %exp3A_243 : vector<16xf32>
        %add3A_245 = arith.addf %sub3A_239, %mul3A_244 : vector<16xf32>
        %sub3A_246 = arith.constant 1.000000e+00 : f32
        %sub3A_247 = vector.broadcast %sub3A_246 : f32 to vector<16xf32>
        %sub3A_248 = arith.subf %add3A_245, %sub3A_247 : vector<16xf32>
        %neg3A_249 = arith.constant 0.000000e+00 : f32
        %neg3A_250 = vector.broadcast %neg3A_249 : f32 to vector<16xf32>
        %neg3A_251 = arith.subf %neg3A_250, %sub3A_248 : vector<16xf32>
        %exp3A_252 = math.exp %neg3A_251 : vector<16xf32>
        %mul3A_253 = arith.mulf %add3A_231, %exp3A_252 : vector<16xf32>
        %add3A_254 = arith.addf %sub3A_248, %mul3A_253 : vector<16xf32>
        %sub3A_255 = arith.constant 1.000000e+00 : f32
        %sub3A_256 = vector.broadcast %sub3A_255 : f32 to vector<16xf32>
        %sub3A_257 = arith.subf %add3A_254, %sub3A_256 : vector<16xf32>
        %mul3A_258 = arith.mulf %mul3A_139, %sub3A_257 : vector<16xf32>
        %add3A_259 = arith.addf %mul3A_228, %mul3A_258 : vector<16xf32>
        %add3A_260 = arith.addf %add3A_198, %add3A_259 : vector<16xf32>
        %reduce_sum3A_261 = arith.constant true
        %reduce_sum3A_262 = vector.broadcast %reduce_sum3A_261 : i1 to vector<16xi1>
        %reduce_sum3A_263 = tpu.scan <sum>, %add3A_260 masked %reduce_sum3A_262 : vector<16xf32>, vector<16xi1> -> vector<16xf32>
        %reduce_sum3A_264 = vector.extract %reduce_sum3A_263[15] : f32 from vector<16xf32>
        %neg3A_265 = arith.constant 0.000000e+00 : f32
        %neg3A_266 = arith.subf %neg3A_265, %reduce_sum3A_264 : f32
        %sort3A = arith.constant dense<true> : vector<16xi1>
        %sort3A_267, %sort3A_268, %sort3A_269 = tpu.sort %mul3A_136, %mul3A_136 masked %sort3A : (vector<16xf32>, vector<16xf32>, vector<16xi1>) -> (vector<16xi1>, vector<16xf32>, vector<16xf32>)
        %masked_sort3A = arith.constant dense<true> : vector<16xi1>
        %masked_sort3A_270, %masked_sort3A_271, %masked_sort3A_272 = tpu.sort %mul3A_137, %mul3A_137 masked %masked_sort3A {descending = true} : (vector<16xf32>, vector<16xf32>, vector<16xi1>) -> (vector<16xi1>, vector<16xf32>, vector<16xf32>)
        %sort3A_273 = arith.constant dense<true> : vector<16xi1>
        %sort3A_274, %sort3A_275, %sort3A_276 = tpu.sort %mul3A_138, %mul3A_138 masked %sort3A_273 : (vector<16xf32>, vector<16xf32>, vector<16xi1>) -> (vector<16xi1>, vector<16xf32>, vector<16xf32>)
        %masked_sort3A_277 = arith.constant dense<true> : vector<16xi1>
        %masked_sort3A_278, %masked_sort3A_279, %masked_sort3A_280 = tpu.sort %mul3A_139, %mul3A_139 masked %masked_sort3A_277 {descending = true} : (vector<16xf32>, vector<16xf32>, vector<16xi1>) -> (vector<16xi1>, vector<16xf32>, vector<16xf32>)
        %min3A = arith.minimumf %sort3A_268, %masked_sort3A_271 : vector<16xf32>
        %sort3A_281 = arith.constant dense<true> : vector<16xi1>
        %sort3A_282, %sort3A_283, %sort3A_284 = tpu.sort %min3A, %min3A masked %sort3A_281 : (vector<16xf32>, vector<16xf32>, vector<16xi1>) -> (vector<16xi1>, vector<16xf32>, vector<16xf32>)
        %max3A_285 = arith.maximumf %sort3A_268, %masked_sort3A_271 : vector<16xf32>
        %sort3A_286 = arith.constant dense<true> : vector<16xi1>
        %sort3A_287, %sort3A_288, %sort3A_289 = tpu.sort %max3A_285, %max3A_285 masked %sort3A_286 : (vector<16xf32>, vector<16xf32>, vector<16xi1>) -> (vector<16xi1>, vector<16xf32>, vector<16xf32>)
        %max3A_290 = arith.maximumf %sort3A_275, %masked_sort3A_279 : vector<16xf32>
        %masked_sort3A_291 = arith.constant dense<true> : vector<16xi1>
        %masked_sort3A_292, %masked_sort3A_293, %masked_sort3A_294 = tpu.sort %max3A_290, %max3A_290 masked %masked_sort3A_291 {descending = true} : (vector<16xf32>, vector<16xf32>, vector<16xi1>) -> (vector<16xi1>, vector<16xf32>, vector<16xf32>)
        %min3A_295 = arith.minimumf %sort3A_275, %masked_sort3A_279 : vector<16xf32>
        %masked_sort3A_296 = arith.constant dense<true> : vector<16xi1>
        %masked_sort3A_297, %masked_sort3A_298, %masked_sort3A_299 = tpu.sort %min3A_295, %min3A_295 masked %masked_sort3A_296 {descending = true} : (vector<16xf32>, vector<16xf32>, vector<16xi1>) -> (vector<16xi1>, vector<16xf32>, vector<16xf32>)
        %min3A_300 = arith.minimumf %sort3A_283, %masked_sort3A_293 : vector<16xf32>
        %max3A_301 = arith.maximumf %sort3A_283, %masked_sort3A_293 : vector<16xf32>
        %min3A_302 = arith.minimumf %sort3A_288, %masked_sort3A_298 : vector<16xf32>
        %max3A_303 = arith.maximumf %sort3A_288, %masked_sort3A_298 : vector<16xf32>
        %min3A_304 = arith.minimumf %min3A_300, %min3A_302 : vector<16xf32>
        %sort3A_305 = arith.constant dense<true> : vector<16xi1>
        %sort3A_306, %sort3A_307, %sort3A_308 = tpu.sort %min3A_304, %min3A_304 masked %sort3A_305 : (vector<16xf32>, vector<16xf32>, vector<16xi1>) -> (vector<16xi1>, vector<16xf32>, vector<16xf32>)
        %max3A_309 = arith.maximumf %min3A_300, %min3A_302 : vector<16xf32>
        %sort3A_310 = arith.constant dense<true> : vector<16xi1>
        %sort3A_311, %sort3A_312, %sort3A_313 = tpu.sort %max3A_309, %max3A_309 masked %sort3A_310 : (vector<16xf32>, vector<16xf32>, vector<16xi1>) -> (vector<16xi1>, vector<16xf32>, vector<16xf32>)
        %min3A_314 = arith.minimumf %max3A_301, %max3A_303 : vector<16xf32>
        %sort3A_315 = arith.constant dense<true> : vector<16xi1>
        %sort3A_316, %sort3A_317, %sort3A_318 = tpu.sort %min3A_314, %min3A_314 masked %sort3A_315 : (vector<16xf32>, vector<16xf32>, vector<16xi1>) -> (vector<16xi1>, vector<16xf32>, vector<16xf32>)
        %max3A_319 = arith.maximumf %max3A_301, %max3A_303 : vector<16xf32>
        %sort3A_320 = arith.constant dense<true> : vector<16xi1>
        %sort3A_321, %sort3A_322, %sort3A_323 = tpu.sort %max3A_319, %max3A_319 masked %sort3A_320 : (vector<16xf32>, vector<16xf32>, vector<16xi1>) -> (vector<16xi1>, vector<16xf32>, vector<16xf32>)
        %broadcast_in_dim3A_324 = arith.constant 15 : i32
        %broadcast_in_dim3A_325 = vector.broadcast %broadcast_in_dim3A_324 : i32 to vector<16xi32>
        %broadcast_in_dim3A_326 = arith.constant true
        %broadcast_in_dim3A_327 = vector.broadcast %broadcast_in_dim3A_326 : i1 to vector<16xi1>
        %masked_cumsum3A = tpu.scan <sum>, %sort3A_307 masked %broadcast_in_dim3A_327 : vector<16xf32>, vector<16xi1> -> vector<16xf32>
        %broadcast_in_dim3A_328 = arith.constant true
        %broadcast_in_dim3A_329 = vector.broadcast %broadcast_in_dim3A_328 : i1 to vector<16xi1>
        %masked_cumsum3A_330 = tpu.scan <sum>, %sort3A_312 masked %broadcast_in_dim3A_329 : vector<16xf32>, vector<16xi1> -> vector<16xf32>
        %broadcast_in_dim3A_331 = arith.constant true
        %broadcast_in_dim3A_332 = vector.broadcast %broadcast_in_dim3A_331 : i1 to vector<16xi1>
        %masked_cumsum3A_333 = tpu.scan <sum>, %sort3A_317 masked %broadcast_in_dim3A_332 : vector<16xf32>, vector<16xi1> -> vector<16xf32>
        %broadcast_in_dim3A_334 = arith.constant true
        %broadcast_in_dim3A_335 = vector.broadcast %broadcast_in_dim3A_334 : i1 to vector<16xi1>
        %masked_cumsum3A_336 = tpu.scan <sum>, %sort3A_322 masked %broadcast_in_dim3A_335 : vector<16xf32>, vector<16xi1> -> vector<16xf32>
        %broadcast_in_dim3A_337 = vector.shape_cast %broadcast_in_dim3A_325 : vector<16xi32> to vector<16x1xi32>
        %gather3A = vector.shape_cast %broadcast_in_dim3A_337 : vector<16x1xi32> to vector<16xi32>
        %gather3A_338 = tpu.dynamic_gather %masked_cumsum3A[%gather3A] in [0] : vector<16xf32>, vector<16xi32> -> vector<16xf32>
        %broadcast_in_dim3A_339 = vector.shape_cast %broadcast_in_dim3A_325 : vector<16xi32> to vector<16x1xi32>
        %gather3A_340 = vector.shape_cast %broadcast_in_dim3A_339 : vector<16x1xi32> to vector<16xi32>
        %gather3A_341 = tpu.dynamic_gather %masked_cumsum3A_330[%gather3A_340] in [0] : vector<16xf32>, vector<16xi32> -> vector<16xf32>
        %broadcast_in_dim3A_342 = vector.shape_cast %broadcast_in_dim3A_325 : vector<16xi32> to vector<16x1xi32>
        %gather3A_343 = vector.shape_cast %broadcast_in_dim3A_342 : vector<16x1xi32> to vector<16xi32>
        %gather3A_344 = tpu.dynamic_gather %masked_cumsum3A_333[%gather3A_343] in [0] : vector<16xf32>, vector<16xi32> -> vector<16xf32>
        %add3A_345 = arith.addf %gather3A_338, %gather3A_341 : vector<16xf32>
        %add3A_346 = arith.addf %masked_cumsum3A_330, %gather3A_338 : vector<16xf32>
        %add3A_347 = arith.addf %masked_cumsum3A_333, %add3A_345 : vector<16xf32>
        %add3A_348 = arith.addf %add3A_345, %gather3A_344 : vector<16xf32>
        %add3A_349 = arith.addf %masked_cumsum3A_336, %add3A_348 : vector<16xf32>
        %sub3A_350 = arith.constant 1.000000e+00 : f32
        %sub3A_351 = vector.broadcast %sub3A_350 : f32 to vector<16xf32>
        %sub3A_352 = arith.subf %sub3A_351, %masked_cumsum3A : vector<16xf32>
        %add3A_353 = arith.addf %sort3A_307, %sub3A_352 : vector<16xf32>
        %sub3A_354 = arith.constant 1.000000e+00 : f32
        %sub3A_355 = vector.broadcast %sub3A_354 : f32 to vector<16xf32>
        %sub3A_356 = arith.subf %sub3A_355, %add3A_346 : vector<16xf32>
        %add3A_357 = arith.addf %sort3A_312, %sub3A_356 : vector<16xf32>
        %sub3A_358 = arith.constant 1.000000e+00 : f32
        %sub3A_359 = vector.broadcast %sub3A_358 : f32 to vector<16xf32>
        %sub3A_360 = arith.subf %sub3A_359, %add3A_347 : vector<16xf32>
        %add3A_361 = arith.addf %sort3A_317, %sub3A_360 : vector<16xf32>
        %sub3A_362 = arith.constant 1.000000e+00 : f32
        %sub3A_363 = vector.broadcast %sub3A_362 : f32 to vector<16xf32>
        %sub3A_364 = arith.subf %sub3A_363, %add3A_349 : vector<16xf32>
        %add3A_365 = arith.addf %sort3A_322, %sub3A_364 : vector<16xf32>
        %le3A = arith.constant 7.500000e-01 : f32
        %le3A_366 = vector.broadcast %le3A : f32 to vector<16xf32>
        %le3A_367 = arith.cmpf ole, %add3A_353, %le3A_366 : vector<16xf32>
        %all_reduce_population_count3A = tpu.all_reduce %le3A_367 {dim = 0 : i64, kind = #tpu.reduction_kind<sum>} : vector<16xi1> -> vector<16xi32>
        %le3A_368 = arith.constant 7.500000e-01 : f32
        %le3A_369 = vector.broadcast %le3A_368 : f32 to vector<16xf32>
        %le3A_370 = arith.cmpf ole, %add3A_357, %le3A_369 : vector<16xf32>
        %all_reduce_population_count3A_371 = tpu.all_reduce %le3A_370 {dim = 0 : i64, kind = #tpu.reduction_kind<sum>} : vector<16xi1> -> vector<16xi32>
        %add3A_372 = arith.addi %all_reduce_population_count3A, %all_reduce_population_count3A_371 : vector<16xi32>
        %le3A_373 = arith.constant 7.500000e-01 : f32
        %le3A_374 = vector.broadcast %le3A_373 : f32 to vector<16xf32>
        %le3A_375 = arith.cmpf ole, %add3A_361, %le3A_374 : vector<16xf32>
        %all_reduce_population_count3A_376 = tpu.all_reduce %le3A_375 {dim = 0 : i64, kind = #tpu.reduction_kind<sum>} : vector<16xi1> -> vector<16xi32>
        %le3A_377 = arith.constant 7.500000e-01 : f32
        %le3A_378 = vector.broadcast %le3A_377 : f32 to vector<16xf32>
        %le3A_379 = arith.cmpf ole, %add3A_365, %le3A_378 : vector<16xf32>
        %all_reduce_population_count3A_380 = tpu.all_reduce %le3A_379 {dim = 0 : i64, kind = #tpu.reduction_kind<sum>} : vector<16xi1> -> vector<16xi32>
        %add3A_381 = arith.addi %all_reduce_population_count3A_376, %all_reduce_population_count3A_380 : vector<16xi32>
        %add3A_382 = arith.addi %add3A_372, %add3A_381 : vector<16xi32>
        %max3A_383 = arith.constant 2 : i32
        %max3A_384 = vector.broadcast %max3A_383 : i32 to vector<16xi32>
        %max3A_385 = arith.maxsi %add3A_382, %max3A_384 : vector<16xi32>
        %sub3A_386 = arith.constant 64 : i32
        %sub3A_387 = vector.broadcast %sub3A_386 : i32 to vector<16xi32>
        %sub3A_388 = arith.subi %sub3A_387, %max3A_385 : vector<16xi32>
        %jit3A = arith.constant 0 : i32
        %jit3A_389 = arith.constant 15 : i32
        %max3A_390 = vector.broadcast %jit3A : i32 to vector<16xi32>
        %max3A_391 = arith.maxsi %max3A_390, %sub3A_388 : vector<16xi32>
        %min3A_392 = vector.broadcast %jit3A_389 : i32 to vector<16xi32>
        %min3A_393 = arith.minsi %min3A_392, %max3A_391 : vector<16xi32>
        %broadcast_in_dim3A_394 = vector.shape_cast %min3A_393 : vector<16xi32> to vector<16x1xi32>
        %gather3A_395 = vector.shape_cast %broadcast_in_dim3A_394 : vector<16x1xi32> to vector<16xi32>
        %gather3A_396 = tpu.dynamic_gather %sort3A_307[%gather3A_395] in [0] : vector<16xf32>, vector<16xi32> -> vector<16xf32>
        %sub3A_397 = arith.constant 16 : i32
        %sub3A_398 = vector.broadcast %sub3A_397 : i32 to vector<16xi32>
        %sub3A_399 = arith.subi %sub3A_388, %sub3A_398 : vector<16xi32>
        %jit3A_400 = arith.constant 0 : i32
        %jit3A_401 = arith.constant 15 : i32
        %max3A_402 = vector.broadcast %jit3A_400 : i32 to vector<16xi32>
        %max3A_403 = arith.maxsi %max3A_402, %sub3A_399 : vector<16xi32>
        %min3A_404 = vector.broadcast %jit3A_401 : i32 to vector<16xi32>
        %min3A_405 = arith.minsi %min3A_404, %max3A_403 : vector<16xi32>
        %broadcast_in_dim3A_406 = vector.shape_cast %min3A_405 : vector<16xi32> to vector<16x1xi32>
        %gather3A_407 = vector.shape_cast %broadcast_in_dim3A_406 : vector<16x1xi32> to vector<16xi32>
        %gather3A_408 = tpu.dynamic_gather %sort3A_312[%gather3A_407] in [0] : vector<16xf32>, vector<16xi32> -> vector<16xf32>
        %sub3A_409 = arith.constant 32 : i32
        %sub3A_410 = vector.broadcast %sub3A_409 : i32 to vector<16xi32>
        %sub3A_411 = arith.subi %sub3A_388, %sub3A_410 : vector<16xi32>
        %jit3A_412 = arith.constant 0 : i32
        %jit3A_413 = arith.constant 15 : i32
        %max3A_414 = vector.broadcast %jit3A_412 : i32 to vector<16xi32>
        %max3A_415 = arith.maxsi %max3A_414, %sub3A_411 : vector<16xi32>
        %min3A_416 = vector.broadcast %jit3A_413 : i32 to vector<16xi32>
        %min3A_417 = arith.minsi %min3A_416, %max3A_415 : vector<16xi32>
        %broadcast_in_dim3A_418 = vector.shape_cast %min3A_417 : vector<16xi32> to vector<16x1xi32>
        %gather3A_419 = vector.shape_cast %broadcast_in_dim3A_418 : vector<16x1xi32> to vector<16xi32>
        %gather3A_420 = tpu.dynamic_gather %sort3A_317[%gather3A_419] in [0] : vector<16xf32>, vector<16xi32> -> vector<16xf32>
        %sub3A_421 = arith.constant 48 : i32
        %sub3A_422 = vector.broadcast %sub3A_421 : i32 to vector<16xi32>
        %sub3A_423 = arith.subi %sub3A_388, %sub3A_422 : vector<16xi32>
        %jit3A_424 = arith.constant 0 : i32
        %jit3A_425 = arith.constant 15 : i32
        %max3A_426 = vector.broadcast %jit3A_424 : i32 to vector<16xi32>
        %max3A_427 = arith.maxsi %max3A_426, %sub3A_423 : vector<16xi32>
        %min3A_428 = vector.broadcast %jit3A_425 : i32 to vector<16xi32>
        %min3A_429 = arith.minsi %min3A_428, %max3A_427 : vector<16xi32>
        %broadcast_in_dim3A_430 = vector.shape_cast %min3A_429 : vector<16xi32> to vector<16x1xi32>
        %gather3A_431 = vector.shape_cast %broadcast_in_dim3A_430 : vector<16x1xi32> to vector<16xi32>
        %gather3A_432 = tpu.dynamic_gather %sort3A_322[%gather3A_431] in [0] : vector<16xf32>, vector<16xi32> -> vector<16xf32>
        %shift_right_arithmetic3A = arith.constant 4 : i32
        %shift_right_arithmetic3A_433 = vector.broadcast %shift_right_arithmetic3A : i32 to vector<16xi32>
        %shift_right_arithmetic3A_434 = arith.shrsi %sub3A_388, %shift_right_arithmetic3A_433 : vector<16xi32>
        %eq3A = arith.constant 0 : i32
        %eq3A_435 = vector.broadcast %eq3A : i32 to vector<16xi32>
        %eq3A_436 = arith.cmpi eq, %shift_right_arithmetic3A_434, %eq3A_435 : vector<16xi32>
        %eq3A_437 = arith.constant 1 : i32
        %eq3A_438 = vector.broadcast %eq3A_437 : i32 to vector<16xi32>
        %eq3A_439 = arith.cmpi eq, %shift_right_arithmetic3A_434, %eq3A_438 : vector<16xi32>
        %eq3A_440 = arith.constant 2 : i32
        %eq3A_441 = vector.broadcast %eq3A_440 : i32 to vector<16xi32>
        %eq3A_442 = arith.cmpi eq, %shift_right_arithmetic3A_434, %eq3A_441 : vector<16xi32>
        %select_n3A = arith.select %eq3A_442, %gather3A_420, %gather3A_432 : vector<16xi1>, vector<16xf32>
        %select_n3A_443 = arith.select %eq3A_439, %gather3A_408, %select_n3A : vector<16xi1>, vector<16xf32>
        %select_n3A_444 = arith.select %eq3A_436, %gather3A_396, %select_n3A_443 : vector<16xi1>, vector<16xf32>
        %ge3A = arith.constant 3.800000e+00 : f32
        %ge3A_445 = arith.cmpf oge, %neg3A_266, %ge3A : f32
        %ge3A_446 = arith.cmpf oge, %mul3A_136, %select_n3A_444 : vector<16xf32>
        %or3A = vector.broadcast %ge3A_445 : i1 to vector<16xi1>
        %or3A_447 = arith.ori %ge3A_446, %or3A : vector<16xi1>
        %ge3A_448 = arith.cmpf oge, %mul3A_137, %select_n3A_444 : vector<16xf32>
        %or3A_449 = vector.broadcast %ge3A_445 : i1 to vector<16xi1>
        %or3A_450 = arith.ori %ge3A_448, %or3A_449 : vector<16xi1>
        %ge3A_451 = arith.cmpf oge, %mul3A_138, %select_n3A_444 : vector<16xf32>
        %or3A_452 = vector.broadcast %ge3A_445 : i1 to vector<16xi1>
        %or3A_453 = arith.ori %ge3A_451, %or3A_452 : vector<16xi1>
        %ge3A_454 = arith.cmpf oge, %mul3A_139, %select_n3A_444 : vector<16xf32>
        %or3A_455 = vector.broadcast %ge3A_445 : i1 to vector<16xi1>
        %or3A_456 = arith.ori %ge3A_454, %or3A_455 : vector<16xi1>
        %jit3A_457 = arith.constant 0.000000e+00 : f32
        %broadcast_in_dim3A_458 = vector.broadcast %jit3A_457 : f32 to vector<16xf32>
        %select_n3A_459 = arith.select %or3A_447, %mul3A_136, %broadcast_in_dim3A_458 : vector<16xi1>, vector<16xf32>
        %jit3A_460 = arith.constant 0.000000e+00 : f32
        %broadcast_in_dim3A_461 = vector.broadcast %jit3A_460 : f32 to vector<16xf32>
        %select_n3A_462 = arith.select %or3A_450, %mul3A_137, %broadcast_in_dim3A_461 : vector<16xi1>, vector<16xf32>
        %jit3A_463 = arith.constant 0.000000e+00 : f32
        %broadcast_in_dim3A_464 = vector.broadcast %jit3A_463 : f32 to vector<16xf32>
        %select_n3A_465 = arith.select %or3A_453, %mul3A_138, %broadcast_in_dim3A_464 : vector<16xi1>, vector<16xf32>
        %jit3A_466 = arith.constant 0.000000e+00 : f32
        %broadcast_in_dim3A_467 = vector.broadcast %jit3A_466 : f32 to vector<16xf32>
        %select_n3A_468 = arith.select %or3A_456, %mul3A_139, %broadcast_in_dim3A_467 : vector<16xi1>, vector<16xf32>
        %mul3A_469 = arith.constant 128 : i32
        %mul3A_470 = arith.muli %scan3A_84, %mul3A_469 : i32
        %add3A_471 = arith.constant 64 : i32
        %add3A_472 = arith.addi %mul3A_470, %add3A_471 : i32
        %get3A_473 = arith.index_cast %add3A_472 : i32 to index
        %get3A_474 = tpu.vector_load %arg6[%get3A_473] {strides = array<i32>} : memref<32768xf32, #tpu.memory_space<vmem>>, vector<16xf32>,
        %add3A_475 = arith.constant 16 : i32
        %add3A_476 = arith.addi %add3A_472, %add3A_475 : i32
        %get3A_477 = arith.index_cast %add3A_476 : i32 to index
        %get3A_478 = tpu.vector_load %arg6[%get3A_477] {strides = array<i32>} : memref<32768xf32, #tpu.memory_space<vmem>>, vector<16xf32>,
        %add3A_479 = arith.constant 32 : i32
        %add3A_480 = arith.addi %add3A_472, %add3A_479 : i32
        %get3A_481 = arith.index_cast %add3A_480 : i32 to index
        %get3A_482 = tpu.vector_load %arg6[%get3A_481] {strides = array<i32>} : memref<32768xf32, #tpu.memory_space<vmem>>, vector<16xf32>,
        %add3A_483 = arith.constant 48 : i32
        %add3A_484 = arith.addi %add3A_472, %add3A_483 : i32
        %get3A_485 = arith.index_cast %add3A_484 : i32 to index
        %get3A_486 = tpu.vector_load %arg6[%get3A_485] {strides = array<i32>} : memref<32768xf32, #tpu.memory_space<vmem>>, vector<16xf32>,
        %max3A_487 = arith.maximumf %get3A_474, %get3A_478 : vector<16xf32>
        %max3A_488 = arith.maximumf %get3A_482, %get3A_486 : vector<16xf32>
        %max3A_489 = arith.maximumf %max3A_487, %max3A_488 : vector<16xf32>
        %reduce_max3A_490 = arith.constant true
        %reduce_max3A_491 = vector.broadcast %reduce_max3A_490 : i1 to vector<16xi1>
        %reduce_max3A_492 = tpu.scan <max>, %max3A_489 masked %reduce_max3A_491 : vector<16xf32>, vector<16xi1> -> vector<16xf32>
        %reduce_max3A_493 = vector.extract %reduce_max3A_492[15] : f32 from vector<16xf32>
        %sub3A_494 = vector.broadcast %reduce_max3A_493 : f32 to vector<16xf32>
        %sub3A_495 = arith.subf %get3A_474, %sub3A_494 : vector<16xf32>
        %exp3A_496 = math.exp %sub3A_495 : vector<16xf32>
        %sub3A_497 = vector.broadcast %reduce_max3A_493 : f32 to vector<16xf32>
        %sub3A_498 = arith.subf %get3A_478, %sub3A_497 : vector<16xf32>
        %exp3A_499 = math.exp %sub3A_498 : vector<16xf32>
        %sub3A_500 = vector.broadcast %reduce_max3A_493 : f32 to vector<16xf32>
        %sub3A_501 = arith.subf %get3A_482, %sub3A_500 : vector<16xf32>
        %exp3A_502 = math.exp %sub3A_501 : vector<16xf32>
        %sub3A_503 = vector.broadcast %reduce_max3A_493 : f32 to vector<16xf32>
        %sub3A_504 = arith.subf %get3A_486, %sub3A_503 : vector<16xf32>
        %exp3A_505 = math.exp %sub3A_504 : vector<16xf32>
        %add3A_506 = arith.addf %exp3A_496, %exp3A_499 : vector<16xf32>
        %add3A_507 = arith.addf %exp3A_502, %exp3A_505 : vector<16xf32>
        %add3A_508 = arith.addf %add3A_506, %add3A_507 : vector<16xf32>
        %reduce_sum3A_509 = arith.constant true
        %reduce_sum3A_510 = vector.broadcast %reduce_sum3A_509 : i1 to vector<16xi1>
        %reduce_sum3A_511 = tpu.scan <sum>, %add3A_508 masked %reduce_sum3A_510 : vector<16xf32>, vector<16xi1> -> vector<16xf32>
        %reduce_sum3A_512 = vector.extract %reduce_sum3A_511[15] : f32 from vector<16xf32>
        %broadcast_in_dim3A_513 = arith.constant 0.000000e+00 : f32
        %broadcast_in_dim3A_514 = vector.broadcast %broadcast_in_dim3A_513 : f32 to vector<16xf32>
        %add3A_515 = vector.broadcast %reduce_sum3A_512 : f32 to vector<16xf32>
        %add3A_516 = arith.addf %broadcast_in_dim3A_514, %add3A_515 : vector<16xf32>
        %div3A_517 = arith.constant 1.000000e+00 : f32
        %div3A_518 = vector.broadcast %div3A_517 : f32 to vector<16xf32>
        %div3A_519 = arith.divf %div3A_518, %add3A_516 : vector<16xf32>
        %mul3A_520 = arith.mulf %exp3A_496, %div3A_519 : vector<16xf32>
        %mul3A_521 = arith.mulf %exp3A_499, %div3A_519 : vector<16xf32>
        %mul3A_522 = arith.mulf %exp3A_502, %div3A_519 : vector<16xf32>
        %mul3A_523 = arith.mulf %exp3A_505, %div3A_519 : vector<16xf32>
        %add3A_524 = arith.constant 9.99999974E-6 : f32
        %add3A_525 = vector.broadcast %add3A_524 : f32 to vector<16xf32>
        %add3A_526 = arith.addf %mul3A_520, %add3A_525 : vector<16xf32>
        %bitcast3A_527 = vector.bitcast %add3A_526 : vector<16xf32> to vector<16xi32>
        %convert_element_type3A_528 = arith.sitofp %bitcast3A_527 : vector<16xi32> to vector<16xf32>
        %mul3A_529 = arith.constant 8.26295832E-8 : f32
        %mul3A_530 = vector.broadcast %mul3A_529 : f32 to vector<16xf32>
        %mul3A_531 = arith.mulf %convert_element_type3A_528, %mul3A_530 : vector<16xf32>
        %sub3A_532 = arith.constant 88.060913 : f32
        %sub3A_533 = vector.broadcast %sub3A_532 : f32 to vector<16xf32>
        %sub3A_534 = arith.subf %mul3A_531, %sub3A_533 : vector<16xf32>
        %neg3A_535 = arith.constant 0.000000e+00 : f32
        %neg3A_536 = vector.broadcast %neg3A_535 : f32 to vector<16xf32>
        %neg3A_537 = arith.subf %neg3A_536, %sub3A_534 : vector<16xf32>
        %exp3A_538 = math.exp %neg3A_537 : vector<16xf32>
        %mul3A_539 = arith.mulf %add3A_526, %exp3A_538 : vector<16xf32>
        %add3A_540 = arith.addf %sub3A_534, %mul3A_539 : vector<16xf32>
        %sub3A_541 = arith.constant 1.000000e+00 : f32
        %sub3A_542 = vector.broadcast %sub3A_541 : f32 to vector<16xf32>
        %sub3A_543 = arith.subf %add3A_540, %sub3A_542 : vector<16xf32>
        %neg3A_544 = arith.constant 0.000000e+00 : f32
        %neg3A_545 = vector.broadcast %neg3A_544 : f32 to vector<16xf32>
        %neg3A_546 = arith.subf %neg3A_545, %sub3A_543 : vector<16xf32>
        %exp3A_547 = math.exp %neg3A_546 : vector<16xf32>
        %mul3A_548 = arith.mulf %add3A_526, %exp3A_547 : vector<16xf32>
        %add3A_549 = arith.addf %sub3A_543, %mul3A_548 : vector<16xf32>
        %sub3A_550 = arith.constant 1.000000e+00 : f32
        %sub3A_551 = vector.broadcast %sub3A_550 : f32 to vector<16xf32>
        %sub3A_552 = arith.subf %add3A_549, %sub3A_551 : vector<16xf32>
        %mul3A_553 = arith.mulf %mul3A_520, %sub3A_552 : vector<16xf32>
        %add3A_554 = arith.constant 9.99999974E-6 : f32
        %add3A_555 = vector.broadcast %add3A_554 : f32 to vector<16xf32>
        %add3A_556 = arith.addf %mul3A_521, %add3A_555 : vector<16xf32>
        %bitcast3A_557 = vector.bitcast %add3A_556 : vector<16xf32> to vector<16xi32>
        %convert_element_type3A_558 = arith.sitofp %bitcast3A_557 : vector<16xi32> to vector<16xf32>
        %mul3A_559 = arith.constant 8.26295832E-8 : f32
        %mul3A_560 = vector.broadcast %mul3A_559 : f32 to vector<16xf32>
        %mul3A_561 = arith.mulf %convert_element_type3A_558, %mul3A_560 : vector<16xf32>
        %sub3A_562 = arith.constant 88.060913 : f32
        %sub3A_563 = vector.broadcast %sub3A_562 : f32 to vector<16xf32>
        %sub3A_564 = arith.subf %mul3A_561, %sub3A_563 : vector<16xf32>
        %neg3A_565 = arith.constant 0.000000e+00 : f32
        %neg3A_566 = vector.broadcast %neg3A_565 : f32 to vector<16xf32>
        %neg3A_567 = arith.subf %neg3A_566, %sub3A_564 : vector<16xf32>
        %exp3A_568 = math.exp %neg3A_567 : vector<16xf32>
        %mul3A_569 = arith.mulf %add3A_556, %exp3A_568 : vector<16xf32>
        %add3A_570 = arith.addf %sub3A_564, %mul3A_569 : vector<16xf32>
        %sub3A_571 = arith.constant 1.000000e+00 : f32
        %sub3A_572 = vector.broadcast %sub3A_571 : f32 to vector<16xf32>
        %sub3A_573 = arith.subf %add3A_570, %sub3A_572 : vector<16xf32>
        %neg3A_574 = arith.constant 0.000000e+00 : f32
        %neg3A_575 = vector.broadcast %neg3A_574 : f32 to vector<16xf32>
        %neg3A_576 = arith.subf %neg3A_575, %sub3A_573 : vector<16xf32>
        %exp3A_577 = math.exp %neg3A_576 : vector<16xf32>
        %mul3A_578 = arith.mulf %add3A_556, %exp3A_577 : vector<16xf32>
        %add3A_579 = arith.addf %sub3A_573, %mul3A_578 : vector<16xf32>
        %sub3A_580 = arith.constant 1.000000e+00 : f32
        %sub3A_581 = vector.broadcast %sub3A_580 : f32 to vector<16xf32>
        %sub3A_582 = arith.subf %add3A_579, %sub3A_581 : vector<16xf32>
        %mul3A_583 = arith.mulf %mul3A_521, %sub3A_582 : vector<16xf32>
        %add3A_584 = arith.addf %mul3A_553, %mul3A_583 : vector<16xf32>
        %add3A_585 = arith.constant 9.99999974E-6 : f32
        %add3A_586 = vector.broadcast %add3A_585 : f32 to vector<16xf32>
        %add3A_587 = arith.addf %mul3A_522, %add3A_586 : vector<16xf32>
        %bitcast3A_588 = vector.bitcast %add3A_587 : vector<16xf32> to vector<16xi32>
        %convert_element_type3A_589 = arith.sitofp %bitcast3A_588 : vector<16xi32> to vector<16xf32>
        %mul3A_590 = arith.constant 8.26295832E-8 : f32
        %mul3A_591 = vector.broadcast %mul3A_590 : f32 to vector<16xf32>
        %mul3A_592 = arith.mulf %convert_element_type3A_589, %mul3A_591 : vector<16xf32>
        %sub3A_593 = arith.constant 88.060913 : f32
        %sub3A_594 = vector.broadcast %sub3A_593 : f32 to vector<16xf32>
        %sub3A_595 = arith.subf %mul3A_592, %sub3A_594 : vector<16xf32>
        %neg3A_596 = arith.constant 0.000000e+00 : f32
        %neg3A_597 = vector.broadcast %neg3A_596 : f32 to vector<16xf32>
        %neg3A_598 = arith.subf %neg3A_597, %sub3A_595 : vector<16xf32>
        %exp3A_599 = math.exp %neg3A_598 : vector<16xf32>
        %mul3A_600 = arith.mulf %add3A_587, %exp3A_599 : vector<16xf32>
        %add3A_601 = arith.addf %sub3A_595, %mul3A_600 : vector<16xf32>
        %sub3A_602 = arith.constant 1.000000e+00 : f32
        %sub3A_603 = vector.broadcast %sub3A_602 : f32 to vector<16xf32>
        %sub3A_604 = arith.subf %add3A_601, %sub3A_603 : vector<16xf32>
        %neg3A_605 = arith.constant 0.000000e+00 : f32
        %neg3A_606 = vector.broadcast %neg3A_605 : f32 to vector<16xf32>
        %neg3A_607 = arith.subf %neg3A_606, %sub3A_604 : vector<16xf32>
        %exp3A_608 = math.exp %neg3A_607 : vector<16xf32>
        %mul3A_609 = arith.mulf %add3A_587, %exp3A_608 : vector<16xf32>
        %add3A_610 = arith.addf %sub3A_604, %mul3A_609 : vector<16xf32>
        %sub3A_611 = arith.constant 1.000000e+00 : f32
        %sub3A_612 = vector.broadcast %sub3A_611 : f32 to vector<16xf32>
        %sub3A_613 = arith.subf %add3A_610, %sub3A_612 : vector<16xf32>
        %mul3A_614 = arith.mulf %mul3A_522, %sub3A_613 : vector<16xf32>
        %add3A_615 = arith.constant 9.99999974E-6 : f32
        %add3A_616 = vector.broadcast %add3A_615 : f32 to vector<16xf32>
        %add3A_617 = arith.addf %mul3A_523, %add3A_616 : vector<16xf32>
        %bitcast3A_618 = vector.bitcast %add3A_617 : vector<16xf32> to vector<16xi32>
        %convert_element_type3A_619 = arith.sitofp %bitcast3A_618 : vector<16xi32> to vector<16xf32>
        %mul3A_620 = arith.constant 8.26295832E-8 : f32
        %mul3A_621 = vector.broadcast %mul3A_620 : f32 to vector<16xf32>
        %mul3A_622 = arith.mulf %convert_element_type3A_619, %mul3A_621 : vector<16xf32>
        %sub3A_623 = arith.constant 88.060913 : f32
        %sub3A_624 = vector.broadcast %sub3A_623 : f32 to vector<16xf32>
        %sub3A_625 = arith.subf %mul3A_622, %sub3A_624 : vector<16xf32>
        %neg3A_626 = arith.constant 0.000000e+00 : f32
        %neg3A_627 = vector.broadcast %neg3A_626 : f32 to vector<16xf32>
        %neg3A_628 = arith.subf %neg3A_627, %sub3A_625 : vector<16xf32>
        %exp3A_629 = math.exp %neg3A_628 : vector<16xf32>
        %mul3A_630 = arith.mulf %add3A_617, %exp3A_629 : vector<16xf32>
        %add3A_631 = arith.addf %sub3A_625, %mul3A_630 : vector<16xf32>
        %sub3A_632 = arith.constant 1.000000e+00 : f32
        %sub3A_633 = vector.broadcast %sub3A_632 : f32 to vector<16xf32>
        %sub3A_634 = arith.subf %add3A_631, %sub3A_633 : vector<16xf32>
        %neg3A_635 = arith.constant 0.000000e+00 : f32
        %neg3A_636 = vector.broadcast %neg3A_635 : f32 to vector<16xf32>
        %neg3A_637 = arith.subf %neg3A_636, %sub3A_634 : vector<16xf32>
        %exp3A_638 = math.exp %neg3A_637 : vector<16xf32>
        %mul3A_639 = arith.mulf %add3A_617, %exp3A_638 : vector<16xf32>
        %add3A_640 = arith.addf %sub3A_634, %mul3A_639 : vector<16xf32>
        %sub3A_641 = arith.constant 1.000000e+00 : f32
        %sub3A_642 = vector.broadcast %sub3A_641 : f32 to vector<16xf32>
        %sub3A_643 = arith.subf %add3A_640, %sub3A_642 : vector<16xf32>
        %mul3A_644 = arith.mulf %mul3A_523, %sub3A_643 : vector<16xf32>
        %add3A_645 = arith.addf %mul3A_614, %mul3A_644 : vector<16xf32>
        %add3A_646 = arith.addf %add3A_584, %add3A_645 : vector<16xf32>
        %reduce_sum3A_647 = arith.constant true
        %reduce_sum3A_648 = vector.broadcast %reduce_sum3A_647 : i1 to vector<16xi1>
        %reduce_sum3A_649 = tpu.scan <sum>, %add3A_646 masked %reduce_sum3A_648 : vector<16xf32>, vector<16xi1> -> vector<16xf32>
        %reduce_sum3A_650 = vector.extract %reduce_sum3A_649[15] : f32 from vector<16xf32>
        %neg3A_651 = arith.constant 0.000000e+00 : f32
        %neg3A_652 = arith.subf %neg3A_651, %reduce_sum3A_650 : f32
        %sort3A_653 = arith.constant dense<true> : vector<16xi1>
        %sort3A_654, %sort3A_655, %sort3A_656 = tpu.sort %mul3A_520, %mul3A_520 masked %sort3A_653 : (vector<16xf32>, vector<16xf32>, vector<16xi1>) -> (vector<16xi1>, vector<16xf32>, vector<16xf32>)
        %masked_sort3A_657 = arith.constant dense<true> : vector<16xi1>
        %masked_sort3A_658, %masked_sort3A_659, %masked_sort3A_660 = tpu.sort %mul3A_521, %mul3A_521 masked %masked_sort3A_657 {descending = true} : (vector<16xf32>, vector<16xf32>, vector<16xi1>) -> (vector<16xi1>, vector<16xf32>, vector<16xf32>)
        %sort3A_661 = arith.constant dense<true> : vector<16xi1>
        %sort3A_662, %sort3A_663, %sort3A_664 = tpu.sort %mul3A_522, %mul3A_522 masked %sort3A_661 : (vector<16xf32>, vector<16xf32>, vector<16xi1>) -> (vector<16xi1>, vector<16xf32>, vector<16xf32>)
        %masked_sort3A_665 = arith.constant dense<true> : vector<16xi1>
        %masked_sort3A_666, %masked_sort3A_667, %masked_sort3A_668 = tpu.sort %mul3A_523, %mul3A_523 masked %masked_sort3A_665 {descending = true} : (vector<16xf32>, vector<16xf32>, vector<16xi1>) -> (vector<16xi1>, vector<16xf32>, vector<16xf32>)
        %min3A_669 = arith.minimumf %sort3A_655, %masked_sort3A_659 : vector<16xf32>
        %sort3A_670 = arith.constant dense<true> : vector<16xi1>
        %sort3A_671, %sort3A_672, %sort3A_673 = tpu.sort %min3A_669, %min3A_669 masked %sort3A_670 : (vector<16xf32>, vector<16xf32>, vector<16xi1>) -> (vector<16xi1>, vector<16xf32>, vector<16xf32>)
        %max3A_674 = arith.maximumf %sort3A_655, %masked_sort3A_659 : vector<16xf32>
        %sort3A_675 = arith.constant dense<true> : vector<16xi1>
        %sort3A_676, %sort3A_677, %sort3A_678 = tpu.sort %max3A_674, %max3A_674 masked %sort3A_675 : (vector<16xf32>, vector<16xf32>, vector<16xi1>) -> (vector<16xi1>, vector<16xf32>, vector<16xf32>)
        %max3A_679 = arith.maximumf %sort3A_663, %masked_sort3A_667 : vector<16xf32>
        %masked_sort3A_680 = arith.constant dense<true> : vector<16xi1>
        %masked_sort3A_681, %masked_sort3A_682, %masked_sort3A_683 = tpu.sort %max3A_679, %max3A_679 masked %masked_sort3A_680 {descending = true} : (vector<16xf32>, vector<16xf32>, vector<16xi1>) -> (vector<16xi1>, vector<16xf32>, vector<16xf32>)
        %min3A_684 = arith.minimumf %sort3A_663, %masked_sort3A_667 : vector<16xf32>
        %masked_sort3A_685 = arith.constant dense<true> : vector<16xi1>
        %masked_sort3A_686, %masked_sort3A_687, %masked_sort3A_688 = tpu.sort %min3A_684, %min3A_684 masked %masked_sort3A_685 {descending = true} : (vector<16xf32>, vector<16xf32>, vector<16xi1>) -> (vector<16xi1>, vector<16xf32>, vector<16xf32>)
        %min3A_689 = arith.minimumf %sort3A_672, %masked_sort3A_682 : vector<16xf32>
        %max3A_690 = arith.maximumf %sort3A_672, %masked_sort3A_682 : vector<16xf32>
        %min3A_691 = arith.minimumf %sort3A_677, %masked_sort3A_687 : vector<16xf32>
        %max3A_692 = arith.maximumf %sort3A_677, %masked_sort3A_687 : vector<16xf32>
        %min3A_693 = arith.minimumf %min3A_689, %min3A_691 : vector<16xf32>
        %sort3A_694 = arith.constant dense<true> : vector<16xi1>
        %sort3A_695, %sort3A_696, %sort3A_697 = tpu.sort %min3A_693, %min3A_693 masked %sort3A_694 : (vector<16xf32>, vector<16xf32>, vector<16xi1>) -> (vector<16xi1>, vector<16xf32>, vector<16xf32>)
        %max3A_698 = arith.maximumf %min3A_689, %min3A_691 : vector<16xf32>
        %sort3A_699 = arith.constant dense<true> : vector<16xi1>
        %sort3A_700, %sort3A_701, %sort3A_702 = tpu.sort %max3A_698, %max3A_698 masked %sort3A_699 : (vector<16xf32>, vector<16xf32>, vector<16xi1>) -> (vector<16xi1>, vector<16xf32>, vector<16xf32>)
        %min3A_703 = arith.minimumf %max3A_690, %max3A_692 : vector<16xf32>
        %sort3A_704 = arith.constant dense<true> : vector<16xi1>
        %sort3A_705, %sort3A_706, %sort3A_707 = tpu.sort %min3A_703, %min3A_703 masked %sort3A_704 : (vector<16xf32>, vector<16xf32>, vector<16xi1>) -> (vector<16xi1>, vector<16xf32>, vector<16xf32>)
        %max3A_708 = arith.maximumf %max3A_690, %max3A_692 : vector<16xf32>
        %sort3A_709 = arith.constant dense<true> : vector<16xi1>
        %sort3A_710, %sort3A_711, %sort3A_712 = tpu.sort %max3A_708, %max3A_708 masked %sort3A_709 : (vector<16xf32>, vector<16xf32>, vector<16xi1>) -> (vector<16xi1>, vector<16xf32>, vector<16xf32>)
        %broadcast_in_dim3A_713 = arith.constant 15 : i32
        %broadcast_in_dim3A_714 = vector.broadcast %broadcast_in_dim3A_713 : i32 to vector<16xi32>
        %broadcast_in_dim3A_715 = arith.constant true
        %broadcast_in_dim3A_716 = vector.broadcast %broadcast_in_dim3A_715 : i1 to vector<16xi1>
        %masked_cumsum3A_717 = tpu.scan <sum>, %sort3A_696 masked %broadcast_in_dim3A_716 : vector<16xf32>, vector<16xi1> -> vector<16xf32>
        %broadcast_in_dim3A_718 = arith.constant true
        %broadcast_in_dim3A_719 = vector.broadcast %broadcast_in_dim3A_718 : i1 to vector<16xi1>
        %masked_cumsum3A_720 = tpu.scan <sum>, %sort3A_701 masked %broadcast_in_dim3A_719 : vector<16xf32>, vector<16xi1> -> vector<16xf32>
        %broadcast_in_dim3A_721 = arith.constant true
        %broadcast_in_dim3A_722 = vector.broadcast %broadcast_in_dim3A_721 : i1 to vector<16xi1>
        %masked_cumsum3A_723 = tpu.scan <sum>, %sort3A_706 masked %broadcast_in_dim3A_722 : vector<16xf32>, vector<16xi1> -> vector<16xf32>
        %broadcast_in_dim3A_724 = arith.constant true
        %broadcast_in_dim3A_725 = vector.broadcast %broadcast_in_dim3A_724 : i1 to vector<16xi1>
        %masked_cumsum3A_726 = tpu.scan <sum>, %sort3A_711 masked %broadcast_in_dim3A_725 : vector<16xf32>, vector<16xi1> -> vector<16xf32>
        %broadcast_in_dim3A_727 = vector.shape_cast %broadcast_in_dim3A_714 : vector<16xi32> to vector<16x1xi32>
        %gather3A_728 = vector.shape_cast %broadcast_in_dim3A_727 : vector<16x1xi32> to vector<16xi32>
        %gather3A_729 = tpu.dynamic_gather %masked_cumsum3A_717[%gather3A_728] in [0] : vector<16xf32>, vector<16xi32> -> vector<16xf32>
        %broadcast_in_dim3A_730 = vector.shape_cast %broadcast_in_dim3A_714 : vector<16xi32> to vector<16x1xi32>
        %gather3A_731 = vector.shape_cast %broadcast_in_dim3A_730 : vector<16x1xi32> to vector<16xi32>
        %gather3A_732 = tpu.dynamic_gather %masked_cumsum3A_720[%gather3A_731] in [0] : vector<16xf32>, vector<16xi32> -> vector<16xf32>
        %broadcast_in_dim3A_733 = vector.shape_cast %broadcast_in_dim3A_714 : vector<16xi32> to vector<16x1xi32>
        %gather3A_734 = vector.shape_cast %broadcast_in_dim3A_733 : vector<16x1xi32> to vector<16xi32>
        %gather3A_735 = tpu.dynamic_gather %masked_cumsum3A_723[%gather3A_734] in [0] : vector<16xf32>, vector<16xi32> -> vector<16xf32>
        %add3A_736 = arith.addf %gather3A_729, %gather3A_732 : vector<16xf32>
        %add3A_737 = arith.addf %masked_cumsum3A_720, %gather3A_729 : vector<16xf32>
        %add3A_738 = arith.addf %masked_cumsum3A_723, %add3A_736 : vector<16xf32>
        %add3A_739 = arith.addf %add3A_736, %gather3A_735 : vector<16xf32>
        %add3A_740 = arith.addf %masked_cumsum3A_726, %add3A_739 : vector<16xf32>
        %sub3A_741 = arith.constant 1.000000e+00 : f32
        %sub3A_742 = vector.broadcast %sub3A_741 : f32 to vector<16xf32>
        %sub3A_743 = arith.subf %sub3A_742, %masked_cumsum3A_717 : vector<16xf32>
        %add3A_744 = arith.addf %sort3A_696, %sub3A_743 : vector<16xf32>
        %sub3A_745 = arith.constant 1.000000e+00 : f32
        %sub3A_746 = vector.broadcast %sub3A_745 : f32 to vector<16xf32>
        %sub3A_747 = arith.subf %sub3A_746, %add3A_737 : vector<16xf32>
        %add3A_748 = arith.addf %sort3A_701, %sub3A_747 : vector<16xf32>
        %sub3A_749 = arith.constant 1.000000e+00 : f32
        %sub3A_750 = vector.broadcast %sub3A_749 : f32 to vector<16xf32>
        %sub3A_751 = arith.subf %sub3A_750, %add3A_738 : vector<16xf32>
        %add3A_752 = arith.addf %sort3A_706, %sub3A_751 : vector<16xf32>
        %sub3A_753 = arith.constant 1.000000e+00 : f32
        %sub3A_754 = vector.broadcast %sub3A_753 : f32 to vector<16xf32>
        %sub3A_755 = arith.subf %sub3A_754, %add3A_740 : vector<16xf32>
        %add3A_756 = arith.addf %sort3A_711, %sub3A_755 : vector<16xf32>
        %le3A_757 = arith.constant 7.500000e-01 : f32
        %le3A_758 = vector.broadcast %le3A_757 : f32 to vector<16xf32>
        %le3A_759 = arith.cmpf ole, %add3A_744, %le3A_758 : vector<16xf32>
        %all_reduce_population_count3A_760 = tpu.all_reduce %le3A_759 {dim = 0 : i64, kind = #tpu.reduction_kind<sum>} : vector<16xi1> -> vector<16xi32>
        %le3A_761 = arith.constant 7.500000e-01 : f32
        %le3A_762 = vector.broadcast %le3A_761 : f32 to vector<16xf32>
        %le3A_763 = arith.cmpf ole, %add3A_748, %le3A_762 : vector<16xf32>
        %all_reduce_population_count3A_764 = tpu.all_reduce %le3A_763 {dim = 0 : i64, kind = #tpu.reduction_kind<sum>} : vector<16xi1> -> vector<16xi32>
        %add3A_765 = arith.addi %all_reduce_population_count3A_760, %all_reduce_population_count3A_764 : vector<16xi32>
        %le3A_766 = arith.constant 7.500000e-01 : f32
        %le3A_767 = vector.broadcast %le3A_766 : f32 to vector<16xf32>
        %le3A_768 = arith.cmpf ole, %add3A_752, %le3A_767 : vector<16xf32>
        %all_reduce_population_count3A_769 = tpu.all_reduce %le3A_768 {dim = 0 : i64, kind = #tpu.reduction_kind<sum>} : vector<16xi1> -> vector<16xi32>
        %le3A_770 = arith.constant 7.500000e-01 : f32
        %le3A_771 = vector.broadcast %le3A_770 : f32 to vector<16xf32>
        %le3A_772 = arith.cmpf ole, %add3A_756, %le3A_771 : vector<16xf32>
        %all_reduce_population_count3A_773 = tpu.all_reduce %le3A_772 {dim = 0 : i64, kind = #tpu.reduction_kind<sum>} : vector<16xi1> -> vector<16xi32>
        %add3A_774 = arith.addi %all_reduce_population_count3A_769, %all_reduce_population_count3A_773 : vector<16xi32>
        %add3A_775 = arith.addi %add3A_765, %add3A_774 : vector<16xi32>
        %max3A_776 = arith.constant 2 : i32
        %max3A_777 = vector.broadcast %max3A_776 : i32 to vector<16xi32>
        %max3A_778 = arith.maxsi %add3A_775, %max3A_777 : vector<16xi32>
        %sub3A_779 = arith.constant 64 : i32
        %sub3A_780 = vector.broadcast %sub3A_779 : i32 to vector<16xi32>
        %sub3A_781 = arith.subi %sub3A_780, %max3A_778 : vector<16xi32>
        %jit3A_782 = arith.constant 0 : i32
        %jit3A_783 = arith.constant 15 : i32
        %max3A_784 = vector.broadcast %jit3A_782 : i32 to vector<16xi32>
        %max3A_785 = arith.maxsi %max3A_784, %sub3A_781 : vector<16xi32>
        %min3A_786 = vector.broadcast %jit3A_783 : i32 to vector<16xi32>
        %min3A_787 = arith.minsi %min3A_786, %max3A_785 : vector<16xi32>
        %broadcast_in_dim3A_788 = vector.shape_cast %min3A_787 : vector<16xi32> to vector<16x1xi32>
        %gather3A_789 = vector.shape_cast %broadcast_in_dim3A_788 : vector<16x1xi32> to vector<16xi32>
        %gather3A_790 = tpu.dynamic_gather %sort3A_696[%gather3A_789] in [0] : vector<16xf32>, vector<16xi32> -> vector<16xf32>
        %sub3A_791 = arith.constant 16 : i32
        %sub3A_792 = vector.broadcast %sub3A_791 : i32 to vector<16xi32>
        %sub3A_793 = arith.subi %sub3A_781, %sub3A_792 : vector<16xi32>
        %jit3A_794 = arith.constant 0 : i32
        %jit3A_795 = arith.constant 15 : i32
        %max3A_796 = vector.broadcast %jit3A_794 : i32 to vector<16xi32>
        %max3A_797 = arith.maxsi %max3A_796, %sub3A_793 : vector<16xi32>
        %min3A_798 = vector.broadcast %jit3A_795 : i32 to vector<16xi32>
        %min3A_799 = arith.minsi %min3A_798, %max3A_797 : vector<16xi32>
        %broadcast_in_dim3A_800 = vector.shape_cast %min3A_799 : vector<16xi32> to vector<16x1xi32>
        %gather3A_801 = vector.shape_cast %broadcast_in_dim3A_800 : vector<16x1xi32> to vector<16xi32>
        %gather3A_802 = tpu.dynamic_gather %sort3A_701[%gather3A_801] in [0] : vector<16xf32>, vector<16xi32> -> vector<16xf32>
        %sub3A_803 = arith.constant 32 : i32
        %sub3A_804 = vector.broadcast %sub3A_803 : i32 to vector<16xi32>
        %sub3A_805 = arith.subi %sub3A_781, %sub3A_804 : vector<16xi32>
        %jit3A_806 = arith.constant 0 : i32
        %jit3A_807 = arith.constant 15 : i32
        %max3A_808 = vector.broadcast %jit3A_806 : i32 to vector<16xi32>
        %max3A_809 = arith.maxsi %max3A_808, %sub3A_805 : vector<16xi32>
        %min3A_810 = vector.broadcast %jit3A_807 : i32 to vector<16xi32>
        %min3A_811 = arith.minsi %min3A_810, %max3A_809 : vector<16xi32>
        %broadcast_in_dim3A_812 = vector.shape_cast %min3A_811 : vector<16xi32> to vector<16x1xi32>
        %gather3A_813 = vector.shape_cast %broadcast_in_dim3A_812 : vector<16x1xi32> to vector<16xi32>
        %gather3A_814 = tpu.dynamic_gather %sort3A_706[%gather3A_813] in [0] : vector<16xf32>, vector<16xi32> -> vector<16xf32>
        %sub3A_815 = arith.constant 48 : i32
        %sub3A_816 = vector.broadcast %sub3A_815 : i32 to vector<16xi32>
        %sub3A_817 = arith.subi %sub3A_781, %sub3A_816 : vector<16xi32>
        %jit3A_818 = arith.constant 0 : i32
        %jit3A_819 = arith.constant 15 : i32
        %max3A_820 = vector.broadcast %jit3A_818 : i32 to vector<16xi32>
        %max3A_821 = arith.maxsi %max3A_820, %sub3A_817 : vector<16xi32>
        %min3A_822 = vector.broadcast %jit3A_819 : i32 to vector<16xi32>
        %min3A_823 = arith.minsi %min3A_822, %max3A_821 : vector<16xi32>
        %broadcast_in_dim3A_824 = vector.shape_cast %min3A_823 : vector<16xi32> to vector<16x1xi32>
        %gather3A_825 = vector.shape_cast %broadcast_in_dim3A_824 : vector<16x1xi32> to vector<16xi32>
        %gather3A_826 = tpu.dynamic_gather %sort3A_711[%gather3A_825] in [0] : vector<16xf32>, vector<16xi32> -> vector<16xf32>
        %shift_right_arithmetic3A_827 = arith.constant 4 : i32
        %shift_right_arithmetic3A_828 = vector.broadcast %shift_right_arithmetic3A_827 : i32 to vector<16xi32>
        %shift_right_arithmetic3A_829 = arith.shrsi %sub3A_781, %shift_right_arithmetic3A_828 : vector<16xi32>
        %eq3A_830 = arith.constant 0 : i32
        %eq3A_831 = vector.broadcast %eq3A_830 : i32 to vector<16xi32>
        %eq3A_832 = arith.cmpi eq, %shift_right_arithmetic3A_829, %eq3A_831 : vector<16xi32>
        %eq3A_833 = arith.constant 1 : i32
        %eq3A_834 = vector.broadcast %eq3A_833 : i32 to vector<16xi32>
        %eq3A_835 = arith.cmpi eq, %shift_right_arithmetic3A_829, %eq3A_834 : vector<16xi32>
        %eq3A_836 = arith.constant 2 : i32
        %eq3A_837 = vector.broadcast %eq3A_836 : i32 to vector<16xi32>
        %eq3A_838 = arith.cmpi eq, %shift_right_arithmetic3A_829, %eq3A_837 : vector<16xi32>
        %select_n3A_839 = arith.select %eq3A_838, %gather3A_814, %gather3A_826 : vector<16xi1>, vector<16xf32>
        %select_n3A_840 = arith.select %eq3A_835, %gather3A_802, %select_n3A_839 : vector<16xi1>, vector<16xf32>
        %select_n3A_841 = arith.select %eq3A_832, %gather3A_790, %select_n3A_840 : vector<16xi1>, vector<16xf32>
        %ge3A_842 = arith.constant 3.800000e+00 : f32
        %ge3A_843 = arith.cmpf oge, %neg3A_652, %ge3A_842 : f32
        %ge3A_844 = arith.cmpf oge, %mul3A_520, %select_n3A_841 : vector<16xf32>
        %or3A_845 = vector.broadcast %ge3A_843 : i1 to vector<16xi1>
        %or3A_846 = arith.ori %ge3A_844, %or3A_845 : vector<16xi1>
        %ge3A_847 = arith.cmpf oge, %mul3A_521, %select_n3A_841 : vector<16xf32>
        %or3A_848 = vector.broadcast %ge3A_843 : i1 to vector<16xi1>
        %or3A_849 = arith.ori %ge3A_847, %or3A_848 : vector<16xi1>
        %ge3A_850 = arith.cmpf oge, %mul3A_522, %select_n3A_841 : vector<16xf32>
        %or3A_851 = vector.broadcast %ge3A_843 : i1 to vector<16xi1>
        %or3A_852 = arith.ori %ge3A_850, %or3A_851 : vector<16xi1>
        %ge3A_853 = arith.cmpf oge, %mul3A_523, %select_n3A_841 : vector<16xf32>
        %or3A_854 = vector.broadcast %ge3A_843 : i1 to vector<16xi1>
        %or3A_855 = arith.ori %ge3A_853, %or3A_854 : vector<16xi1>
        %jit3A_856 = arith.constant 0.000000e+00 : f32
        %broadcast_in_dim3A_857 = vector.broadcast %jit3A_856 : f32 to vector<16xf32>
        %select_n3A_858 = arith.select %or3A_846, %mul3A_520, %broadcast_in_dim3A_857 : vector<16xi1>, vector<16xf32>
        %jit3A_859 = arith.constant 0.000000e+00 : f32
        %broadcast_in_dim3A_860 = vector.broadcast %jit3A_859 : f32 to vector<16xf32>
        %select_n3A_861 = arith.select %or3A_849, %mul3A_521, %broadcast_in_dim3A_860 : vector<16xi1>, vector<16xf32>
        %jit3A_862 = arith.constant 0.000000e+00 : f32
        %broadcast_in_dim3A_863 = vector.broadcast %jit3A_862 : f32 to vector<16xf32>
        %select_n3A_864 = arith.select %or3A_852, %mul3A_522, %broadcast_in_dim3A_863 : vector<16xi1>, vector<16xf32>
        %jit3A_865 = arith.constant 0.000000e+00 : f32
        %broadcast_in_dim3A_866 = vector.broadcast %jit3A_865 : f32 to vector<16xf32>
        %select_n3A_867 = arith.select %or3A_855, %mul3A_523, %broadcast_in_dim3A_866 : vector<16xi1>, vector<16xf32>
        %mul3A_868 = arith.constant 2 : i32
        %mul3A_869 = arith.muli %mul3A_868, %scan3A_84 : i32
        %add3A_870 = arith.addi %mul3A_77, %mul3A_869 : i32
        %broadcast_in_dim3A_871 = vector.broadcast %add3A_870 : i32 to vector<16xi32>
        %gather3A_872 = tpu.vector_load_idx %arg7[%broadcast_in_dim3A_871] : memref<16384xf32, #tpu.memory_space<vmem>>[vector<16xi32>], vector<16xf32>,
        %mul3A_873 = arith.constant 2 : i32
        %mul3A_874 = arith.muli %mul3A_873, %scan3A_84 : i32
        %add3A_875 = arith.addi %mul3A_77, %mul3A_874 : i32
        %add3A_876 = arith.constant 1 : i32
        %add3A_877 = arith.addi %add3A_875, %add3A_876 : i32
        %broadcast_in_dim3A_878 = vector.broadcast %add3A_877 : i32 to vector<16xi32>
        %gather3A_879 = tpu.vector_load_idx %arg7[%broadcast_in_dim3A_878] : memref<16384xf32, #tpu.memory_space<vmem>>[vector<16xi32>], vector<16xf32>,
        %mul3A_880 = arith.mulf %select_n3A_459, %gather3A_872 : vector<16xf32>
        %mul3A_881 = arith.mulf %select_n3A_858, %gather3A_879 : vector<16xf32>
        %add3A_882 = arith.addf %mul3A_880, %mul3A_881 : vector<16xf32>
        %add3A_883 = arith.addf %scan3A_85, %add3A_882 : vector<16xf32>
        %mul3A_884 = arith.mulf %select_n3A_462, %gather3A_872 : vector<16xf32>
        %mul3A_885 = arith.mulf %select_n3A_861, %gather3A_879 : vector<16xf32>
        %add3A_886 = arith.addf %mul3A_884, %mul3A_885 : vector<16xf32>
        %add3A_887 = arith.addf %scan3A_86, %add3A_886 : vector<16xf32>
        %mul3A_888 = arith.mulf %select_n3A_465, %gather3A_872 : vector<16xf32>
        %mul3A_889 = arith.mulf %select_n3A_864, %gather3A_879 : vector<16xf32>
        %add3A_890 = arith.addf %mul3A_888, %mul3A_889 : vector<16xf32>
        %add3A_891 = arith.addf %scan3A_87, %add3A_890 : vector<16xf32>
        %mul3A_892 = arith.mulf %select_n3A_468, %gather3A_872 : vector<16xf32>
        %mul3A_893 = arith.mulf %select_n3A_867, %gather3A_879 : vector<16xf32>
        %add3A_894 = arith.addf %mul3A_892, %mul3A_893 : vector<16xf32>
        %add3A_895 = arith.addf %scan3A_88, %add3A_894 : vector<16xf32>
        %gt3A = arith.constant 0.000000e+00 : f32
        %gt3A_896 = vector.broadcast %gt3A : f32 to vector<16xf32>
        %gt3A_897 = arith.cmpf ogt, %select_n3A_459, %gt3A_896 : vector<16xf32>
        %jit3A_898 = arith.constant 0.000000e+00 : f32
        %broadcast_in_dim3A_899 = vector.broadcast %jit3A_898 : f32 to vector<16xf32>
        %select_n3A_900 = arith.select %gt3A_897, %gather3A_872, %broadcast_in_dim3A_899 : vector<16xi1>, vector<16xf32>
        %gt3A_901 = arith.constant 0.000000e+00 : f32
        %gt3A_902 = vector.broadcast %gt3A_901 : f32 to vector<16xf32>
        %gt3A_903 = arith.cmpf ogt, %select_n3A_858, %gt3A_902 : vector<16xf32>
        %jit3A_904 = arith.constant 0.000000e+00 : f32
        %broadcast_in_dim3A_905 = vector.broadcast %jit3A_904 : f32 to vector<16xf32>
        %select_n3A_906 = arith.select %gt3A_903, %gather3A_879, %broadcast_in_dim3A_905 : vector<16xi1>, vector<16xf32>
        %add3A_907 = arith.addf %select_n3A_900, %select_n3A_906 : vector<16xf32>
        %add3A_908 = arith.addf %scan3A_89, %add3A_907 : vector<16xf32>
        %gt3A_909 = arith.constant 0.000000e+00 : f32
        %gt3A_910 = vector.broadcast %gt3A_909 : f32 to vector<16xf32>
        %gt3A_911 = arith.cmpf ogt, %select_n3A_462, %gt3A_910 : vector<16xf32>
        %jit3A_912 = arith.constant 0.000000e+00 : f32
        %broadcast_in_dim3A_913 = vector.broadcast %jit3A_912 : f32 to vector<16xf32>
        %select_n3A_914 = arith.select %gt3A_911, %gather3A_872, %broadcast_in_dim3A_913 : vector<16xi1>, vector<16xf32>
        %gt3A_915 = arith.constant 0.000000e+00 : f32
        %gt3A_916 = vector.broadcast %gt3A_915 : f32 to vector<16xf32>
        %gt3A_917 = arith.cmpf ogt, %select_n3A_861, %gt3A_916 : vector<16xf32>
        %jit3A_918 = arith.constant 0.000000e+00 : f32
        %broadcast_in_dim3A_919 = vector.broadcast %jit3A_918 : f32 to vector<16xf32>
        %select_n3A_920 = arith.select %gt3A_917, %gather3A_879, %broadcast_in_dim3A_919 : vector<16xi1>, vector<16xf32>
        %add3A_921 = arith.addf %select_n3A_914, %select_n3A_920 : vector<16xf32>
        %add3A_922 = arith.addf %scan3A_90, %add3A_921 : vector<16xf32>
        %gt3A_923 = arith.constant 0.000000e+00 : f32
        %gt3A_924 = vector.broadcast %gt3A_923 : f32 to vector<16xf32>
        %gt3A_925 = arith.cmpf ogt, %select_n3A_465, %gt3A_924 : vector<16xf32>
        %jit3A_926 = arith.constant 0.000000e+00 : f32
        %broadcast_in_dim3A_927 = vector.broadcast %jit3A_926 : f32 to vector<16xf32>
        %select_n3A_928 = arith.select %gt3A_925, %gather3A_872, %broadcast_in_dim3A_927 : vector<16xi1>, vector<16xf32>
        %gt3A_929 = arith.constant 0.000000e+00 : f32
        %gt3A_930 = vector.broadcast %gt3A_929 : f32 to vector<16xf32>
        %gt3A_931 = arith.cmpf ogt, %select_n3A_864, %gt3A_930 : vector<16xf32>
        %jit3A_932 = arith.constant 0.000000e+00 : f32
        %broadcast_in_dim3A_933 = vector.broadcast %jit3A_932 : f32 to vector<16xf32>
        %select_n3A_934 = arith.select %gt3A_931, %gather3A_879, %broadcast_in_dim3A_933 : vector<16xi1>, vector<16xf32>
        %add3A_935 = arith.addf %select_n3A_928, %select_n3A_934 : vector<16xf32>
        %add3A_936 = arith.addf %scan3A_91, %add3A_935 : vector<16xf32>
        %gt3A_937 = arith.constant 0.000000e+00 : f32
        %gt3A_938 = vector.broadcast %gt3A_937 : f32 to vector<16xf32>
        %gt3A_939 = arith.cmpf ogt, %select_n3A_468, %gt3A_938 : vector<16xf32>
        %jit3A_940 = arith.constant 0.000000e+00 : f32
        %broadcast_in_dim3A_941 = vector.broadcast %jit3A_940 : f32 to vector<16xf32>
        %select_n3A_942 = arith.select %gt3A_939, %gather3A_872, %broadcast_in_dim3A_941 : vector<16xi1>, vector<16xf32>
        %gt3A_943 = arith.constant 0.000000e+00 : f32
        %gt3A_944 = vector.broadcast %gt3A_943 : f32 to vector<16xf32>
        %gt3A_945 = arith.cmpf ogt, %select_n3A_867, %gt3A_944 : vector<16xf32>
        %jit3A_946 = arith.constant 0.000000e+00 : f32
        %broadcast_in_dim3A_947 = vector.broadcast %jit3A_946 : f32 to vector<16xf32>
        %select_n3A_948 = arith.select %gt3A_945, %gather3A_879, %broadcast_in_dim3A_947 : vector<16xi1>, vector<16xf32>
        %add3A_949 = arith.addf %select_n3A_942, %select_n3A_948 : vector<16xf32>
        %add3A_950 = arith.addf %scan3A_92, %add3A_949 : vector<16xf32>
        %add3A_951 = arith.addf %neg3A_266, %neg3A_652 : f32
        %add3A_952 = arith.addf %scan3A_93, %add3A_951 : f32
        scf.yield %add3A_883, %add3A_887, %add3A_891, %add3A_895, %add3A_908, %add3A_922, %add3A_936, %add3A_950, %add3A_952 : vector<16xf32>, vector<16xf32>, vector<16xf32>, vector<16xf32>, vector<16xf32>, vector<16xf32>, vector<16xf32>, vector<16xf32>, f32
      }
      %scan3A_83 = arith.constant 256 : i32
      scf.yield %scan3A_82#0, %scan3A_82#1, %scan3A_82#2, %scan3A_82#3, %scan3A_82#4, %scan3A_82#5, %scan3A_82#6, %scan3A_82#7, %scan3A_82#8 : vector<16xf32>, vector<16xf32>, vector<16xf32>, vector<16xf32>, vector<16xf32>, vector<16xf32>, vector<16xf32>, vector<16xf32>, f32
    }
    %scan3A_12 = arith.constant 16 : i32
    %swap3A = arith.constant 0 : index
    %swap3A_13 = tpu.vector_load %arg8[%swap3A] {strides = array<i32>} : memref<144xf32, #tpu.memory_space<vmem>>, vector<16xf32>,
    tpu.vector_store %arg8[%swap3A], %scan3A_11#0 {strides = array<i32>} : memref<144xf32, #tpu.memory_space<vmem>>, vector<16xf32>,
    %swap3A_14 = arith.constant 64 : index
    %swap3A_15 = tpu.vector_load %arg8[%swap3A_14] {strides = array<i32>} : memref<144xf32, #tpu.memory_space<vmem>>, vector<16xf32>,
    tpu.vector_store %arg8[%swap3A_14], %scan3A_11#4 {strides = array<i32>} : memref<144xf32, #tpu.memory_space<vmem>>, vector<16xf32>,
    %swap3A_16 = arith.constant 16 : index
    %swap3A_17 = tpu.vector_load %arg8[%swap3A_16] {strides = array<i32>} : memref<144xf32, #tpu.memory_space<vmem>>, vector<16xf32>,
    tpu.vector_store %arg8[%swap3A_16], %scan3A_11#1 {strides = array<i32>} : memref<144xf32, #tpu.memory_space<vmem>>, vector<16xf32>,
    %swap3A_18 = arith.constant 80 : index
    %swap3A_19 = tpu.vector_load %arg8[%swap3A_18] {strides = array<i32>} : memref<144xf32, #tpu.memory_space<vmem>>, vector<16xf32>,
    tpu.vector_store %arg8[%swap3A_18], %scan3A_11#5 {strides = array<i32>} : memref<144xf32, #tpu.memory_space<vmem>>, vector<16xf32>,
    %swap3A_20 = arith.constant 32 : index
    %swap3A_21 = tpu.vector_load %arg8[%swap3A_20] {strides = array<i32>} : memref<144xf32, #tpu.memory_space<vmem>>, vector<16xf32>,
    tpu.vector_store %arg8[%swap3A_20], %scan3A_11#2 {strides = array<i32>} : memref<144xf32, #tpu.memory_space<vmem>>, vector<16xf32>,
    %swap3A_22 = arith.constant 96 : index
    %swap3A_23 = tpu.vector_load %arg8[%swap3A_22] {strides = array<i32>} : memref<144xf32, #tpu.memory_space<vmem>>, vector<16xf32>,
    tpu.vector_store %arg8[%swap3A_22], %scan3A_11#6 {strides = array<i32>} : memref<144xf32, #tpu.memory_space<vmem>>, vector<16xf32>,
    %swap3A_24 = arith.constant 48 : index
    %swap3A_25 = tpu.vector_load %arg8[%swap3A_24] {strides = array<i32>} : memref<144xf32, #tpu.memory_space<vmem>>, vector<16xf32>,
    tpu.vector_store %arg8[%swap3A_24], %scan3A_11#3 {strides = array<i32>} : memref<144xf32, #tpu.memory_space<vmem>>, vector<16xf32>,
    %swap3A_26 = arith.constant 112 : index
    %swap3A_27 = tpu.vector_load %arg8[%swap3A_26] {strides = array<i32>} : memref<144xf32, #tpu.memory_space<vmem>>, vector<16xf32>,
    tpu.vector_store %arg8[%swap3A_26], %scan3A_11#7 {strides = array<i32>} : memref<144xf32, #tpu.memory_space<vmem>>, vector<16xf32>,
    %broadcast_in_dim3A_28 = arith.constant 0.000000e+00 : f32
    %broadcast_in_dim3A_29 = vector.broadcast %broadcast_in_dim3A_28 : f32 to vector<16xf32>
    %add3A_30 = vector.broadcast %scan3A_11#8 : f32 to vector<16xf32>
    %add3A_31 = arith.addf %broadcast_in_dim3A_29, %add3A_30 : vector<16xf32>
    %swap3A_32 = arith.constant 128 : index
    %swap3A_33 = tpu.vector_load %arg8[%swap3A_32] {strides = array<i32>} : memref<144xf32, #tpu.memory_space<vmem>>, vector<16xf32>,
    tpu.vector_store %arg8[%swap3A_32], %add3A_31 {strides = array<i32>} : memref<144xf32, #tpu.memory_space<vmem>>, vector<16xf32>,
    %mul3A_34 = arith.constant 144 : i32
    %mul3A_35 = arith.muli %add3A, %mul3A_34 : i32
    "tpu.region"() ({
      %run_scoped3A = tpu.sem_alloc : memref<!tpu.dma_semaphore, #tpu.memory_space<semaphore_mem>>
      %dma_start3A_36 = tpu.memref_slice %arg4[%mul3A_35] : memref<4608xf32, #tpu.memory_space<hbm>> -> memref<144xf32, #tpu.memory_space<hbm>>
      %dma_start3A_37 = tpu.memref_slice %arg4[%mul3A_35] : memref<4608xf32, #tpu.memory_space<hbm>> -> memref<144xf32, #tpu.memory_space<hbm>>
      tpu.enqueue_dma source(%arg8 : memref<144xf32, #tpu.memory_space<vmem>>) target(%dma_start3A_37 : memref<144xf32, #tpu.memory_space<hbm>>) target_semaphore(%run_scoped3A : memref<!tpu.dma_semaphore, #tpu.memory_space<semaphore_mem>>)
      %dma_wait3A = tpu.memref_slice %arg4[%mul3A_35] : memref<4608xf32, #tpu.memory_space<hbm>> -> memref<144xf32, #tpu.memory_space<hbm>>
      %dma_wait3A_38 = tpu.memref_slice %arg4[%mul3A_35] : memref<4608xf32, #tpu.memory_space<hbm>> -> memref<144xf32, #tpu.memory_space<hbm>>
      tpu.wait_dma2 semaphore(%run_scoped3A : memref<!tpu.dma_semaphore, #tpu.memory_space<semaphore_mem>>) src(%arg8 : memref<144xf32, #tpu.memory_space<vmem>>) dst(%dma_wait3A_38 : memref<144xf32, #tpu.memory_space<hbm>>)
      tpu.yield
    }) : () -> ()
    return
  }
}

</mosaic_0001>

<sc_bundles>
// kernel: kernel.3.cloned.1.call-start
scs
__scs_entry_jumppad:
0x0: {  	(pc) =	sbr.rel $0x88, $3  }
0x1: {  	(tag) =	ssettag $0x0;
	lr =	simm.s32 $0x1  }
0x2: {  	[smem:$0x3F9F] =	sst lr;
	_ =	strace $0xD0000000  }
0x3: {  	_ = 	snop  }
0x4: {  	_ = 	snop  }
0x5: {  	_ = 	snop  }
0x6: {  	_ = 	snop  }
0x7: {  	_ = 	snop  }
__scs_overlays_trampoline_lowered:
0x8: {  	[smem:$0x3FAE] =	sst s0  }
0x9: {  	[smem:$0x3FAF] =	sst s1  }
0xa: {  	[smem:$0x3FB0] =	sst s2  }
0xb: {  	[smem:$0x3FB1] =	sst s3  }
0xc: {  	[smem:$0x3FB2] =	sst s4  }
0xd: {  	[smem:$0x3FB3] =	sst s5  }
0xe: {  	[smem:$0x3FB4] =	sst s6  }
0xf: {  	[smem:$0x3FB5] =	sst s7  }
0x10: {  	[smem:$0x3FB6] =	sst s8  }
0x11: {  	[smem:$0x3FB7] =	sst s9;
	s0 =	simm.s32 @!p0 $0x0  }
0x12: {  	s1 =	sld [smem:$0x3F9D];
	s0 =	simm.s32 @p0 $0x1  }
0x13: {  	[smem:$0x3FB8] =	sst s0;
	s0 =	simm.s32 @!p1 $0x0  }
0x14: {  	s2 =	sld [smem:$0x3F9C];
	s0 =	simm.s32 @p1 $0x1  }
0x15: {  	[smem:$0x3FB9] =	sst s0;
	s0 =	simm.s32 @!p2 $0x0  }
0x16: {  	s3 =	sld [smem:$0x3FDB];
	s0 =	simm.s32 @p2 $0x1  }
0x17: {  	s4 =	simm.s32 $0x1BF5;
	[smem:$0x3FBB] =	sst s0  }
0x18: {  	s0 =	sld [smem:$0x3F9E];
	_ =	swait.ge [sflag:s4], $0x0  }
0x19: {  	s7 =	sld [smem:$0x3F9F]  }
0x1a: {  	s8 =	sadd.s32 $0xFFFFE003, lr  }
0x1b: {  	s9 =	sadd.s32 $0xFFFFFEF7, lr;
	s5 =	simm.s32 $0xFFFFFFFF;
	p2 =	slt.u32 s8, $0xFFFFF086  }
0x1c: {  	p1 =	slt.u32 s9, $0xF7A;
	s5 =	simm.s32 @!p2 $0x0  }
0x1d: {  	s5 =	simm.s32 @p1 $0x1;
	p0 =	seq.s32 s7, s2  }
0x1e: {  	s7 =	smul.u32 @!p0 $0xF7A, s2;
	p2 =	seq.s32 @!p0 s5, $0x0  }
0x1f: {  	s9 =	smul.u32 $0xF7A, s1;
	s8 =	simm.s32 @!p0 $0x1BF5;
	p2 =	por !p2, p0  }
0x20: {  	[sflag:s8] =	ssyncset.s32 @!p0 $0xFFFFF086;
	s6 =	sadd.s32 @!p0 s3, s7;
	s7 =	simm.s32 @!p0 $0x108  }
0x21: {  	s3 =	sadd.s32 s3, s9;
	s6 =	sadd.s32 @!p0 $0x88, s6;
	s7 =	simm.s32 @p2 $0x1082  }
0x22: {  	[simem:s7], [sflag:s8] =	dma.local @!p0 [hbm:s6], $0xF7A  }
0x23: {  	s9 =	sor.u32 $0xD0000000, s2;
	s6 =	simm.s32 $0x108;
	_ =	swait.ge @!p0 [sflag:s8], $0x0  }
0x24: {  	s3 =	sadd.s32 $0x88, s3;
	s6 =	simm.s32 @!p1 $0x1082;
	[sflag:s4] =	ssyncset.s32 $0xFFFFF086  }
0x25: {  	[simem:s6], [sflag:s4] =	dma.local [hbm:s3], $0xF7A  }
0x26: {  	[smem:$0x3F9F] =	sst s1;
	(tag) =	ssettag s2;
	_ =	strace s9  }
0x27: {  	s1 =	sld [smem:$0x3FAF]  }
0x28: {  	s2 =	sld [smem:$0x3FB0]  }
0x29: {  	s4 =	sld [smem:$0x3FB2]  }
0x2a: {  	p0 =	seq.s32 s5, $0x0;
	s5 =	sld [smem:$0x3FB3]  }
0x2b: {  	s6 =	sld [smem:$0x3FB4]  }
0x2c: {  	s7 =	sld [smem:$0x3FB5]  }
0x2d: {  	s3 =	simm.s32 $0x108;
	s8 =	sld [smem:$0x3FB6]  }
0x2e: {  	s3 =	simm.s32 @!p0 $0x1082;
	s9 =	sld [smem:$0x3FB7]  }
0x2f: {  	lr =	sadd.s32 s0, s3;
	s0 =	sld [smem:$0x3FAE]  }
0x30: {  	s3 =	sld [smem:$0x3FB1]  }
0x31: {  	[smem:$0x3FBA] =	sst s10  }
0x32: {  	s10 =	sld [smem:$0x3FB8];
	_ =	sdelay $0x3  }
0x33: {  	p0 =	seq.s32 s10, $0x1;
	s10 =	sld [smem:$0x3FBA];
	_ =	sdelay $0x3  }
0x34: {  	[smem:$0x3FBA] =	sst s10  }
0x35: {  	s10 =	sld [smem:$0x3FB9];
	_ =	sdelay $0x3  }
0x36: {  	p1 =	seq.s32 s10, $0x1;
	s10 =	sld [smem:$0x3FBA];
	_ =	sdelay $0x3  }
0x37: {  	[smem:$0x3FBA] =	sst s10  }
0x38: {  	s10 =	sld [smem:$0x3FBB]  }
0x39: {  	_ = 	snop;
	(pc) =	sbr.ind lr, $3  }
0x3a: {  	_ = 	snop  }
0x3b: {  	_ = 	snop  }
0x3c: {  	p2 =	seq.s32 s10, $0x1;
	s10 =	sld [smem:$0x3FBA]  }
0x3d: {  	_ =	shalt  }
0x3e: {  	_ =	shalt  }
0x3f: {  	_ =	shalt  }
0x40: {  	_ =	shalt  }
0x41: {  	_ =	shalt  }
0x42: {  	_ =	shalt  }
0x43: {  	_ =	shalt  }
0x44: {  	_ =	shalt  }
0x45: {  	_ =	shalt  }
0x46: {  	_ =	shalt  }
0x47: {  	_ =	shalt  }
0x48: {  	_ =	shalt  }
0x49: {  	_ =	shalt  }
0x4a: {  	_ =	shalt  }
0x4b: {  	_ =	shalt  }
0x4c: {  	_ =	shalt  }
0x4d: {  	_ =	shalt  }
0x4e: {  	_ =	shalt  }
0x4f: {  	_ =	shalt  }
0x50: {  	_ =	shalt  }
0x51: {  	_ =	shalt  }
0x52: {  	_ =	shalt  }
0x53: {  	_ =	shalt  }
0x54: {  	_ =	shalt  }
0x55: {  	_ =	shalt  }
0x56: {  	_ =	shalt  }
0x57: {  	_ =	shalt  }
0x58: {  	_ =	shalt  }
0x59: {  	_ =	shalt  }
0x5a: {  	_ =	shalt  }
0x5b: {  	_ =	shalt  }
0x5c: {  	_ =	shalt  }
0x5d: {  	_ =	shalt  }
0x5e: {  	_ =	shalt  }
0x5f: {  	_ =	shalt  }
0x60: {  	_ =	shalt  }
0x61: {  	_ =	shalt  }
0x62: {  	_ =	shalt  }
0x63: {  	_ =	shalt  }
0x64: {  	_ =	shalt  }
0x65: {  	_ =	shalt  }
0x66: {  	_ =	shalt  }
0x67: {  	_ =	shalt  }
0x68: {  	_ =	shalt  }
0x69: {  	_ =	shalt  }
0x6a: {  	_ =	shalt  }
0x6b: {  	_ =	shalt  }
0x6c: {  	_ =	shalt  }
0x6d: {  	_ =	shalt  }
0x6e: {  	_ =	shalt  }
0x6f: {  	_ =	shalt  }
0x70: {  	_ =	shalt  }
0x71: {  	_ =	shalt  }
0x72: {  	_ =	shalt  }
0x73: {  	_ =	shalt  }
0x74: {  	_ =	shalt  }
0x75: {  	_ =	shalt  }
0x76: {  	_ =	shalt  }
0x77: {  	_ =	shalt  }
0x78: {  	_ =	shalt  }
0x79: {  	_ =	shalt  }
0x7a: {  	_ =	shalt  }
0x7b: {  	_ =	shalt  }
0x7c: {  	_ =	shalt  }
0x7d: {  	_ =	shalt  }
0x7e: {  	_ =	shalt  }
0x7f: {  	_ =	shalt  }
0x80: {  	_ =	shalt  }
0x81: {  	_ =	shalt  }
0x82: {  	_ =	shalt  }
0x83: {  	_ =	shalt  }
0x84: {  	_ =	shalt  }
0x85: {  	_ =	shalt  }
0x86: {  	_ =	shalt  }
0x87: {  	_ =	shalt  }
.Lfunc_end0:
.L_simem_size_0:
called_computation_lowered:
.L_overlay_start_0:
0x88: {  	s2 =	sld [smem:$0x3FD9]  }
0x89: {  	s3 =	sld [smem:$0x3FFE];
	_ =	sdelay $0x1  }
0x8a: {  	s1 =	srdreg.scid  }
0x8b: {  	s0 =	sand.u32 $0x1, s1  }
0x8c: {  	s16 =	sshll.u32 s0, $0xA;
	s2 =	sadd.s32 s3, s2  }
0x8d: {  	s2 =	sadd.s32 s2, s16  }
0x8e: {  	[smem:$0x3FC6] =	sst s2  }
0x8f: {  	_ = 	snop  }
0x90: {  	(tm) =	ssettm $0x1  }
0x91: {  	s17 =	sld [smem:$0x3FFB];
	_ =	sdelay $0x3  }
0x92: {  	_ =	strace s17  }
0x93: {  	s2 =	sld [smem:$0x3FFC];
	_ =	sdelay $0x3  }
0x94: {  	_ =	strace s2  }
0x95: {  	s2 =	sld [smem:$0x3FFD];
	_ =	sdelay $0x3  }
0x96: {  	_ =	strace s2  }
0x97: {  	_ =	strace $0x8FFFFFFF  }
0x98: {  	s18 =	sld [smem:$0x3FDB];
	_ =	sdelay $0x1  }
0x99: {  	s19 =	simm.s32 $_scs_section_size  }
0x9a: {  	s4 =	simm.s32 $_size__tile_overlayer_lowered;
	s5 =	simm.s32 $_tile_overlayer_lowered  }
0x9b: {  	s22 =	simm.s32 $0x1BFF;
	s21 =	sshll.u32 s5, $0x1;
	s2 =	sadd.s32 s19, s18  }
0x9c: {  	s6 =	simm.s32 $0x0;
	s20 =	sshll.u32 s4, $0x1;
	s4 =	sadd.s32 s21, s2  }
0x9d: {  	[timem:s6], [sflag:s22] =	dma.local [hbm:s4], s20  }
0x9e: {  	_ =	swait.ge [sflag:s22], s20  }
0x9f: {  	s3 =	ssub.s32 $0x0, s20;
	[sflag:s22] =	ssyncset.done $0x0  }
0xa0: {  	[sflag:s22] =	ssyncadd.s32 s3;
	_ =	sdelay $0x1  }
0xa1: {  	s23 =	simm.s32 $0x1B8B  }
0xa2: {  	_ =	swait.ge [sflag:s23], $0x1  }
0xa3: {  	[sflag:s23] =	ssyncset.done $0x0  }
0xa4: {  	s25 =	simm.s32 $0x1B8E;
	s24 =	sld [smem:$0x3FFE];
	[sflag:s23] =	ssyncadd.s32 $0xFFFFFFFF  }
0xa5: {  	s26 =	simm.s32 $execute0_lowered;
	[smem:$0x3FD2] =	sst s25  }
0xa6: {  	s4 =	sshll.u32 s26, $0x1;
	_ =	strace $0x80000046;
	[dreg:$0x1] =	wrdreg $0xFFFFFFFF  }
0xa7: {  	s28 =	simm.s32 $_size_execute0_lowered;
	s2 =	sadd.s32 s2, s4;
	[dreg:$0x0] =	wrdreg $0x0  }
0xa8: {  	s4 =	sshll.u32 s28, $0x1;
	[dreg:$0x2] =	wrdreg s2  }
0xa9: {  	[dreg:$0x3] =	wrdreg s4  }
0xaa: {  	[dreg:$0x4] =	wrdreg $0xC0  }
0xab: {  	_ =	task [dreg:s6], $0x5FFFF  }
0xac: {  	[dreg:$0x1] =	wrdreg $0xFFFFFFFF  }
0xad: {  	[dreg:$0x0] =	wrdreg $0x60  }
0xae: {  	[dreg:$0x2] =	wrdreg s24  }
0xaf: {  	[dreg:$0x3] =	wrdreg $0x9  }
0xb0: {  	_ =	task.clear_ibuf [dreg:s6], $0x4FFFF;
	_ =	strace $0x90000046  }
0xb1: {  	s29 =	simm.s32 $0x9;
	_ =	strace $0x80000048  }
0xb2: {  	_ =	swait.ge [sflag:s29], $0x1  }
0xb3: {  	[sflag:s29] =	ssyncadd.s32 $0xFFFFFFFF  }
0xb4: {  	_ =	strace $0x90000048  }
0xb5: {  	_ =	sfence  }
0xb6: {  	s30 =	sld [smem:$0x0];
	_ =	sdelay $0x2  }
0xb7: {  	s31 =	sshll.u32 s1, $0xD;
	s1 =	sshrl.u32 s1, $0x2  }
0xb8: {  	s3 =	sand.u32 $0x4000, s31;
	s1 =	sadd.s32 s1, s30  }
0xb9: {  	s0 =	sor.u32 s3, s0;
	s1 =	sshll.u32 s1, $0x11  }
0xba: {  	s0 =	sor.u32 s1, s0  }
0xbb: {  	s0 =	sadd.s32 $0x8F2B, s0  }
0xbc: {  	[sflag:s0] =	ssyncadd.remote.s32 $0x1  }
0xbd: {  	_ =	sfence.sel $0xFFFF  }
0xbe: {  	[dreg:$0x0] =	wrdreg $0xFFFFFFFF;
	(pc) =	sbr.abs _section_cstart, $3  }
0xbf: {  	[dreg:$0x1] =	wrdreg $0xFFFFFFFF  }
0xc0: {  	_ =	task.clear_ibuf [dreg:s6], $0x2FFFF;
	_ =	strace $0x9FFFFFFF  }
0xc1: {  	(tm) =	ssettm $0x7FFFFFFF  }
tec
execute0_lowered:
.L_overlay_start_1:
0x0: {  	(tag) =	ssettag $0x1  }
0x1: {  	s1 =	srdreg.scid;
	s0 =	stileid.u32  }
0x2: {  	s2 =	rddreg [dreg:$0x0];
	s3 =	simm.s32 $0x0;
	s10 =	simm.s32 $0x10000  }
0x3: {  	s11 =	simm.s32 $0x3;
	s12 =	simm.s32 $0x1;
	s13 =	simm.s32 $0x8000  }
0x4: {  	s14 =	simm.s32 $0x2;
	s15 =	simm.s32 $0x14000;
	s16 =	simm.s32 $0x0  }
0x5: {  	s5 =	sand.u32 $0x1, s1;
	s4 =	sshll.u32 s0, $0x1;
	[smem:$0x7FF] =	sst s3  }
0x6: {  	s1 =	rddreg [dreg:$0x1];
	s6 =	sor.u32 s5, s4;
	_ =	strace $0x80000047  }
0x7: {  	s4 =	sadd.s32 $0x800000, s2;
	s31 =	ssub.s32 $0x2, s5;
	s7 =	smul.u32 $0x12, s6  }
0x8: {  	s9 =	sshrl.u32 s31, $0x1;
	s5 =	sshll.u32 s6, $0x14;
	s6 =	sshll.u32 s6, $0x11  }
0x9: {  	s9 =	ssub.s32 s31, s9;
	s6 =	sadd.s32 s4, s6;
	s8 =	sadd.s32 s7, s2  }
0xa: {  	v57 =	vimm.s32 $0xF;
	vm0 =	vmxor vm0, vm0;
	s7 =	sor.u32 $0x10000, s5;
	s9 =	smax.u32 s9, $0x1;
	s8 =	sadd.s32 $0x800, s8  }
.LBB2_1:
0xb: {  	[tilespmem:s10], [sflag:$0x3] =	stream.linear.gather [hbm4b:s2+s3], $0x4000, $0x38;
	[tilespmem:$0x14100] =	vst v63  }
0xc: {  	_ =	swait.ge [sflag:s11], $0x4000  }
0xd: {  	v22 =	vimm.f32 $0.0e+00;
	v2 =	vimm.f32 $0.0e+00;
	s19 =	simm.f32 $0.0e+00;
	[sflag:s11] =	ssyncset.done $0x0  }
0xe: {  	v3 =	vimm.f32 $0.0e+00;
	v5 =	vimm.f32 $0.0e+00;
	v4 =	vimm.f32 $0.0e+00;
	s17 =	simm.s32 $0x0;
	s18 =	simm.s32 $0x0;
	[sflag:s11] =	ssyncadd.s32 $0xFFFFC000  }
0xf: {  	v6 =	vimm.f32 $0.0e+00;
	v7 =	vimm.f32 $0.0e+00;
	v8 =	vimm.f32 $0.0e+00;
	[tilespmem:s3], [sflag:$0x1] =	stream.linear.gather [hbm4b:s6+s3], $0x8000, $0x38;
	[tilespmem:$0x14100] =	vst v63  }
.LBB2_2:
0x10: {  	s20 =	sshll.u32 s18, $0x10  }
0x11: {  	[tilespmem:$0x1FFF0] =	vst v7;
	s20 =	sadd.s32 s20, s5  }
0x12: {  	_ =	swait.ge [sflag:s12], $0x8000;
	s20 =	sadd.s32 $0x8000, s20  }
0x13: {  	s21 =	simm.s32 $0x0;
	[sflag:s12] =	ssyncset.done $0x0;
	s20 =	sshrl.u32 s20, $0x3  }
0x14: {  	s30 =	simm.s32 $0x40;
	[sflag:s12] =	ssyncadd.s32 $0xFFFF8000;
	s20 =	sadd.s32 s4, s20  }
0x15: {  	[tilespmem:s13], [sflag:$0x2] =	stream.linear.gather [hbm4b:s20+s21], $0x8000, $0x38;
	[tilespmem:$0x14100] =	vst v63  }
0x16: {  	v9 =	vld [tilespmem:s30+$0xFFFFFFC0]  }
0x17: {  	v10 =	vld [tilespmem:s30+$0xFFFFFFD0]  }
0x18: {  	v11 =	vld [tilespmem:s30+$0xFFFFFFE0]  }
0x19: {  	v12 =	vld [tilespmem:s30+$0xFFFFFFF0]  }
0x1a: {  	v13 =	vld [tilespmem:s30+$0x0]  }
0x1b: {  	v14 =	vld [tilespmem:s30+$0x10]  }
0x1c: {  	v15 =	vld [tilespmem:s30+$0x20]  }
0x1d: {  	v16 =	vld [tilespmem:s30+$0x30]  }
0x1e: {  	v17 =	vmax.f32 v9, v10;
	v18 =	vmax.f32 v11, v12  }
0x1f: {  	v17 =	vmax.f32 v17, v18  }
0x20: {  	(xrf0) =	vmax.scan.msk.f32 $0xffff, v17;
	_ =	sdelay $0x1  }
0x21: {  	v18 =	vmax.f32 v15, v16;
	v17 =	vmax.f32 v13, v14  }
0x22: {  	v17 =	vmax.f32 v17, v18  }
0x23: {  	(xrf0) =	vmax.scan.msk.f32 $0xffff, v17;
	_ =	sdelay $0x1  }
0x24: {  	v17, _, _ =	vpop (xrf0)  }
0x25: {  	v17 =	vbroadcast v17, $0xF;
	_ =	sdelay $0x1  }
0x26: {  	v9 =	vsub.f32 v9, v17  }
0x27: {  	v18, _, _ =	vpop (xrf0);
	v10 =	vsub.f32 v10, v17  }
0x28: {  	v18 =	vbroadcast v18, $0xF;
	v11 =	vsub.f32 v11, v17;
	v9 =	vmul.f32 $1.442695020e+00, v9  }
0x29: {  	v12 =	vsub.f32 v12, v17;
	v10 =	vmul.f32 $1.442695020e+00, v10  }
0x2a: {  	v13 =	vsub.f32 v13, v18;
	v11 =	vmul.f32 $1.442695020e+00, v11;
	(erf) = vpow2.f32 v9  }
0x2b: {  	v9 =	vmul.f32 $1.442695020e+00, v12;
	(erf) = vpow2.f32 v10;
	v10 =	vsub.f32 v14, v18  }
0x2c: {  	v12 =	vsub.f32 v15, v18;
	(erf) = vpow2.f32 v11;
	v11 =	vmul.f32 $1.442695020e+00, v13  }
0x2d: {  	(erf) = vpow2.f32 v9;
	v9 =	vmul.f32 $1.442695020e+00, v10;
	v10 =	vsub.f32 v16, v18  }
0x2e: {  	(erf) = vpow2.f32 v11;
	v11 =	vmul.f32 $1.442695020e+00, v12  }
0x2f: {  	(erf) = vpow2.f32 v9;
	v9 =	vmul.f32 $1.442695020e+00, v10  }
0x30: {  	(erf) = vpow2.f32 v11  }
0x31: {  	(erf) = vpow2.f32 v9;
	_ =	sdelay $0x1  }
0x32: {  	v9 =	vpop (erf)  }
0x33: {  	v10 =	vpop (erf)  }
0x34: {  	v12 =	vpop (erf)  }
0x35: {  	v13 =	vpop (erf)  }
0x36: {  	v14 =	vpop (erf)  }
0x37: {  	v11 =	vadd.f32 v10, v9;
	v15 =	vadd.f32 v13, v12;
	v16 =	vpop (erf)  }
0x38: {  	v17 =	vpop (erf)  }
0x39: {  	v11 =	vadd.f32 v15, v11;
	v19 =	vpop (erf)  }
0x3a: {  	v18 =	vadd.f32 v16, v14;
	v20 =	vadd.f32 v19, v17  }
0x3b: {  	(xrf2) =	vadd.scan.msk.f32 $0xffff, v11  }
0x3c: {  	v15 =	vadd.f32 v20, v18;
	_ =	sdelay $0x1  }
0x3d: {  	(xrf2) =	vadd.scan.msk.f32 $0xffff, v15;
	_ =	sdelay $0x6  }
0x3e: {  	v11, _, _ =	vpop (xrf2)  }
0x3f: {  	v11 =	vadd.f32 $0.0e+00, v11;
	_ =	sdelay $0x1  }
0x40: {  	v11 =	vbroadcast v11, $0xF;
	v15, _, _ =	vpop (xrf2)  }
0x41: {  	v15 =	vadd.f32 $0.0e+00, v15  }
0x42: {  	s20 =	simm.s32 $0xC0;
	(erf) = vrcp.f32 v11  }
0x43: {  	v7 =	vmov v22;
	v22 =	vld [tilespmem:s20+$0xFFFFFFC0];
	v15 =	vbroadcast v15, $0xF  }
0x44: {  	v24 =	vld [tilespmem:s20+$0xFFFFFFD0]  }
0x45: {  	v27 =	vld [tilespmem:s20+$0xFFFFFFE0];
	(erf) = vrcp.f32 v15  }
0x46: {  	v28 =	vld [tilespmem:s20+$0xFFFFFFF0];
	_ =	sdelay $0x4  }
0x47: {  	v33 =	vmax.f32 v27, v28;
	v20 =	vmax.f32 v22, v24;
	v15 =	vpop (erf)  }
0x48: {  	v33 =	vmax.f32 v20, v33;
	v20 =	vld [tilespmem:s20+$0x20];
	v11 =	vmul.f32 v15, v9;
	v10 =	vmul.f32 v15, v10  }
0x49: {  	(xrf0) =	vmax.scan.msk.f32 $0xffff, v33;
	v33 =	vld [tilespmem:s20+$0x30];
	v9 =	vmul.f32 v15, v12  }
0x4a: {  	v15 =	vmul.f32 v15, v13;
	v31 =	vadd.f32 $9.999999740e-06, v11;
	v32 =	vadd.f32 $9.999999740e-06, v10;
	v18 =	vpop (erf)  }
0x4b: {  	v21 =	vadd.f32 $9.999999740e-06, v9;
	v14 =	vmul.f32 v18, v14;
	v12 =	vmul.f32 v18, v16  }
0x4c: {  	v23 =	vadd.f32 $9.999999740e-06, v15;
	v13 =	vmul.f32 v18, v17;
	v16 =	vmul.f32 v18, v19  }
0x4d: {  	(xrf1) =	vsort.ascd.msk.f32 $0xffff, v11, v11;
	v19 =	vcvt.s32.f32 v31;
	v34 =	vcvt.s32.f32 v32  }
0x4e: {  	v54 =	vmax.f32 v20, v33;
	(xrf1) =	vsort.dscd.msk.f32 $0xffff, v10, v10;
	v17 =	vld [tilespmem:s20+$0x0];
	v35 =	vcvt.s32.f32 v21;
	v36 =	vcvt.s32.f32 v23  }
0x4f: {  	v18 =	vld [tilespmem:s20+$0x10];
	(xrf1) =	vsort.ascd.msk.f32 $0xffff, v9, v9;
	v25 =	vadd.f32 $9.999999740e-06, v14;
	v26 =	vadd.f32 $9.999999740e-06, v12;
	v19 =	vmul.f32 $8.262958320e-08, v19  }
0x50: {  	(xrf1) =	vsort.dscd.msk.f32 $0xffff, v15, v15;
	v29 =	vadd.f32 $9.999999740e-06, v13;
	v34 =	vmul.f32 $8.262958320e-08, v34;
	v35 =	vmul.f32 $8.262958320e-08, v35  }
0x51: {  	v30 =	vadd.f32 $9.999999740e-06, v16;
	v36 =	vmul.f32 $8.262958320e-08, v36;
	v37 =	vcvt.s32.f32 v25  }
0x52: {  	(xrf1) =	vsort.ascd.msk.f32 $0xffff, v14, v14;
	v38 =	vcvt.s32.f32 v26;
	v39 =	vcvt.s32.f32 v29;
	v19 =	vadd.f32 $-8.806091300e+01, v19  }
0x53: {  	(xrf1) =	vsort.dscd.msk.f32 $0xffff, v12, v12;
	v40 =	vcvt.s32.f32 v30;
	v42 =	vadd.f32 $-8.806091300e+01, v34;
	v35 =	vadd.f32 $-8.806091300e+01, v35  }
0x54: {  	(xrf1) =	vsort.ascd.msk.f32 $0xffff, v13, v13;
	v36 =	vadd.f32 $-8.806091300e+01, v36;
	v41 =	vmax.f32 v17, v18;
	v37 =	vmul.f32 $8.262958320e-08, v37  }
0x55: {  	(xrf1) =	vsort.dscd.msk.f32 $0xffff, v16, v16;
	v51 =	vmul.f32 $8.262958320e-08, v38;
	v52 =	vmul.f32 $8.262958320e-08, v39;
	v43 =	vsub.f32 $0.0e+00, v19  }
0x56: {  	v53 =	vmul.f32 $8.262958320e-08, v40;
	v55 =	vsub.f32 $0.0e+00, v42;
	v58 =	vsub.f32 $0.0e+00, v35  }
0x57: {  	v40 =	vmax.f32 v41, v54;
	v59 =	vsub.f32 $0.0e+00, v36;
	v37 =	vadd.f32 $-8.806091300e+01, v37  }
0x58: {  	v39 =	vadd.f32 $-8.806091300e+01, v51;
	v38 =	vadd.f32 $-8.806091300e+01, v52;
	v56 =	vmul.f32 $1.442695020e+00, v43  }
0x59: {  	v45, _, _ =	vpop (xrf0);
	(xrf0) =	vmax.scan.msk.f32 $0xffff, v40;
	v44 =	vadd.f32 $-8.806091300e+01, v53;
	v41 =	vmul.f32 $1.442695020e+00, v55;
	v40 =	vmul.f32 $1.442695020e+00, v58  }
0x5a: {  	v43 =	vmul.f32 $1.442695020e+00, v59;
	v59 =	vbroadcast v45, $0xF;
	v46 =	vsub.f32 $0.0e+00, v37  }
0x5b: {  	v47 =	vsub.f32 $0.0e+00, v39;
	v48 =	vsub.f32 $0.0e+00, v38;
	(erf) = vpow2.f32 v56;
	v60, _, _ =	vpop (xrf1)  }
0x5c: {  	v49 =	vsub.f32 $0.0e+00, v44;
	v22 =	vsub.f32 v22, v59;
	(erf) = vpow2.f32 v41;
	v61, _, _ =	vpop (xrf1)  }
0x5d: {  	v46 =	vmul.f32 $1.442695020e+00, v46;
	(erf) = vpow2.f32 v40;
	v50 =	vmin.f32 v60, v61;
	v62, _, _ =	vpop (xrf1)  }
0x5e: {  	v63 =	vmul.f32 $1.442695020e+00, v47;
	(erf) = vpow2.f32 v43;
	v34 =	vmax.f32 v60, v61;
	v52, _, _ =	vpop (xrf1);
	(xrf1) =	vsort.ascd.msk.f32 $0xffff, v50, v50  }
0x5f: {  	v48 =	vmul.f32 $1.442695020e+00, v48;
	v53, _, _ =	vpop (xrf0);
	(erf) = vpow2.f32 v46;
	v54 =	vmax.f32 v62, v52;
	(xrf1) =	vsort.ascd.msk.f32 $0xffff, v34, v34  }
0x60: {  	v56 =	vmul.f32 $1.442695020e+00, v49;
	(erf) = vpow2.f32 v63;
	v55 =	vmin.f32 v62, v52;
	v58, _, _ =	vpop (xrf1);
	(xrf1) =	vsort.dscd.msk.f32 $0xffff, v54, v54  }
0x61: {  	v24 =	vsub.f32 v24, v59;
	v27 =	vsub.f32 v27, v59;
	(erf) = vpow2.f32 v48;
	v60, _, _ =	vpop (xrf1);
	(xrf1) =	vsort.dscd.msk.f32 $0xffff, v55, v55  }
0x62: {  	v28 =	vsub.f32 v28, v59;
	v22 =	vmul.f32 $1.442695020e+00, v22;
	(erf) = vpow2.f32 v56;
	v61, _, _ =	vpop (xrf1)  }
0x63: {  	v24 =	vmul.f32 $1.442695020e+00, v24;
	v34 =	vbroadcast v53, $0xF;
	v62, _, _ =	vpop (xrf1)  }
0x64: {  	v27 =	vmul.f32 $1.442695020e+00, v27;
	v28 =	vmul.f32 $1.442695020e+00, v28;
	v63 =	vpop (erf)  }
0x65: {  	v17 =	vsub.f32 v17, v34;
	v54 =	vmin.f32 v58, v60;
	v41 =	vmax.f32 v58, v60;
	v52 =	vpop (erf)  }
0x66: {  	(xrf1) =	vsort.ascd.msk.f32 $0xffff, v54, v54;
	v40 =	vmin.f32 v61, v62;
	v58 =	vmul.f32 v63, v31;
	v53 =	vpop (erf);
	(erf) = vpow2.f32 v22  }
0x67: {  	(xrf1) =	vsort.ascd.msk.f32 $0xffff, v41, v41;
	v47 =	vmul.f32 v52, v32;
	v22 =	vpop (erf);
	(erf) = vpow2.f32 v24;
	v24 =	vmax.f32 v61, v62  }
0x68: {  	v17 =	vmul.f32 $1.442695020e+00, v17;
	v19 =	vadd.f32 v58, v19;
	v55 =	vpop (erf);
	(xrf1) =	vsort.dscd.msk.f32 $0xffff, v24, v24;
	v24 =	vmul.f32 v53, v21  }
0x69: {  	v22 =	vmul.f32 v22, v23;
	(erf) = vpow2.f32 v27;
	v42 =	vadd.f32 v47, v42;
	v56 =	vpop (erf)  }
0x6a: {  	(xrf1) =	vsort.dscd.msk.f32 $0xffff, v40, v40;
	v27 =	vmul.f32 v55, v25;
	v43 =	vadd.f32 $-1.000000000e+00, v19;
	(erf) = vpow2.f32 v28;
	v59 =	vpop (erf)  }
0x6b: {  	v62 =	vmul.f32 v56, v26;
	v24 =	vadd.f32 v24, v35;
	v22 =	vadd.f32 v22, v36;
	v60 =	vpop (erf)  }
0x6c: {  	v42 =	vadd.f32 $-1.000000000e+00, v42;
	v49 =	vmul.f32 v59, v29;
	v27 =	vadd.f32 v27, v37;
	v61, _, _ =	vpop (xrf1)  }
0x6d: {  	v28 =	vsub.f32 $0.0e+00, v43;
	v51 =	vadd.f32 v62, v39;
	v52 =	vmul.f32 v60, v30;
	v63, _, _ =	vpop (xrf1)  }
0x6e: {  	(erf) = vpow2.f32 v17;
	v17 =	vsub.f32 $0.0e+00, v42;
	v45 =	vadd.f32 $-1.000000000e+00, v22;
	v50, _, _ =	vpop (xrf1)  }
0x6f: {  	v38 =	vadd.f32 v49, v38;
	v39 =	vadd.f32 v52, v44;
	v53, _, _ =	vpop (xrf1)  }
0x70: {  	v44 =	vadd.f32 $-1.000000000e+00, v24;
	v19 =	vmax.f32 v61, v50;
	v54 =	vmax.f32 v63, v53  }
0x71: {  	v22 =	vmul.f32 $1.442695020e+00, v28;
	v55 =	vmax.f32 v19, v54;
	v19 =	vmin.f32 v19, v54  }
0x72: {  	v46 =	vadd.f32 $-1.000000000e+00, v27;
	v17 =	vmul.f32 $1.442695020e+00, v17;
	v24 =	vsub.f32 $0.0e+00, v44;
	(xrf1) =	vsort.ascd.msk.f32 $0xffff, v55, v55  }
0x73: {  	v37 =	vadd.f32 $-1.000000000e+00, v51;
	v27 =	vmin.f32 v61, v50;
	v28 =	vmin.f32 v63, v53  }
0x74: {  	(xrf1) =	vsort.ascd.msk.f32 $0xffff, v19, v19;
	v19 =	vpop (erf);
	(erf) = vpow2.f32 v22;
	v22 =	vmul.f32 $1.442695020e+00, v24;
	v24 =	vsub.f32 $0.0e+00, v45  }
0x75: {  	v58 =	vsub.f32 $0.0e+00, v46;
	v38 =	vadd.f32 $-1.000000000e+00, v38;
	v56, _, _ =	vpop (xrf1);
	v36 =	vmin.f32 v27, v28  }
0x76: {  	v59, _, _ =	vpop (xrf1);
	(xrf1) =	vsort.ascd.msk.f32 $0xffff, v36, v36;
	(erf) = vpow2.f32 v17;
	v17 =	vmul.f32 $1.442695020e+00, v24;
	v24 =	vsub.f32 $0.0e+00, v37  }
0x77: {  	v39 =	vadd.f32 $-1.000000000e+00, v39;
	v63 =	vsub.f32 $0.0e+00, v38;
	v60, _, _ =	vpop (xrf1)  }
0x78: {  	v27 =	vmax.f32 v27, v28;
	v28 =	vmul.f32 $1.442695020e+00, v58;
	v61, _, _ =	vpop (xrf1);
	(erf) = vpow2.f32 v22  }
0x79: {  	v52 =	vmin.f32 v59, v61;
	v22 =	vpop (erf);
	(erf) = vpow2.f32 v17;
	v17 =	vmin.f32 v56, v60  }
0x7a: {  	v62 =	vmul.f32 $1.442695020e+00, v24;
	v24 =	vpop (erf);
	(erf) = vpow2.f32 v28;
	v28 =	vmin.f32 v17, v52  }
0x7b: {  	v53 =	vsub.f32 $0.0e+00, v39;
	(xrf1) =	vsort.ascd.msk.f32 $0xffff, v27, v27  }
0x7c: {  	v48 =	vmul.f32 $1.442695020e+00, v63;
	v17 =	vmax.f32 v17, v52;
	v27 =	vpop (erf);
	(xrf1) =	vsort.ascd.msk.f32 $0xffff, v28, v28  }
0x7d: {  	v54 =	vmul.f32 $1.442695020e+00, v53;
	(erf) = vpow2.f32 v62;
	(xrf1) =	vsort.ascd.msk.f32 $0xffff, v17, v17;
	v28 =	vpop (erf)  }
0x7e: {  	v35 =	vmax.f32 v56, v60;
	v56 =	vmax.f32 v59, v61;
	v55 =	vpop (erf);
	(erf) = vpow2.f32 v48  }
0x7f: {  	v40 =	vmin.f32 v35, v56;
	(erf) = vpow2.f32 v54;
	v58 =	vpop (erf)  }
0x80: {  	v33 =	vsub.f32 v33, v34;
	v17, _, _ =	vpop (xrf1);
	(xrf1) =	vsort.ascd.msk.f32 $0xffff, v40, v40  }
0x81: {  	v60 =	vpop (erf)  }
0x82: {  	v33 =	vmul.f32 $1.442695020e+00, v33;
	v59 =	vsub.f32 v18, v34;
	v18, _, _ =	vpop (xrf1)  }
0x83: {  	v35 =	vmax.f32 v35, v56;
	v52 =	vsub.f32 v20, v34;
	v53 =	vmul.f32 v55, v31;
	v62 =	vpop (erf);
	(xrf2) =	vadd.scan.msk.f32 $0xffff, v17  }
0x84: {  	v61 =	vmul.f32 $1.442695020e+00, v59;
	v31 =	vadd.f32 v22, v19;
	v32 =	vmul.f32 v58, v32;
	(xrf1) =	vsort.ascd.msk.f32 $0xffff, v35, v35;
	v20, _, _ =	vpop (xrf1)  }
0x85: {  	v40 =	vmul.f32 $1.442695020e+00, v52;
	v55 =	vmul.f32 v60, v21;
	v36 =	vadd.f32 v53, v43;
	(xrf2) =	vadd.scan.msk.f32 $0xffff, v18;
	v63 =	vpop (erf)  }
0x86: {  	v23 =	vmul.f32 v62, v23;
	v32 =	vadd.f32 v32, v42;
	(erf) = vpow2.f32 v61;
	v54 =	vpop (erf)  }
0x87: {  	(xrf2) =	vadd.scan.msk.f32 $0xffff, v20;
	v34 =	vadd.f32 v55, v44;
	v36 =	vadd.f32 $-1.000000000e+00, v36;
	v25 =	vmul.f32 v63, v25;
	v21 =	vpop (erf)  }
0x88: {  	v58 =	vadd.f32 v23, v45;
	v32 =	vadd.f32 $-1.000000000e+00, v32;
	(erf) = vpow2.f32 v40;
	v56 =	vpop (erf)  }
0x89: {  	v45 =	vadd.f32 v27, v24;
	v26 =	vmul.f32 v54, v26;
	v29 =	vmul.f32 v21, v29;
	v21, _, _ =	vpop (xrf1)  }
0x8a: {  	s31 =	sadd.s32 $0x0, s17;
	v34 =	vadd.f32 $-1.000000000e+00, v34;
	v36 =	vmul.f32 v36, v11;
	v59 =	vadd.f32 v25, v46;
	(xrf2) =	vadd.scan.msk.f32 $0xffff, v21;
	v23, _, _ =	vpop (xrf1)  }
0x8b: {  	v60 =	vadd.f32 $-1.000000000e+00, v58;
	(xrf2) =	vadd.scan.msk.f32 $0xffff, v23;
	v38 =	vadd.f32 v29, v38;
	v29 =	vmov s31;
	v25, _, _ =	vpop (xrf1)  }
0x8c: {  	s21 =	sadd.s32 $0x1, s31;
	v32 =	vmul.f32 v32, v10;
	v31 =	vadd.f32 v45, v31;
	v30 =	vmul.f32 v56, v30;
	(xrf2) =	vadd.scan.msk.f32 $0xffff, v25  }
0x8d: {  	v37 =	vadd.f32 v26, v37;
	v26 =	vmov s21;
	v62 =	vadd.f32 $-1.000000000e+00, v59;
	v42, _, _ =	vpop (xrf2)  }
0x8e: {  	v34 =	vmul.f32 v34, v9;
	v30 =	vadd.f32 v30, v39;
	v61 =	vand.u32 $0xFFFFFFFE, v29;
	v29, _, _ =	vpop (xrf1)  }
0x8f: {  	v36 =	vadd.f32 v32, v36;
	v37 =	vadd.f32 $-1.000000000e+00, v37;
	v43 =	vmul.f32 v62, v14;
	v63, _, _ =	vpop (xrf2);
	(xrf2) =	vadd.scan.msk.f32 $0xffff, v29  }
0x90: {  	v39 =	vmul.f32 v60, v15;
	v38 =	vadd.f32 $-1.000000000e+00, v38;
	v35 =	vpop (erf);
	v30 =	vadd.f32 $-1.000000000e+00, v30  }
0x91: {  	v37 =	vmul.f32 v37, v12;
	v32 =	vbroadcast v61, $0x0;
	v49, _, _ =	vpop (xrf2);
	v47 =	vadd.f32 v35, v28  }
0x92: {  	v39 =	vadd.f32 v39, v34;
	v38 =	vmul.f32 v38, v13;
	v30 =	vmul.f32 v30, v16;
	v34, _, _ =	vpop (xrf1)  }
0x93: {  	v37 =	vadd.f32 v37, v43;
	v52 =	vsub.f32 $1.000000000e+00, v49;
	v53 =	vperm.xlane v49, v57;
	(xrf2) =	vadd.scan.msk.f32 $0xffff, v34  }
0x94: {  	(erf) = vpow2.f32 v33;
	v36 =	vadd.f32 v39, v36;
	v30 =	vadd.f32 v30, v38;
	v50, _, _ =	vpop (xrf2)  }
0x95: {  	v39 =	vadd.f32 v52, v20;
	v51, _, _ =	vpop (xrf2);
	v55 =	vperm.xlane v50, v57;
	v41 =	vadd.f32 v50, v53  }
0x96: {  	v30 =	vadd.f32 v30, v37;
	v54 =	vsub.f32 $1.000000000e+00, v51;
	v38 =	vperm.xlane v51, v57;
	v56, _, _ =	vpop (xrf2)  }
0x97: {  	v58 =	vperm.xlane v56, v57;
	v59 =	vadd.f32 v55, v53;
	v41 =	vsub.f32 $1.000000000e+00, v41  }
0x98: {  	v61 =	vperm.xlane v63, v57;
	v37 =	vadd.f32 v54, v23;
	v60 =	vadd.f32 v56, v38  }
0x99: {  	vm1 =	vle.f32 v39, $7.500000000e-01;
	v38 =	vadd.f32 v58, v38;
	v44 =	vadd.f32 v63, v59;
	v62, _, _ =	vpop (xrf2)  }
0x9a: {  	v33 =	vadd.f32 v61, v59;
	v51 =	vadd.f32 v41, v21;
	v63 =	vperm.xlane v62, v57  }
0x9b: {  	v53 =	vmpcnt.ones.xlane vm1;
	v40 =	vsub.f32 $1.000000000e+00, v60;
	(xrf2) =	vadd.scan.msk.f32 $0xffff, v36;
	v50 =	vadd.f32 v62, v38  }
0x9c: {  	vm2 =	vle.f32 v37, $7.500000000e-01;
	v52 =	vsub.f32 $1.000000000e+00, v44;
	(xrf2) =	vadd.scan.msk.f32 $0xffff, v30;
	v38 =	vadd.f32 v63, v38  }
0x9d: {  	v30, _, _ =	vpop (xrf2);
	v33 =	vadd.f32 v42, v33;
	v54 =	vmpcnt.ones.xlane vm2;
	v40 =	vadd.f32 v40, v25  }
0x9e: {  	vm1 =	vle.f32 v51, $7.500000000e-01;
	v55 =	vsub.f32 $1.000000000e+00, v50;
	v30 =	vadd.f32 v30, v38  }
0x9f: {  	v56 =	vmpcnt.ones.xlane vm1;
	v37 =	vadd.f32 v52, v18;
	v33 =	vsub.f32 $1.000000000e+00, v33  }
0xa0: {  	vm2 =	vle.f32 v40, $7.500000000e-01;
	v36 =	vadd.f32 v55, v29;
	v30 =	vsub.f32 $1.000000000e+00, v30  }
0xa1: {  	v57 =	vmpcnt.ones.xlane vm2;
	v33 =	vadd.f32 v33, v17;
	vm1 =	vle.f32 v37, $7.500000000e-01  }
0xa2: {  	v41 =	vadd.s32 v53, v56;
	v37 =	vmpcnt.ones.xlane vm1;
	v30 =	vadd.f32 v30, v34  }
0xa3: {  	v39 =	vpop (erf);
	vm1 =	vle.f32 v36, $7.500000000e-01;
	vm2 =	vle.f32 v33, $7.500000000e-01;
	v38 =	vadd.s32 v54, v57  }
0xa4: {  	v40 =	vpop (erf);
	v58 =	vmpcnt.ones.xlane vm1;
	vm1 =	vle.f32 v30, $7.500000000e-01;
	v30 =	vmpcnt.ones.xlane vm2  }
0xa5: {  	v61 =	vadd.f32 v40, v39;
	v37 =	vadd.s32 v37, v41;
	v60, _, _ =	vpop (xrf2);
	v59 =	vmpcnt.ones.xlane vm1  }
0xa6: {  	v33 =	vadd.s32 v58, v38;
	(v2sf) =	vpush v60, $0xF;
	v62, _, _ =	vpop (xrf2);
	v30 =	vadd.s32 v30, v37  }
0xa7: {  	(v2sf) =	vpush v62, $0xF;
	v33 =	vadd.s32 v59, v33;
	vm1 =	vgt.s32 v30, $0x2  }
0xa8: {  	vm2 =	vgt.s32 v33, $0x2;
	v63 =	vnsel vm1, $0x2, v30;
	v30 =	vadd.f32 v61, v47  }
0xa9: {  	v33 =	vnsel vm2, $0x2, v33;
	v47 =	vsub.s32 $0x40, v63;
	v48 =	vsub.s32 $0x30, v63  }
0xaa: {  	v44 =	vsub.s32 $0x10, v63;
	v37 =	vsub.s32 $0x20, v63;
	v46 =	vsub.s32 $0x40, v33  }
0xab: {  	v41 =	vsub.s32 $0x30, v33;
	v38 =	vsub.s32 $0x20, v33;
	v45 =	vsub.s32 $0x10, v33  }
0xac: {  	vm9 =	vgt.s32 v47, $0x0;
	v49 =	vshra.s32 v47, $0x4;
	vm10 =	vgt.s32 v48, $0x0  }
0xad: {  	vm4 =	vgt.s32 v44, $0x0;
	vm3 =	vgt.s32 v37, $0x0;
	v36 =	vshra.s32 v46, $0x4  }
0xae: {  	vm8 =	vgt.s32 v46, $0x0;
	vm5 =	vgt.s32 v41, $0x0;
	vm6 =	vgt.s32 v45, $0x0  }
0xaf: {  	s22 =	simm.s32 $0x4;
	s21 =	simm.s32 $0x2;
	(xrf2) =	vadd.scan.msk.f32 $0xffff, v31;
	vm1 =	veq.s32 v49, $0x0;
	vm2 =	veq.s32 v49, $0x1;
	vm7 =	vgt.s32 v38, $0x0  }
.LBB2_3:
0xb0: {  	vm13 =	veq.s32 v49, $0x2  }
0xb1: {  	vm11 =	veq.s32 v36, $0x1;
	vm12 =	veq.s32 v36, $0x2;
	v31 =	vnsel vm9, $0x0, v47  }
0xb2: {  	v33 =	vnsel vm10, $0x0, v48;
	v42 =	vnsel vm8, $0x0, v46;
	(xrf2) =	vadd.scan.msk.f32 $0xffff, v30;
	v30 =	vnsel vm4, $0x0, v44  }
0xb3: {  	v41 =	vnsel vm5, $0x0, v41;
	v43 =	vnsel vm6, $0x0, v45;
	v37 =	vnsel vm3, $0x0, v37  }
0xb4: {  	v38 =	vnsel vm7, $0x0, v38;
	vm3 =	veq.s32 v36, $0x0;
	v31 =	vmin.u32 v31, $0xF  }
0xb5: {  	v33 =	vmin.u32 v33, $0xF;
	v17 =	vperm.xlane v17, v30;
	v30 =	vperm.xlane v34, v43  }
0xb6: {  	v59 =	vmin.u32 v38, $0xF;
	v20 =	vperm.xlane v20, v31;
	v31 =	vmin.u32 v37, $0xF  }
0xb7: {  	v29 =	vperm.xlane v29, v59;
	v18 =	vperm.xlane v18, v31;
	v31 =	vmin.u32 v41, $0xF  }
0xb8: {  	v60 =	vmin.u32 v42, $0xF;
	v21 =	vperm.xlane v21, v33;
	v25 =	vperm.xlane v25, v31  }
0xb9: {  	v17 =	vsel vm13, v18, v17;
	v18 =	vperm.xlane v23, v60;
	v23 =	vsel vm12, v29, v30;
	s23 =	spop (v2sf)  }
0xba: {  	v17 =	vsel vm2, v21, v17;
	v21 =	vsel vm11, v25, v23;
	vm2 =	vmmov vm0;
	s23 =	ssub.f32 $0.0e+00, s23;
	s24 =	spop (v2sf)  }
0xbb: {  	v17 =	vsel vm1, v20, v17;
	v18 =	vsel vm3, v18, v21;
	vm1 =	vmmov vm0;
	s24 =	ssub.f32 $0.0e+00, s24  }
0xbc: {  	v41 =	vld.idx.msk [tilespmem:v26+s10+$0x0], $0xffff;
	vm3 =	vge.f32 v15, v17;
	vm4 =	vge.f32 v16, v18;
	vm5 =	vge.f32 v11, v17;
	v26, _, _ =	vpop (xrf2);
	p1 =	sge.f32 s23, $3.799999950e+00  }
0xbd: {  	v42 =	vld.idx.msk [tilespmem:v32+s10+$0x0], $0xffff;
	vm6 =	vge.f32 v14, v18;
	vm7 =	vge.f32 v12, v18;
	vm8 =	vge.f32 v13, v18;
	v21, _, _ =	vpop (xrf2);
	p2 =	sge.f32 s24, $3.799999950e+00  }
0xbe: {  	v20 =	vadd.f32 $0.0e+00, v26;
	v21 =	vadd.f32 $0.0e+00, v21;
	vm2 =	vmneg @p1 vm2  }
0xbf: {  	vm1 =	vmneg @p2 vm1;
	vm3 =	vmor vm3, vm2;
	vm5 =	vmor vm5, vm2  }
0xc0: {  	vm4 =	vmor vm4, vm1;
	v44 =	vnsel vm3, $0x0, v15;
	v15 =	vbroadcast v20, $0xF  }
0xc1: {  	v21 =	vbroadcast v21, $0xF;
	v11 =	vnsel vm5, $0x0, v11;
	v43 =	vnsel vm4, $0x0, v16  }
0xc2: {  	vm3 =	vgt.f32 v44, $0.0e+00;
	v34 =	vmul.f32 v11, v42;
	(erf) = vrcp.f32 v15  }
0xc3: {  	v44 =	vmul.f32 v44, v42;
	vm4 =	vgt.f32 v43, $0.0e+00;
	v16 =	vnsel vm3, $0x0, v42  }
0xc4: {  	vm3 =	vge.f32 v10, v17;
	v20 =	vnsel vm4, $0x0, v41;
	(erf) = vrcp.f32 v21  }
0xc5: {  	s20 =	sadd.s32 $0x80, s20;
	vm4 =	vge.f32 v9, v17;
	vm3 =	vmor vm3, vm2;
	v15 =	vadd.f32 v20, v16  }
0xc6: {  	v47 =	vld [tilespmem:s20+$0xFFFFFFC0];
	vm2 =	vmor vm4, vm2;
	vm4 =	vmor vm6, vm1;
	vm6 =	vmor vm7, vm1  }
0xc7: {  	v48 =	vld [tilespmem:s20+$0xFFFFFFD0];
	vm1 =	vmor vm8, vm1;
	v50 =	vnsel vm2, $0x0, v9;
	v9 =	vnsel vm4, $0x0, v14  }
0xc8: {  	v45 =	vld [tilespmem:s20+$0xFFFFFFE0];
	v51 =	vnsel vm6, $0x0, v12;
	v49 =	vnsel vm1, $0x0, v13;
	vm2 =	vgt.f32 v11, $0.0e+00  }
0xc9: {  	v46 =	vld [tilespmem:s20+$0xFFFFFFF0];
	v7 =	vadd.f32 v15, v7;
	v36 =	vmul.f32 v9, v41;
	v20 =	vmul.f32 v51, v41  }
0xca: {  	v15 =	vnsel vm3, $0x0, v10;
	v18 =	vmul.f32 v50, v42;
	v33 =	vmul.f32 v49, v41  }
0xcb: {  	vm3 =	vgt.f32 v9, $0.0e+00;
	vm5 =	vgt.f32 v51, $0.0e+00;
	vm4 =	vgt.f32 v50, $0.0e+00;
	v12 =	vpop (erf)  }
0xcc: {  	v17 =	vmul.f32 v15, v42;
	vm1 =	vgt.f32 v15, $0.0e+00;
	v11 =	vmul.f32 v12, v19  }
0xcd: {  	v10 =	vmul.f32 v12, v22;
	v22 =	vmax.f32 v47, v48;
	v9 =	vmul.f32 v12, v24;
	v16 =	vpop (erf)  }
0xce: {  	v15 =	vmul.f32 v12, v27;
	v24 =	vmax.f32 v45, v46;
	v14 =	vmul.f32 v16, v28  }
0xcf: {  	v38 =	vld [tilespmem:s20+$0x10];
	v12 =	vmul.f32 v16, v35;
	v31 =	vadd.f32 $9.999999740e-06, v11;
	v32 =	vadd.f32 $9.999999740e-06, v10  }
0xd0: {  	v37 =	vld [tilespmem:s20+$0x20];
	v13 =	vmul.f32 v16, v39;
	v21 =	vadd.f32 $9.999999740e-06, v9;
	v23 =	vadd.f32 $9.999999740e-06, v15  }
0xd1: {  	v19 =	vld [tilespmem:s20+$0x0];
	v16 =	vmul.f32 v16, v40;
	(xrf1) =	vsort.ascd.msk.f32 $0xffff, v11, v11;
	v25 =	vadd.f32 $9.999999740e-06, v14;
	v26 =	vadd.f32 $9.999999740e-06, v12  }
0xd2: {  	v35 =	vld [tilespmem:s20+$0x30];
	v29 =	vadd.f32 $9.999999740e-06, v13;
	(xrf1) =	vsort.dscd.msk.f32 $0xffff, v10, v10;
	v27 =	vcvt.s32.f32 v31;
	v28 =	vcvt.s32.f32 v32  }
0xd3: {  	v30 =	vadd.f32 $9.999999740e-06, v16;
	v61 =	vcvt.s32.f32 v21;
	v62 =	vcvt.s32.f32 v23;
	(xrf1) =	vsort.ascd.msk.f32 $0xffff, v9, v9  }
0xd4: {  	v22 =	vmax.f32 v22, v24;
	v52 =	vcvt.s32.f32 v25;
	v24 =	vcvt.s32.f32 v26;
	(xrf1) =	vsort.dscd.msk.f32 $0xffff, v15, v15  }
0xd5: {  	vm6 =	vgt.f32 v49, $0.0e+00;
	(xrf0) =	vmax.scan.msk.f32 $0xffff, v22;
	v53 =	vcvt.s32.f32 v29;
	v54 =	vcvt.s32.f32 v30  }
0xd6: {  	v63 =	vmax.f32 v19, v38;
	v22 =	vmul.f32 $8.262958320e-08, v27;
	v27 =	vmul.f32 $8.262958320e-08, v28  }
0xd7: {  	v28 =	vmul.f32 $8.262958320e-08, v61;
	(xrf1) =	vsort.ascd.msk.f32 $0xffff, v14, v14;
	v40 =	vmul.f32 $8.262958320e-08, v62;
	v62 =	vmax.f32 v37, v35  }
0xd8: {  	v60 =	vmul.f32 $8.262958320e-08, v52;
	(xrf1) =	vsort.dscd.msk.f32 $0xffff, v12, v12;
	v24 =	vmul.f32 $8.262958320e-08, v24;
	v51 =	vadd.f32 $-8.806091300e+01, v22  }
0xd9: {  	v61 =	vmul.f32 $8.262958320e-08, v53;
	v27 =	vadd.f32 $-8.806091300e+01, v27;
	v52 =	vadd.f32 $-8.806091300e+01, v28  }
0xda: {  	v39 =	vmax.f32 v63, v62;
	(xrf1) =	vsort.ascd.msk.f32 $0xffff, v13, v13;
	v22 =	vadd.f32 $-8.806091300e+01, v40;
	v55 =	vsub.f32 $0.0e+00, v51  }
0xdb: {  	v28 =	vadd.f32 $-8.806091300e+01, v24;
	v24 =	vmul.f32 $8.262958320e-08, v54;
	v54, _, _ =	vpop (xrf0);
	(xrf0) =	vmax.scan.msk.f32 $0xffff, v39;
	v39 =	vsub.f32 $0.0e+00, v52  }
0xdc: {  	v50 =	vadd.f32 $-8.806091300e+01, v60;
	v63 =	vsub.f32 $0.0e+00, v27;
	v0 =	vmul.f32 $1.442695020e+00, v55  }
0xdd: {  	v49 =	vmul.f32 v43, v41;
	(xrf1) =	vsort.dscd.msk.f32 $0xffff, v16, v16;
	v56 =	vadd.f32 $-8.806091300e+01, v61;
	v24 =	vadd.f32 $-8.806091300e+01, v24  }
0xde: {  	v55 =	vsub.f32 $0.0e+00, v22;
	v1 =	vmul.f32 $1.442695020e+00, v63;
	(erf) = vpow2.f32 v0  }
0xdf: {  	v57 =	vsub.f32 $0.0e+00, v50;
	v58 =	vsub.f32 $0.0e+00, v28;
	v62 =	vmul.f32 $1.442695020e+00, v39;
	v39, _, _ =	vpop (xrf1)  }
0xe0: {  	v59 =	vsub.f32 $0.0e+00, v56;
	v0 =	vmul.f32 $1.442695020e+00, v55;
	(erf) = vpow2.f32 v1;
	v40, _, _ =	vpop (xrf1)  }
0xe1: {  	v60 =	vsub.f32 $0.0e+00, v24;
	v57 =	vmul.f32 $1.442695020e+00, v57;
	(erf) = vpow2.f32 v62;
	v53, _, _ =	vpop (xrf1)  }
0xe2: {  	(erf) = vpow2.f32 v0;
	v61 =	vmin.f32 v39, v40;
	v39 =	vmax.f32 v39, v40;
	v55, _, _ =	vpop (xrf1)  }
0xe3: {  	v40 =	vmul.f32 $1.442695020e+00, v58;
	(erf) = vpow2.f32 v57;
	(xrf1) =	vsort.ascd.msk.f32 $0xffff, v61, v61;
	v57 =	vmin.f32 v53, v55  }
0xe4: {  	v54 =	vbroadcast v54, $0xF;
	v59 =	vmul.f32 $1.442695020e+00, v59;
	v58, _, _ =	vpop (xrf0);
	v61 =	vmax.f32 v53, v55;
	(xrf1) =	vsort.ascd.msk.f32 $0xffff, v39, v39  }
0xe5: {  	v0 =	vmul.f32 $1.442695020e+00, v60;
	(erf) = vpow2.f32 v40;
	v55, _, _ =	vpop (xrf1);
	(xrf1) =	vsort.dscd.msk.f32 $0xffff, v61, v61  }
0xe6: {  	v43 =	vnsel vm3, $0x0, v41;
	(erf) = vpow2.f32 v59;
	v59 =	vsub.f32 v47, v54;
	(xrf1) =	vsort.dscd.msk.f32 $0xffff, v57, v57;
	v57, _, _ =	vpop (xrf1)  }
0xe7: {  	v48 =	vsub.f32 v48, v54;
	v39 =	vbroadcast v58, $0xF;
	(erf) = vpow2.f32 v0;
	v58 =	vpop (erf)  }
0xe8: {  	v46 =	vsub.f32 v46, v54;
	v40 =	vnsel vm2, $0x0, v42;
	v59 =	vmul.f32 $1.442695020e+00, v59;
	v53, _, _ =	vpop (xrf1)  }
0xe9: {  	v48 =	vmul.f32 $1.442695020e+00, v48;
	v61 =	vsub.f32 v45, v54;
	v40 =	vadd.f32 v43, v40;
	v62 =	vpop (erf)  }
0xea: {  	v19 =	vsub.f32 v19, v39;
	v38 =	vsub.f32 v38, v39;
	v54 =	vpop (erf);
	(erf) = vpow2.f32 v59  }
0xeb: {  	v61 =	vmul.f32 $1.442695020e+00, v61;
	v5 =	vadd.f32 v40, v5;
	v0 =	vmin.f32 v55, v57;
	v60, _, _ =	vpop (xrf1)  }
0xec: {  	(xrf1) =	vsort.ascd.msk.f32 $0xffff, v0, v0;
	v0 =	vmul.f32 v62, v32;
	v63 =	vpop (erf);
	(erf) = vpow2.f32 v48;
	v48 =	vmax.f32 v55, v57  }
0xed: {  	v57 =	vmax.f32 v53, v60;
	v53 =	vmin.f32 v53, v60;
	v55 =	vpop (erf);
	(erf) = vpow2.f32 v61  }
0xee: {  	v47 =	vnsel vm1, $0x0, v42;
	(xrf1) =	vsort.ascd.msk.f32 $0xffff, v48, v48;
	v48 =	vmul.f32 v58, v31;
	v58 =	vmul.f32 v54, v21;
	v59 =	vpop (erf)  }
0xef: {  	v45 =	vnsel vm5, $0x0, v41;
	v54 =	vmul.f32 v63, v23;
	v27 =	vadd.f32 v0, v27;
	(xrf1) =	vsort.dscd.msk.f32 $0xffff, v57, v57;
	v60 =	vpop (erf)  }
0xf0: {  	v57 =	vnsel vm4, $0x0, v42;
	(xrf1) =	vsort.dscd.msk.f32 $0xffff, v53, v53;
	v53 =	vnsel vm6, $0x0, v41;
	v41 =	vadd.f32 v48, v51;
	v61 =	vpop (erf)  }
0xf1: {  	v48 =	vmul.f32 v55, v25;
	v52 =	vadd.f32 v58, v52;
	v54 =	vadd.f32 v54, v22;
	v55, _, _ =	vpop (xrf1)  }
0xf2: {  	v42 =	vadd.f32 $-1.000000000e+00, v27;
	v63 =	vmul.f32 v60, v29;
	v41 =	vadd.f32 $-1.000000000e+00, v41;
	v58, _, _ =	vpop (xrf1)  }
0xf3: {  	v62 =	vmul.f32 v59, v26;
	v59 =	vmul.f32 $1.442695020e+00, v19;
	v48 =	vadd.f32 v48, v50;
	v19 =	vpop (erf)  }
0xf4: {  	v51 =	vadd.f32 v63, v56;
	v56 =	vmul.f32 v61, v30;
	v63 =	vsub.f32 $0.0e+00, v41;
	v50, _, _ =	vpop (xrf1)  }
0xf5: {  	v46 =	vmul.f32 $1.442695020e+00, v46;
	v28 =	vadd.f32 v62, v28;
	v48 =	vadd.f32 $-1.000000000e+00, v48;
	v22 =	vpop (erf)  }
0xf6: {  	v56 =	vadd.f32 v56, v24;
	v0 =	vmul.f32 $1.442695020e+00, v63;
	v51 =	vadd.f32 $-1.000000000e+00, v51;
	v60, _, _ =	vpop (xrf1)  }
0xf7: {  	v61 =	vmax.f32 v55, v50;
	v24 =	vpop (erf);
	(erf) = vpow2.f32 v46;
	v62 =	vmax.f32 v58, v60  }
0xf8: {  	v46 =	vadd.f32 $-1.000000000e+00, v52;
	(erf) = vpow2.f32 v59;
	v27 =	vmax.f32 v61, v62  }
0xf9: {  	v52 =	vadd.f32 $-1.000000000e+00, v54;
	v54 =	vmin.f32 v61, v62;
	(xrf1) =	vsort.ascd.msk.f32 $0xffff, v27, v27;
	v27 =	vsub.f32 $0.0e+00, v42  }
0xfa: {  	v61 =	vsub.f32 $0.0e+00, v46;
	v62 =	vadd.f32 $-1.000000000e+00, v28;
	v28 =	vmin.f32 v55, v50  }
0xfb: {  	v50 =	vmin.f32 v58, v60;
	v55 =	vsub.f32 $0.0e+00, v52;
	(xrf1) =	vsort.ascd.msk.f32 $0xffff, v54, v54;
	v27 =	vmul.f32 $1.442695020e+00, v27  }
0xfc: {  	(erf) = vpow2.f32 v0;
	v1 =	vmul.f32 $1.442695020e+00, v61;
	v61 =	vsub.f32 $0.0e+00, v48;
	v54, _, _ =	vpop (xrf1)  }
0xfd: {  	v0 =	vmin.f32 v28, v50;
	v63 =	vsub.f32 $0.0e+00, v62;
	v60, _, _ =	vpop (xrf1);
	(erf) = vpow2.f32 v27  }
0xfe: {  	v58 =	vmul.f32 $1.442695020e+00, v55;
	(xrf1) =	vsort.ascd.msk.f32 $0xffff, v0, v0;
	v0 =	vmax.f32 v28, v50;
	v50 =	vmul.f32 $1.442695020e+00, v61;
	v59, _, _ =	vpop (xrf1)  }
0xff: {  	v61 =	vmul.f32 $1.442695020e+00, v63;
	v63 =	vsub.f32 $0.0e+00, v51;
	(erf) = vpow2.f32 v1;
	v55, _, _ =	vpop (xrf1)  }
0x100: {  	v56 =	vadd.f32 $-1.000000000e+00, v56;
	(xrf1) =	vsort.ascd.msk.f32 $0xffff, v0, v0;
	v27 =	vpop (erf);
	(erf) = vpow2.f32 v58;
	v58 =	vmin.f32 v54, v59  }
0x101: {  	v0 =	vmin.f32 v60, v55;
	v28 =	vpop (erf);
	(erf) = vpow2.f32 v50;
	v50 =	vmul.f32 $1.442695020e+00, v63  }
0x102: {  	v63 =	vsub.f32 $0.0e+00, v56;
	v1 =	vmin.f32 v58, v0;
	v0 =	vmax.f32 v58, v0  }
0x103: {  	v58 =	vadd.f32 v49, v44;
	v44 =	vadd.f32 v27, v24;
	(erf) = vpow2.f32 v61;
	(xrf1) =	vsort.ascd.msk.f32 $0xffff, v1, v1  }
0x104: {  	v1 =	vadd.f32 v36, v34;
	v61 =	vadd.f32 v53, v57;
	v63 =	vmul.f32 $1.442695020e+00, v63  }
0x105: {  	v36 =	vpop (erf);
	(erf) = vpow2.f32 v50;
	(xrf1) =	vsort.ascd.msk.f32 $0xffff, v0, v0;
	v0 =	vadd.f32 v20, v17;
	v50 =	vmax.f32 v54, v59  }
0x106: {  	v54 =	vmax.f32 v60, v55;
	v20 =	vadd.f32 v33, v18;
	v8 =	vadd.f32 v1, v8;
	v1 =	vld [tilespmem:$0x1FFF0];
	v33 =	vpop (erf)  }
0x107: {  	v60 =	vadd.f32 v45, v47;
	v36 =	vmul.f32 v36, v31;
	(erf) = vpow2.f32 v63;
	v17, _, _ =	vpop (xrf1)  }
0x108: {  	v4 =	vadd.f32 v58, v4;
	v31 =	vadd.f32 v22, v19;
	v55 =	vmin.f32 v50, v54;
	v59 =	vpop (erf);
	(xrf2) =	vadd.scan.msk.f32 $0xffff, v17  }
0x109: {  	v2 =	vadd.f32 v61, v2;
	v36 =	vadd.f32 v36, v41;
	(xrf1) =	vsort.ascd.msk.f32 $0xffff, v55, v55;
	v18, _, _ =	vpop (xrf1)  }
0x10a: {  	v38 =	vmul.f32 $1.442695020e+00, v38;
	v6 =	vadd.f32 v20, v6;
	v3 =	vadd.f32 v60, v3;
	v63 =	vpop (erf)  }
0x10b: {  	s31 =	sadd.s32 s21, s17;
	v40 =	vmax.f32 v50, v54;
	v36 =	vadd.f32 $-1.000000000e+00, v36;
	v1 =	vadd.f32 v0, v1;
	(xrf2) =	vadd.scan.msk.f32 $0xffff, v18;
	v0 =	vpop (erf)  }
0x10c: {  	v32 =	vmul.f32 v33, v32;
	v50 =	vmul.f32 v59, v21;
	v59 =	vmov s31;
	v20, _, _ =	vpop (xrf1)  }
0x10d: {  	v36 =	vmul.f32 v36, v11;
	(erf) = vpow2.f32 v38;
	v38 =	vsub.f32 v35, v39;
	v43 =	vpop (erf);
	(xrf1) =	vsort.ascd.msk.f32 $0xffff, v40, v40  }
0x10e: {  	v53 =	vmul.f32 v63, v23;
	v32 =	vadd.f32 v32, v42;
	v60 =	vand.u32 $0xFFFFFFFE, v59;
	(xrf2) =	vadd.scan.msk.f32 $0xffff, v20;
	v21, _, _ =	vpop (xrf1)  }
0x10f: {  	[tilespmem:$0x1FFF0] =	vst v1;
	v1 =	vsub.f32 v37, v39;
	v0 =	vmul.f32 v0, v25;
	v49 =	vpop (erf);
	(xrf2) =	vadd.scan.msk.f32 $0xffff, v21  }
0x110: {  	v34 =	vadd.f32 v50, v46;
	v54 =	vmul.f32 v43, v26;
	v55 =	vadd.f32 v53, v52;
	v26 =	vpop (erf)  }
0x111: {  	v32 =	vadd.f32 $-1.000000000e+00, v32;
	v29 =	vmul.f32 v49, v29;
	v0 =	vadd.f32 v0, v48;
	v23, _, _ =	vpop (xrf1)  }
0x112: {  	v34 =	vadd.f32 $-1.000000000e+00, v34;
	v1 =	vmul.f32 $1.442695020e+00, v1;
	v37 =	vadd.f32 $-1.000000000e+00, v55;
	v33, _, _ =	vpop (xrf2);
	(xrf2) =	vadd.scan.msk.f32 $0xffff, v23  }
0x113: {  	v32 =	vmul.f32 v32, v10;
	v57 =	vadd.f32 v29, v51;
	v26 =	vmul.f32 v26, v30  }
0x114: {  	v0 =	vadd.f32 $-1.000000000e+00, v0;
	v37 =	vmul.f32 v37, v15;
	v30 =	vadd.f32 v54, v62;
	v25, _, _ =	vpop (xrf1)  }
0x115: {  	v36 =	vadd.f32 v32, v36;
	v62 =	vmul.f32 v34, v9;
	v58 =	vadd.f32 v26, v56;
	v41, _, _ =	vpop (xrf2);
	(xrf2) =	vadd.scan.msk.f32 $0xffff, v25  }
0x116: {  	v32 =	vbroadcast v60, $0x0;
	v39 =	vadd.f32 $-1.000000000e+00, v57;
	v35 =	vpop (erf);
	v30 =	vadd.f32 $-1.000000000e+00, v30  }
0x117: {  	v0 =	vmul.f32 v0, v14;
	v37 =	vadd.f32 v37, v62;
	v40 =	vadd.f32 $-1.000000000e+00, v58;
	v29, _, _ =	vpop (xrf1)  }
0x118: {  	v54 =	vimm.s32 $0xF;
	v39 =	vmul.f32 v39, v13;
	v63 =	vmul.f32 v30, v12;
	v61, _, _ =	vpop (xrf2);
	(xrf2) =	vadd.scan.msk.f32 $0xffff, v29  }
0x119: {  	v46 =	vadd.f32 v35, v28;
	v36 =	vadd.f32 v37, v36;
	v40 =	vmul.f32 v40, v16;
	v52, _, _ =	vpop (xrf2)  }
0x11a: {  	v0 =	vadd.f32 v63, v0;
	v55 =	vperm.xlane v61, v54;
	v56 =	vperm.xlane v52, v54  }
0x11b: {  	s23 =	sadd.f32 s24, s23;
	(erf) = vpow2.f32 v1;
	v53 =	vsub.f32 $1.000000000e+00, v61;
	v34, _, _ =	vpop (xrf1);
	v1 =	vadd.f32 v40, v39  }
0x11c: {  	v62 =	vperm.xlane v41, v54;
	v58 =	vadd.f32 v52, v55;
	v60 =	vadd.f32 v56, v55;
	v30, _, _ =	vpop (xrf2);
	(xrf2) =	vadd.scan.msk.f32 $0xffff, v34  }
0x11d: {  	s19 =	sadd.f32 s23, s19;
	s23 =	sadd.s32 $0x1, s31;
	v38 =	vmul.f32 $1.442695020e+00, v38;
	v37 =	vadd.f32 v53, v20;
	v0 =	vadd.f32 v1, v0  }
0x11e: {  	v26 =	vmov s23;
	v63 =	vsub.f32 $1.000000000e+00, v58;
	v51 =	vadd.f32 v62, v60  }
0x11f: {  	v41 =	vadd.f32 v41, v60;
	v1 =	vsub.f32 $1.000000000e+00, v30;
	v30 =	vperm.xlane v30, v54;
	v57, _, _ =	vpop (xrf2)  }
0x120: {  	v53 =	vadd.f32 v63, v21;
	v59 =	vperm.xlane v57, v54;
	v33 =	vadd.f32 v33, v51  }
0x121: {  	(erf) = vpow2.f32 v38;
	v1 =	vadd.f32 v1, v23;
	v61 =	vadd.f32 v57, v30  }
0x122: {  	vm1 =	vle.f32 v37, $7.500000000e-01;
	v30 =	vadd.f32 v59, v30;
	v48, _, _ =	vpop (xrf2);
	v33 =	vsub.f32 $1.000000000e+00, v33  }
0x123: {  	(xrf2) =	vadd.scan.msk.f32 $0xffff, v36;
	v49 =	vperm.xlane v48, v54;
	vm2 =	vle.f32 v1, $7.500000000e-01;
	v1 =	vsub.f32 $1.000000000e+00, v41  }
0x124: {  	v50 =	vsub.f32 $1.000000000e+00, v61;
	v54 =	vmpcnt.ones.xlane vm1;
	(xrf2) =	vadd.scan.msk.f32 $0xffff, v0;
	v52 =	vadd.f32 v48, v30  }
0x125: {  	vm1 =	vle.f32 v53, $7.500000000e-01;
	v30 =	vadd.f32 v49, v30;
	v1 =	vadd.f32 v1, v18  }
0x126: {  	v57 =	vmpcnt.ones.xlane vm1;
	v33 =	vadd.f32 v33, v17;
	v56 =	vsub.f32 $1.000000000e+00, v52;
	v0, _, _ =	vpop (xrf2)  }
0x127: {  	v55 =	vadd.f32 v50, v25;
	vm1 =	vle.f32 v1, $7.500000000e-01;
	v0 =	vadd.f32 v0, v30  }
0x128: {  	v37 =	vadd.s32 v54, v57;
	v36 =	vadd.f32 v56, v29;
	v1 =	vmpcnt.ones.xlane vm1  }
0x129: {  	v30 =	vmpcnt.ones.xlane vm2;
	vm2 =	vle.f32 v55, $7.500000000e-01;
	v0 =	vsub.f32 $1.000000000e+00, v0  }
0x12a: {  	v39 =	vpop (erf);
	v58 =	vmpcnt.ones.xlane vm2;
	vm1 =	vle.f32 v36, $7.500000000e-01;
	vm2 =	vle.f32 v33, $7.500000000e-01  }
0x12b: {  	v40 =	vpop (erf);
	v60 =	vmpcnt.ones.xlane vm1;
	v61 =	vmpcnt.ones.xlane vm2;
	v59 =	vadd.f32 v0, v34  }
0x12c: {  	v63 =	vadd.f32 v40, v39;
	v1 =	vadd.s32 v1, v37;
	v30 =	vadd.s32 v30, v58  }
0x12d: {  	v30 =	vadd.s32 v60, v30;
	v1 =	vadd.s32 v61, v1;
	vm1 =	vle.f32 v59, $7.500000000e-01;
	v0, _, _ =	vpop (xrf2)  }
0x12e: {  	v62 =	vmpcnt.ones.xlane vm1;
	(v2sf) =	vpush v0, $0xF;
	v0, _, _ =	vpop (xrf2);
	vm1 =	vgt.s32 v1, $0x2  }
0x12f: {  	(v2sf) =	vpush v0, $0xF;
	v0 =	vadd.f32 v44, v31;
	v1 =	vnsel vm1, $0x2, v1  }
0x130: {  	v30 =	vadd.s32 v62, v30;
	v47 =	vsub.s32 $0x40, v1;
	v48 =	vsub.s32 $0x30, v1  }
0x131: {  	v44 =	vsub.s32 $0x10, v1;
	v37 =	vsub.s32 $0x20, v1;
	vm2 =	vgt.s32 v30, $0x2  }
0x132: {  	p0 =	sne.s32 s22, $0x1FE;
	vm9 =	vgt.s32 v47, $0x0;
	v49 =	vshra.s32 v47, $0x4;
	vm10 =	vgt.s32 v48, $0x0  }
.Ltmp0:
0x133: {  	vm4 =	vgt.s32 v44, $0x0;
	vm3 =	vgt.s32 v37, $0x0;
	v31 =	vnsel vm2, $0x2, v30;
	(pc) =	sbr.rel @p0 .LBB2_3-.Ltmp0, $4  }
0x134: {  	v30 =	vadd.f32 v63, v46;
	vm1 =	veq.s32 v49, $0x0;
	vm2 =	veq.s32 v49, $0x1  }
0x135: {  	v46 =	vsub.s32 $0x40, v31;
	v41 =	vsub.s32 $0x30, v31;
	v38 =	vsub.s32 $0x20, v31  }
0x136: {  	v45 =	vsub.s32 $0x10, v31;
	v36 =	vshra.s32 v46, $0x4;
	vm8 =	vgt.s32 v46, $0x0  }
0x137: {  	s21 =	smov.u32 s22;
	s22 =	sadd.s32 $0x2, s22;
	(xrf2) =	vadd.scan.msk.f32 $0xffff, v0;
	vm5 =	vgt.s32 v41, $0x0;
	vm6 =	vgt.s32 v45, $0x0;
	vm7 =	vgt.s32 v38, $0x0  }
0x138: {  	_ = 	snop  }
0x139: {  	(xrf2) =	vadd.scan.msk.f32 $0xffff, v30;
	_ =	sdelay $0x7  }
0x13a: {  	v0, _, _ =	vpop (xrf2)  }
0x13b: {  	v0 =	vadd.f32 $0.0e+00, v0  }
0x13c: {  	v1, _, _ =	vpop (xrf2)  }
0x13d: {  	v1 =	vadd.f32 $0.0e+00, v1;
	v0 =	vbroadcast v0, $0xF;
	_ =	sdelay $0x1  }
0x13e: {  	v1 =	vbroadcast v1, $0xF;
	(erf) = vrcp.f32 v0;
	_ =	sdelay $0x1  }
0x13f: {  	(erf) = vrcp.f32 v1;
	_ =	sdelay $0x6  }
0x140: {  	v0 =	vpop (erf)  }
0x141: {  	v19 =	vmul.f32 v0, v19;
	v31 =	vmul.f32 v0, v22  }
0x142: {  	v1 =	vmul.f32 v0, v24;
	v33 =	vmul.f32 v0, v27;
	v0 =	vpop (erf)  }
0x143: {  	v28 =	vmul.f32 v0, v28;
	v24 =	vmul.f32 v0, v35  }
0x144: {  	v22 =	vmul.f32 v0, v39;
	v50 =	vadd.f32 $9.999999740e-06, v19;
	v51 =	vadd.f32 $9.999999740e-06, v31  }
0x145: {  	v30 =	vmul.f32 v0, v40;
	v35 =	vadd.f32 $9.999999740e-06, v1;
	v39 =	vadd.f32 $9.999999740e-06, v33  }
0x146: {  	[tilespmem:$0x1FFA0] =	vst v19;
	v40 =	vadd.f32 $9.999999740e-06, v28;
	v42 =	vadd.f32 $9.999999740e-06, v24;
	v0 =	vcvt.s32.f32 v50  }
0x147: {  	v27 =	vmovc v19;
	[tilespmem:$0x1FFB0] =	vst v1;
	v43 =	vadd.f32 $9.999999740e-06, v22;
	v19 =	vmovc v1;
	v1 =	vcvt.s32.f32 v51;
	v53 =	vcvt.s32.f32 v35  }
0x148: {  	(xrf1) =	vsort.ascd.msk.f32 $0xffff, v27, v27;
	v52 =	vadd.f32 $9.999999740e-06, v30;
	v54 =	vcvt.s32.f32 v39;
	v55 =	vcvt.s32.f32 v40  }
0x149: {  	(xrf1) =	vsort.dscd.msk.f32 $0xffff, v31, v31;
	v56 =	vcvt.s32.f32 v42;
	v57 =	vcvt.s32.f32 v43  }
0x14a: {  	[tilespmem:$0x1FFD0] =	vst v24;
	(xrf1) =	vsort.ascd.msk.f32 $0xffff, v19, v19;
	v58 =	vcvt.s32.f32 v52;
	v0 =	vmul.f32 $8.262958320e-08, v0  }
0x14b: {  	[tilespmem:$0x1FFE0] =	vst v22;
	(xrf1) =	vsort.dscd.msk.f32 $0xffff, v33, v33;
	v1 =	vmul.f32 $8.262958320e-08, v1;
	v53 =	vmul.f32 $8.262958320e-08, v53  }
0x14c: {  	v27 =	vmovc v22;
	v54 =	vmul.f32 $8.262958320e-08, v54;
	(xrf1) =	vsort.ascd.msk.f32 $0xffff, v28, v28;
	v55 =	vmul.f32 $8.262958320e-08, v55;
	v22 =	vadd.f32 $-8.806091300e+01, v0  }
0x14d: {  	v56 =	vmul.f32 $8.262958320e-08, v56;
	(xrf1) =	vsort.dscd.msk.f32 $0xffff, v24, v24;
	v24 =	vadd.f32 $-8.806091300e+01, v1;
	v53 =	vadd.f32 $-8.806091300e+01, v53  }
0x14e: {  	v57 =	vmul.f32 $8.262958320e-08, v57;
	v54 =	vadd.f32 $-8.806091300e+01, v54;
	v59 =	vsub.f32 $0.0e+00, v22  }
0x14f: {  	v58 =	vmul.f32 $8.262958320e-08, v58;
	v55 =	vadd.f32 $-8.806091300e+01, v55;
	v60 =	vsub.f32 $0.0e+00, v24  }
0x150: {  	v56 =	vadd.f32 $-8.806091300e+01, v56;
	v61 =	vsub.f32 $0.0e+00, v53;
	v59 =	vmul.f32 $1.442695020e+00, v59  }
0x151: {  	v57 =	vadd.f32 $-8.806091300e+01, v57;
	v62 =	vsub.f32 $0.0e+00, v54;
	v60 =	vmul.f32 $1.442695020e+00, v60  }
0x152: {  	v61 =	vmul.f32 $1.442695020e+00, v61;
	(erf) = vpow2.f32 v59;
	v59 =	vsub.f32 $0.0e+00, v55  }
0x153: {  	v62 =	vmul.f32 $1.442695020e+00, v62;
	(erf) = vpow2.f32 v60;
	v60 =	vsub.f32 $0.0e+00, v56  }
0x154: {  	v58 =	vadd.f32 $-8.806091300e+01, v58;
	(erf) = vpow2.f32 v61;
	v59 =	vmul.f32 $1.442695020e+00, v59  }
0x155: {  	(xrf1) =	vsort.ascd.msk.f32 $0xffff, v27, v27;
	v61 =	vsub.f32 $0.0e+00, v57;
	(erf) = vpow2.f32 v62;
	v60 =	vmul.f32 $1.442695020e+00, v60  }
0x156: {  	(erf) = vpow2.f32 v59  }
0x157: {  	(xrf1) =	vsort.dscd.msk.f32 $0xffff, v30, v30;
	v63, _, _ =	vpop (xrf1);
	v59 =	vmul.f32 $1.442695020e+00, v61;
	(erf) = vpow2.f32 v60;
	v60 =	vsub.f32 $0.0e+00, v58  }
0x158: {  	v62, _, _ =	vpop (xrf1)  }
0x159: {  	v61, _, _ =	vpop (xrf1);
	v60 =	vmul.f32 $1.442695020e+00, v60  }
0x15a: {  	v19 =	vmin.f32 v63, v62;
	v62 =	vmax.f32 v63, v62;
	(erf) = vpow2.f32 v59;
	v0, _, _ =	vpop (xrf1)  }
0x15b: {  	(xrf1) =	vsort.ascd.msk.f32 $0xffff, v19, v19;
	v59, _, _ =	vpop (xrf1);
	(erf) = vpow2.f32 v60;
	v60 =	vmax.f32 v61, v0  }
0x15c: {  	(xrf1) =	vsort.ascd.msk.f32 $0xffff, v62, v62;
	v1, _, _ =	vpop (xrf1);
	v0 =	vmin.f32 v61, v0  }
0x15d: {  	v62 =	vpop (erf);
	(xrf1) =	vsort.dscd.msk.f32 $0xffff, v60, v60  }
0x15e: {  	v61 =	vmin.f32 v59, v1;
	v1 =	vmax.f32 v59, v1;
	v59 =	vmul.f32 v62, v50;
	v60 =	vpop (erf)  }
0x15f: {  	(xrf1) =	vsort.dscd.msk.f32 $0xffff, v0, v0;
	v0 =	vpop (erf);
	v60 =	vmul.f32 v60, v51  }
0x160: {  	v22 =	vadd.f32 v59, v22;
	v62 =	vpop (erf);
	v0 =	vmul.f32 v0, v35  }
0x161: {  	(xrf1) =	vsort.ascd.msk.f32 $0xffff, v61, v61;
	v61 =	vpop (erf);
	v59 =	vmul.f32 v62, v39;
	v24 =	vadd.f32 v60, v24  }
0x162: {  	[tilespmem:$0x1FFC0] =	vst v28;
	v28 =	vadd.f32 $-1.000000000e+00, v22;
	v61 =	vmul.f32 v61, v40;
	v62 =	vpop (erf);
	v0 =	vadd.f32 v0, v53  }
0x163: {  	v19, _, _ =	vpop (xrf1);
	v53 =	vmul.f32 v62, v42;
	v54 =	vadd.f32 v59, v54;
	v27 =	vadd.f32 $-1.000000000e+00, v24  }
0x164: {  	v60 =	vpop (erf);
	v55 =	vadd.f32 v61, v55;
	v61 =	vsub.f32 $0.0e+00, v28  }
0x165: {  	(xrf1) =	vsort.ascd.msk.f32 $0xffff, v1, v1;
	v59 =	vmul.f32 v60, v43;
	v60, _, _ =	vpop (xrf1);
	v24 =	vadd.f32 $-1.000000000e+00, v0;
	v1 =	vadd.f32 v53, v56  }
0x166: {  	v56 =	vmax.f32 v19, v60;
	v19 =	vmin.f32 v19, v60;
	v62 =	vsub.f32 $0.0e+00, v27  }
0x167: {  	v60 =	vpop (erf);
	v54 =	vadd.f32 $-1.000000000e+00, v54;
	(xrf1) =	vsort.dscd.msk.f32 $0xffff, v56, v56;
	v56 =	vadd.f32 v59, v57;
	v53 =	vmul.f32 $1.442695020e+00, v61  }
0x168: {  	v63 =	vsub.f32 $0.0e+00, v24;
	v55 =	vadd.f32 $-1.000000000e+00, v55;
	(xrf1) =	vsort.dscd.msk.f32 $0xffff, v19, v19;
	v19 =	vmul.f32 v60, v52  }
0x169: {  	v57 =	vmul.f32 $1.442695020e+00, v62;
	v60 =	vsub.f32 $0.0e+00, v54;
	v22 =	vadd.f32 $-1.000000000e+00, v1  }
0x16a: {  	(erf) = vpow2.f32 v53;
	v61 =	vmul.f32 $1.442695020e+00, v63;
	v56 =	vadd.f32 $-1.000000000e+00, v56  }
0x16b: {  	(erf) = vpow2.f32 v57;
	v57 =	vsub.f32 $0.0e+00, v55;
	v59 =	vmul.f32 $1.442695020e+00, v60  }
0x16c: {  	v19 =	vadd.f32 v19, v58;
	v60 =	vsub.f32 $0.0e+00, v22  }
0x16d: {  	v58, _, _ =	vpop (xrf1);
	(erf) = vpow2.f32 v61;
	v62 =	vsub.f32 $0.0e+00, v56;
	v57 =	vmul.f32 $1.442695020e+00, v57  }
0x16e: {  	v53, _, _ =	vpop (xrf1);
	(erf) = vpow2.f32 v59;
	v19 =	vadd.f32 $-1.000000000e+00, v19;
	v60 =	vmul.f32 $1.442695020e+00, v60  }
0x16f: {  	v59, _, _ =	vpop (xrf1);
	(erf) = vpow2.f32 v57;
	v57 =	vmul.f32 $1.442695020e+00, v62  }
0x170: {  	v1 =	vsub.f32 $0.0e+00, v19;
	v61, _, _ =	vpop (xrf1)  }
0x171: {  	v63 =	vmax.f32 v58, v59;
	(erf) = vpow2.f32 v60;
	v0 =	vmax.f32 v53, v61  }
0x172: {  	v58 =	vmin.f32 v58, v59;
	v1 =	vmul.f32 $1.442695020e+00, v1;
	v60, _, _ =	vpop (xrf1);
	v62 =	vmax.f32 v63, v0  }
0x173: {  	v53 =	vmin.f32 v53, v61;
	(erf) = vpow2.f32 v57;
	v0 =	vmin.f32 v63, v0;
	(xrf1) =	vsort.ascd.msk.f32 $0xffff, v62, v62;
	v57, _, _ =	vpop (xrf1)  }
0x174: {  	v61 =	vpop (erf);
	(xrf1) =	vsort.ascd.msk.f32 $0xffff, v0, v0;
	v0 =	vmin.f32 v58, v53  }
0x175: {  	v63 =	vpop (erf)  }
0x176: {  	(erf) = vpow2.f32 v1;
	v1, _, _ =	vpop (xrf1)  }
0x177: {  	v53 =	vmax.f32 v58, v53;
	(xrf1) =	vsort.ascd.msk.f32 $0xffff, v0, v0;
	v0, _, _ =	vpop (xrf1)  }
0x178: {  	v51 =	vmul.f32 v63, v51;
	v58 =	vmin.f32 v60, v1;
	v59 =	vmin.f32 v57, v0  }
0x179: {  	(xrf1) =	vsort.ascd.msk.f32 $0xffff, v53, v53;
	v1 =	vmax.f32 v60, v1;
	v62 =	vmin.f32 v58, v59  }
0x17a: {  	v0 =	vmax.f32 v57, v0;
	v58 =	vmax.f32 v58, v59;
	(xrf1) =	vsort.ascd.msk.f32 $0xffff, v62, v62  }
0x17b: {  	v50 =	vmul.f32 v61, v50;
	v60 =	vpop (erf);
	v57 =	vmin.f32 v1, v0;
	(xrf1) =	vsort.ascd.msk.f32 $0xffff, v58, v58  }
0x17c: {  	v27 =	vadd.f32 v51, v27;
	v0 =	vmax.f32 v1, v0;
	v62 =	vpop (erf);
	(xrf1) =	vsort.ascd.msk.f32 $0xffff, v57, v57  }
0x17d: {  	v1 =	vmul.f32 v60, v35;
	v53 =	vmul.f32 v62, v39;
	(xrf1) =	vsort.ascd.msk.f32 $0xffff, v0, v0  }
0x17e: {  	v38 =	vnsel vm7, $0x0, v38;
	v28 =	vadd.f32 v50, v28;
	v27 =	vadd.f32 $-1.000000000e+00, v27;
	v63 =	vpop (erf)  }
0x17f: {  	v1 =	vadd.f32 v1, v24;
	v58 =	vpop (erf);
	v0 =	vmul.f32 v63, v40;
	v24 =	vadd.f32 v53, v54;
	v53 =	vld [tilespmem:$0x1FFB0]  }
0x180: {  	v28 =	vadd.f32 $-1.000000000e+00, v28;
	v27 =	vmul.f32 v27, v31;
	v39 =	vmul.f32 v58, v42;
	v59 =	vpop (erf);
	v54 =	vld [tilespmem:$0x1FFC0]  }
0x181: {  	v1 =	vadd.f32 $-1.000000000e+00, v1;
	v40 =	vmul.f32 v59, v43;
	v60 =	vpop (erf);
	v0 =	vadd.f32 v0, v55;
	v55 =	vld [tilespmem:$0x1FFE0]  }
0x182: {  	v63 =	vnsel vm9, $0x0, v47;
	v61 =	vmul.f32 v60, v52;
	v22 =	vadd.f32 v39, v22;
	v52 =	vld [tilespmem:$0x1FFA0]  }
0x183: {  	vm9 =	veq.s32 v36, $0x2;
	v24 =	vadd.f32 $-1.000000000e+00, v24;
	v40 =	vadd.f32 v40, v56;
	v56 =	vld [tilespmem:$0x1FFD0]  }
0x184: {  	v58 =	vnsel vm3, $0x0, v37;
	v0 =	vadd.f32 $-1.000000000e+00, v0;
	v19 =	vadd.f32 v61, v19;
	v39, _, _ =	vpop (xrf1)  }
0x185: {  	v22 =	vadd.f32 $-1.000000000e+00, v22;
	v24 =	vmul.f32 v24, v33;
	(xrf2) =	vadd.scan.msk.f32 $0xffff, v39;
	v35, _, _ =	vpop (xrf1);
	v62 =	vadd.f32 $-1.000000000e+00, v40  }
0x186: {  	v1 =	vmul.f32 v1, v53;
	v0 =	vmul.f32 v0, v54;
	(xrf2) =	vadd.scan.msk.f32 $0xffff, v35;
	v43, _, _ =	vpop (xrf1);
	v19 =	vadd.f32 $-1.000000000e+00, v19  }
0x187: {  	vm3 =	veq.s32 v36, $0x0;
	v28 =	vmul.f32 v28, v52;
	(xrf2) =	vadd.scan.msk.f32 $0xffff, v43;
	v42, _, _ =	vpop (xrf1);
	v50 =	vmul.f32 v62, v55  }
0x188: {  	v1 =	vadd.f32 v24, v1;
	v22 =	vmul.f32 v22, v56;
	(xrf2) =	vadd.scan.msk.f32 $0xffff, v42;
	v19 =	vmul.f32 v19, v30;
	v40, _, _ =	vpop (xrf1)  }
0x189: {  	v24 =	vnsel vm10, $0x0, v48;
	v27 =	vadd.f32 v27, v28;
	v28 =	vnsel vm6, $0x0, v45;
	v47, _, _ =	vpop (xrf1);
	(xrf2) =	vadd.scan.msk.f32 $0xffff, v40  }
0x18a: {  	v0 =	vadd.f32 v22, v0;
	v19 =	vadd.f32 v19, v50;
	v22 =	vnsel vm8, $0x0, v46;
	v48, _, _ =	vpop (xrf1);
	(xrf2) =	vadd.scan.msk.f32 $0xffff, v47  }
0x18b: {  	vm8 =	veq.s32 v49, $0x2;
	v1 =	vadd.f32 v1, v27;
	v27 =	vnsel vm4, $0x0, v44;
	(xrf2) =	vadd.scan.msk.f32 $0xffff, v48;
	v57, _, _ =	vpop (xrf1)  }
0x18c: {  	v0 =	vadd.f32 v19, v0;
	v19 =	vnsel vm5, $0x0, v41;
	v17 =	vperm.xlane v17, v27;
	(xrf2) =	vadd.scan.msk.f32 $0xffff, v57  }
0x18d: {  	v27 =	vmin.u32 v38, $0xF;
	v19 =	vmin.u32 v19, $0xF;
	(xrf2) =	vadd.scan.msk.f32 $0xffff, v1;
	v1 =	vmin.u32 v63, $0xF  }
0x18e: {  	v19 =	vperm.xlane v25, v19;
	(xrf2) =	vadd.scan.msk.f32 $0xffff, v0;
	v1 =	vperm.xlane v20, v1;
	v20 =	vmin.u32 v58, $0xF  }
0x18f: {  	s20 =	spop (v2sf);
	v59, _, _ =	vpop (xrf2);
	v0 =	vmin.u32 v24, $0xF;
	v24 =	vperm.xlane v34, v28;
	v18 =	vperm.xlane v18, v20  }
0x190: {  	s22 =	ssub.f32 $0.0e+00, s20;
	s25 =	spop (v2sf);
	v44, _, _ =	vpop (xrf2);
	v20 =	vperm.xlane v29, v27;
	v0 =	vperm.xlane v21, v0;
	v21 =	vmin.u32 v22, $0xF  }
0x191: {  	s23 =	ssub.f32 $0.0e+00, s25;
	v61 =	vimm.s32 $0xF;
	v28, _, _ =	vpop (xrf2);
	v17 =	vsel vm8, v18, v17;
	v18 =	vperm.xlane v23, v21  }
0x192: {  	p0 =	sge.f32 s22, $3.799999950e+00;
	vm4 =	veq.s32 v36, $0x1;
	v27, _, _ =	vpop (xrf2);
	v20 =	vsel vm9, v20, v24;
	v0 =	vsel vm2, v0, v17  }
0x193: {  	p1 =	sge.f32 s23, $3.799999950e+00;
	v17 =	vsel vm4, v19, v20;
	vm2 =	vmmov vm0;
	v21, _, _ =	vpop (xrf2);
	v0 =	vsel vm1, v1, v0  }
0x194: {  	v22 =	vld.idx.msk [tilespmem:v26+s10+$0x0], $0xffff;
	vm2 =	vmneg @p0 vm2;
	v1 =	vsel vm3, v18, v17;
	vm1 =	vmmov vm0;
	v19, _, _ =	vpop (xrf2)  }
0x195: {  	v20 =	vld.idx.msk [tilespmem:v32+s10+$0x0], $0xffff;
	vm3 =	vge.f32 v15, v0;
	vm1 =	vmneg @p1 vm1;
	vm4 =	vge.f32 v16, v1;
	v18, _, _ =	vpop (xrf2)  }
0x196: {  	vm5 =	vge.f32 v9, v0;
	vm6 =	vge.f32 v14, v1;
	vm7 =	vge.f32 v12, v1;
	v23, _, _ =	vpop (xrf2)  }
0x197: {  	vm8 =	vge.f32 v13, v1;
	vm3 =	vmor vm3, vm2;
	vm4 =	vmor vm4, vm1;
	v17, _, _ =	vpop (xrf2)  }
0x198: {  	v15 =	vnsel vm3, $0x0, v15;
	v16 =	vnsel vm4, $0x0, v16;
	(v2sf) =	vpush v17, $0xF;
	v17, _, _ =	vpop (xrf2)  }
0x199: {  	vm3 =	vgt.f32 v15, $0.0e+00;
	vm4 =	vgt.f32 v16, $0.0e+00;
	(v2sf) =	vpush v17, $0xF  }
0x19a: {  	v24 =	vnsel vm4, $0x0, v22;
	vm4 =	vge.f32 v10, v0;
	v17 =	vnsel vm3, $0x0, v20  }
0x19b: {  	vm3 =	vge.f32 v11, v0;
	vm4 =	vmor vm4, vm2;
	v17 =	vadd.f32 v24, v17  }
0x19c: {  	vm3 =	vmor vm3, vm2;
	vm2 =	vmor vm5, vm2;
	vm5 =	vmor vm6, vm1  }
0x19d: {  	s26 =	sadd.s32 s21, s17;
	vm6 =	vmor vm7, vm1;
	v1 =	vnsel vm4, $0x0, v10;
	vm1 =	vmor vm8, vm1  }
0x19e: {  	v10 =	vmov s26;
	v0 =	vnsel vm3, $0x0, v11;
	v9 =	vnsel vm2, $0x0, v9  }
0x19f: {  	s20 =	sadd.s32 $0x1, s26;
	v11 =	vnsel vm5, $0x0, v14;
	v10 =	vand.u32 $0xFFFFFFFE, v10;
	v12 =	vnsel vm6, $0x0, v12  }
0x1a0: {  	v14 =	vmov s20;
	v13 =	vnsel vm1, $0x0, v13;
	v26 =	vmul.f32 v1, v20  }
0x1a1: {  	vm3 =	vgt.f32 v1, $0.0e+00;
	v1 =	vmul.f32 v15, v20;
	v10 =	vbroadcast v10, $0x0  }
0x1a2: {  	v45 =	vadd.f32 v17, v7;
	v24 =	vmul.f32 v0, v20;
	v25 =	vmul.f32 v11, v22  }
0x1a3: {  	v29 =	vmul.f32 v12, v22;
	vm1 =	vgt.f32 v0, $0.0e+00;
	v0 =	vmul.f32 v9, v20  }
0x1a4: {  	v49 =	vmul.f32 v13, v22;
	vm2 =	vgt.f32 v11, $0.0e+00;
	vm4 =	vgt.f32 v12, $0.0e+00  }
0x1a5: {  	vm5 =	vgt.f32 v9, $0.0e+00;
	vm6 =	vgt.f32 v13, $0.0e+00;
	v11 =	vmul.f32 v16, v22  }
0x1a6: {  	v9 =	vnsel vm1, $0x0, v20;
	v15 =	vadd.f32 v25, v24;
	v16 =	vadd.f32 v29, v26  }
0x1a7: {  	p0 =	seq.s32 s18, $0xF;
	v12 =	vnsel vm2, $0x0, v22;
	v0 =	vadd.f32 v49, v0;
	v1 =	vadd.f32 v11, v1;
	s28 =	spop (v2sf)  }
0x1a8: {  	s21 =	sshll.u32 @!p0 s18, $0x10;
	v11 =	vnsel vm6, $0x0, v22;
	v12 =	vadd.f32 v12, v9;
	v13 =	vld.idx.msk [tilespmem:v14+s10+$0x0], $0xffff;
	v14 =	vnsel vm3, $0x0, v20;
	s24 =	spop (v2sf)  }
0x1a9: {  	s21 =	sadd.s32 @!p0 s21, s7;
	v20 =	vnsel vm5, $0x0, v20;
	v25 =	vadd.f32 v15, v8;
	v62 =	vadd.f32 v0, v6;
	v17 =	vld.idx.msk [tilespmem:v10+s10+$0x0], $0xffff;
	_ =	swait.ge [sflag:s14], $0x8000  }
0x1aa: {  	s29 =	simm.s32 $0x8040;
	s21 =	sshrl.u32 @!p0 s21, $0x3;
	v60 =	vadd.f32 v1, v4;
	v0 =	vsub.f32 $1.000000000e+00, v28;
	v1 =	vperm.xlane v28, v61;
	[sflag:s14] =	ssyncset.done $0x0;
	v7 =	vld [tilespmem:$0x1FFF0]  }
0x1ab: {  	s25 =	simm.s32 @!p0 $0x0;
	s21 =	sadd.s32 @!p0 s4, s21;
	v26 =	vadd.f32 v12, v5;
	v4 =	vsub.f32 $1.000000000e+00, v21;
	v12 =	vperm.xlane v21, v61;
	[sflag:s14] =	ssyncadd.s32 $0xFFFF8000  }
0x1ac: {  	v9 =	vadd.f32 v11, v20;
	v20 =	vperm.xlane v19, v61;
	v0 =	vadd.f32 v0, v43;
	[tilespmem:s25], [sflag:$0x1] =	stream.linear.gather @!p0 [hbm4b:s21+s25], $0x8000, $0x38;
	[tilespmem:$0x14100] =	vst v63  }
0x1ad: {  	v10 =	vnsel vm4, $0x0, v22;
	v15 =	vadd.f32 v27, v1;
	v4 =	vadd.f32 v4, v40;
	v6 =	vld [tilespmem:s29+$0xFFFFFFC0]  }
0x1ae: {  	v19 =	vadd.f32 v19, v12;
	v10 =	vadd.f32 v10, v14;
	v11 =	vld [tilespmem:s29+$0xFFFFFFD0]  }
0x1af: {  	v12 =	vadd.f32 v20, v12;
	v22 =	vld [tilespmem:s29+$0x0];
	v14 =	vadd.f32 v16, v7;
	v7 =	vperm.xlane v27, v61  }
0x1b0: {  	v15 =	vsub.f32 $1.000000000e+00, v15;
	v19 =	vsub.f32 $1.000000000e+00, v19;
	vm1 =	vle.f32 v0, $7.500000000e-01;
	v16 =	vld [tilespmem:s29+$0xFFFFFFE0]  }
0x1b1: {  	v0 =	vadd.f32 v18, v12;
	v27 =	vperm.xlane v18, v61;
	v1 =	vadd.f32 v7, v1;
	v7 =	vld [tilespmem:s29+$0xFFFFFFF0]  }
0x1b2: {  	v21 =	vperm.xlane v44, v61;
	v15 =	vadd.f32 v15, v42;
	v19 =	vadd.f32 v19, v47;
	v24 =	vld [tilespmem:s29+$0x10]  }
0x1b3: {  	v0 =	vsub.f32 $1.000000000e+00, v0;
	v18 =	vld [tilespmem:s29+$0x30];
	v12 =	vadd.f32 v27, v12  }
0x1b4: {  	v20 =	vadd.f32 v44, v1;
	v1 =	vadd.f32 v21, v1;
	v21 =	vld [tilespmem:s29+$0x20]  }
0x1b5: {  	vm2 =	vle.f32 v4, $7.500000000e-01;
	v0 =	vadd.f32 v0, v48;
	v12 =	vadd.f32 v23, v12  }
0x1b6: {  	v27 =	vmax.f32 v6, v11;
	v4 =	vsub.f32 $1.000000000e+00, v20;
	v28 =	vmax.f32 v16, v7  }
0x1b7: {  	v1 =	vadd.f32 v59, v1;
	v12 =	vsub.f32 $1.000000000e+00, v12;
	v20 =	vmax.f32 v27, v28  }
0x1b8: {  	v27 =	vmpcnt.ones.xlane vm1;
	v4 =	vadd.f32 v4, v35;
	vm1 =	vle.f32 v15, $7.500000000e-01;
	(xrf0) =	vmax.scan.msk.f32 $0xffff, v20  }
0x1b9: {  	v15 =	vmax.f32 v22, v24;
	v1 =	vsub.f32 $1.000000000e+00, v1;
	v23 =	vmax.f32 v21, v18  }
0x1ba: {  	v20 =	vmpcnt.ones.xlane vm2;
	vm2 =	vle.f32 v19, $7.500000000e-01;
	v15 =	vmax.f32 v15, v23  }
0x1bb: {  	v19 =	vmpcnt.ones.xlane vm1;
	vm1 =	vle.f32 v4, $7.500000000e-01;
	v1 =	vadd.f32 v1, v39;
	(xrf0) =	vmax.scan.msk.f32 $0xffff, v15  }
0x1bc: {  	v4 =	vadd.f32 v12, v57;
	v15 =	vmpcnt.ones.xlane vm2;
	v12 =	vmpcnt.ones.xlane vm1  }
0x1bd: {  	v19 =	vadd.s32 v27, v19;
	vm1 =	vle.f32 v0, $7.500000000e-01;
	vm2 =	vle.f32 v1, $7.500000000e-01  }
0x1be: {  	v1 =	vmpcnt.ones.xlane vm1;
	vm1 =	vle.f32 v4, $7.500000000e-01;
	v4 =	vmpcnt.ones.xlane vm2;
	v23, _, _ =	vpop (xrf0)  }
0x1bf: {  	v15 =	vadd.s32 v20, v15;
	v12 =	vadd.s32 v12, v19;
	v0 =	vbroadcast v23, $0xF  }
0x1c0: {  	v1 =	vadd.s32 v1, v15;
	v4 =	vadd.s32 v4, v12;
	v23 =	vmpcnt.ones.xlane vm1  }
0x1c1: {  	vm1 =	vgt.s32 v4, $0x2;
	v19, _, _ =	vpop (xrf0);
	v6 =	vsub.f32 v6, v0;
	v11 =	vsub.f32 v11, v0  }
0x1c2: {  	v19 =	vbroadcast v19, $0xF;
	v16 =	vsub.f32 v16, v0;
	v1 =	vadd.s32 v23, v1  }
0x1c3: {  	v0 =	vsub.f32 v7, v0;
	vm2 =	vgt.s32 v1, $0x2;
	v6 =	vmul.f32 $1.442695020e+00, v6  }
0x1c4: {  	v11 =	vmul.f32 $1.442695020e+00, v11;
	v7 =	vsub.f32 v22, v19;
	v15 =	vmul.f32 $1.442695020e+00, v16  }
0x1c5: {  	v0 =	vmul.f32 $1.442695020e+00, v0;
	v1 =	vnsel vm2, $0x2, v1;
	(erf) = vpow2.f32 v6  }
0x1c6: {  	v12 =	vsub.s32 $0x30, v1;
	v6 =	vsub.f32 v24, v19;
	(erf) = vpow2.f32 v11  }
0x1c7: {  	v7 =	vmul.f32 $1.442695020e+00, v7;
	v11 =	vsub.f32 v21, v19;
	(erf) = vpow2.f32 v15  }
0x1c8: {  	(erf) = vpow2.f32 v0;
	v0 =	vmul.f32 $1.442695020e+00, v6;
	v6 =	vsub.f32 v18, v19  }
0x1c9: {  	v16 =	vsub.s32 $0x20, v1;
	(erf) = vpow2.f32 v7;
	v7 =	vmul.f32 $1.442695020e+00, v11  }
0x1ca: {  	vm13 =	vgt.s32 v16, $0x0;
	(erf) = vpow2.f32 v0;
	v0 =	vmul.f32 $1.442695020e+00, v6  }
0x1cb: {  	vm11 =	vgt.s32 v12, $0x0;
	v16 =	vnsel vm13, $0x0, v16;
	(erf) = vpow2.f32 v7  }
0x1cc: {  	v12 =	vnsel vm11, $0x0, v12;
	v16 =	vmin.u32 v16, $0xF;
	(erf) = vpow2.f32 v0  }
0x1cd: {  	v4 =	vnsel vm1, $0x2, v4;
	v12 =	vmin.u32 v12, $0xF;
	v16 =	vperm.xlane v48, v16  }
0x1ce: {  	v12 =	vperm.xlane v47, v12;
	v11 =	vsub.s32 $0x10, v4;
	v6 =	vsub.s32 $0x40, v1;
	v15 =	vpop (erf)  }
0x1cf: {  	v1 =	vsub.s32 $0x10, v1;
	vm8 =	vgt.s32 v11, $0x0;
	v7 =	vsub.s32 $0x30, v4;
	v22 =	vpop (erf)  }
0x1d0: {  	v19 =	vshra.s32 v6, $0x4;
	vm9 =	vgt.s32 v6, $0x0;
	vm12 =	vgt.s32 v1, $0x0;
	v23 =	vpop (erf)  }
0x1d1: {  	v11 =	vnsel vm8, $0x0, v11;
	v0 =	vsub.s32 $0x40, v4;
	v4 =	vsub.s32 $0x20, v4;
	v24 =	vpop (erf)  }
0x1d2: {  	vm7 =	vgt.s32 v7, $0x0;
	vm3 =	veq.s32 v19, $0x1;
	v18 =	vshra.s32 v0, $0x4;
	v27 =	vpop (erf)  }
0x1d3: {  	vm5 =	veq.s32 v19, $0x2;
	vm1 =	veq.s32 v18, $0x0;
	vm2 =	veq.s32 v18, $0x1;
	v28 =	vpop (erf)  }
0x1d4: {  	vm4 =	veq.s32 v18, $0x2;
	v18 =	vadd.f32 v22, v15;
	v20 =	vadd.f32 v24, v23;
	v50 =	vpop (erf)  }
0x1d5: {  	v6 =	vnsel vm9, $0x0, v6;
	v1 =	vnsel vm12, $0x0, v1;
	v21 =	vadd.f32 v28, v27;
	v51 =	vpop (erf)  }
0x1d6: {  	v11 =	vperm.xlane v39, v11;
	v18 =	vadd.f32 v20, v18;
	v29 =	vadd.f32 v51, v50  }
0x1d7: {  	s20 =	simm.s32 $0x80C0;
	vm6 =	vgt.s32 v0, $0x0;
	vm10 =	vgt.s32 v4, $0x0;
	v7 =	vnsel vm7, $0x0, v7  }
0x1d8: {  	v39 =	vld [tilespmem:s20+$0xFFFFFFC0];
	v6 =	vmin.u32 v6, $0xF;
	v4 =	vnsel vm10, $0x0, v4;
	(xrf2) =	vadd.scan.msk.f32 $0xffff, v18;
	v20 =	vadd.f32 v29, v21  }
0x1d9: {  	v1 =	vperm.xlane v57, v1;
	v6 =	vperm.xlane v40, v6;
	v40 =	vld [tilespmem:s20+$0xFFFFFFD0];
	v4 =	vmin.u32 v4, $0xF  }
0x1da: {  	s30 =	ssub.f32 $0.0e+00, s28;
	v0 =	vnsel vm6, $0x0, v0;
	v7 =	vmin.u32 v7, $0xF;
	v4 =	vperm.xlane v35, v4;
	(xrf2) =	vadd.scan.msk.f32 $0xffff, v20  }
0x1db: {  	v0 =	vmin.u32 v0, $0xF;
	v7 =	vperm.xlane v42, v7;
	v1 =	vsel vm5, v16, v1  }
0x1dc: {  	s24 =	ssub.f32 $0.0e+00, s24;
	p0 =	sge.f32 s30, $3.799999950e+00;
	v0 =	vperm.xlane v43, v0;
	v1 =	vsel vm3, v12, v1;
	v4 =	vsel vm4, v4, v11  }
0x1dd: {  	vm4 =	veq.s32 v19, $0x0;
	v4 =	vsel vm2, v7, v4;
	vm2 =	vmmov vm0  }
0x1de: {  	p1 =	sge.f32 s24, $3.799999950e+00;
	v57 =	vmax.f32 v39, v40;
	v0 =	vsel vm1, v0, v4;
	vm2 =	vmneg @p0 vm2  }
0x1df: {  	v4 =	vsel vm4, v6, v1;
	vm1 =	vmmov vm0;
	vm3 =	vge.f32 v33, v0  }
0x1e0: {  	vm1 =	vmneg @p1 vm1;
	vm4 =	vge.f32 v30, v4;
	vm5 =	vge.f32 v53, v0  }
0x1e1: {  	vm6 =	vge.f32 v54, v4;
	vm7 =	vge.f32 v56, v4;
	vm3 =	vmor vm3, vm2  }
0x1e2: {  	vm8 =	vge.f32 v55, v4;
	vm4 =	vmor vm4, vm1;
	v11 =	vnsel vm3, $0x0, v33;
	v1, _, _ =	vpop (xrf2)  }
0x1e3: {  	v18 =	vnsel vm4, $0x0, v30;
	v29 =	vadd.f32 v10, v3;
	v6 =	vadd.f32 $0.0e+00, v1  }
0x1e4: {  	vm3 =	vgt.f32 v11, $0.0e+00;
	vm4 =	vgt.f32 v18, $0.0e+00;
	v1 =	vadd.f32 v9, v2;
	v9, _, _ =	vpop (xrf2)  }
0x1e5: {  	v43 =	vmul.f32 v11, v17;
	v6 =	vbroadcast v6, $0xF;
	v9 =	vadd.f32 $0.0e+00, v9  }
0x1e6: {  	v7 =	vnsel vm3, $0x0, v17;
	v10 =	vnsel vm4, $0x0, v13;
	vm3 =	vge.f32 v52, v0  }
0x1e7: {  	vm4 =	vge.f32 v31, v0;
	(erf) = vrcp.f32 v6;
	v0 =	vbroadcast v9, $0xF  }
0x1e8: {  	v18 =	vmul.f32 v18, v13;
	v7 =	vadd.f32 v10, v7;
	vm3 =	vmor vm3, vm2  }
0x1e9: {  	vm4 =	vmor vm4, vm2;
	vm2 =	vmor vm5, vm2;
	(erf) = vrcp.f32 v0  }
0x1ea: {  	vm5 =	vmor vm6, vm1;
	vm6 =	vmor vm7, vm1;
	vm1 =	vmor vm8, vm1  }
0x1eb: {  	v38 =	vnsel vm4, $0x0, v31;
	v19 =	vnsel vm2, $0x0, v53;
	v4 =	vnsel vm5, $0x0, v54  }
0x1ec: {  	v21 =	vnsel vm6, $0x0, v56;
	v20 =	vnsel vm1, $0x0, v55;
	v8 =	vmul.f32 v4, v13  }
0x1ed: {  	v10 =	vmul.f32 v21, v13;
	v9 =	vmul.f32 v38, v17;
	v0 =	vnsel vm3, $0x0, v52  }
0x1ee: {  	v35 =	vmul.f32 v20, v13;
	v6 =	vadd.f32 v7, v45;
	v7 =	vmul.f32 v0, v17  }
0x1ef: {  	vm1 =	vgt.f32 v4, $0.0e+00;
	v2 =	vadd.f32 v10, v9;
	vm3 =	vgt.f32 v38, $0.0e+00  }
0x1f0: {  	v41 =	vld [tilespmem:s20+$0xFFFFFFE0];
	vm2 =	vgt.f32 v0, $0.0e+00;
	v0 =	vmul.f32 v19, v17;
	v4 =	vadd.f32 v8, v7;
	v8 =	vpop (erf)  }
0x1f1: {  	v42 =	vld [tilespmem:s20+$0xFFFFFFF0];
	v38 =	vnsel vm2, $0x0, v17;
	v9 =	vmul.f32 v8, v15;
	v10 =	vmul.f32 v8, v22  }
0x1f2: {  	v37 =	vadd.f32 v35, v0;
	v7 =	vmul.f32 v8, v23;
	v15 =	vmul.f32 v8, v24;
	v16 =	vpop (erf)  }
0x1f3: {  	v33 =	vadd.f32 $9.999999740e-06, v9;
	v34 =	vadd.f32 $9.999999740e-06, v10;
	v12 =	vmul.f32 v16, v27  }
0x1f4: {  	v36 =	vld [tilespmem:s20+$0x20];
	v22 =	vadd.f32 $9.999999740e-06, v7;
	v11 =	vmul.f32 v16, v28;
	v8 =	vmul.f32 v16, v50  }
0x1f5: {  	v44 =	vld [tilespmem:s20+$0x0];
	v27 =	vadd.f32 $9.999999740e-06, v15;
	v16 =	vmul.f32 v16, v51;
	v58 =	vcvt.s32.f32 v33  }
0x1f6: {  	v23 =	vmax.f32 v41, v42;
	v24 =	vld [tilespmem:s20+$0x10];
	(xrf1) =	vsort.ascd.msk.f32 $0xffff, v9, v9;
	v59 =	vcvt.s32.f32 v34;
	v63 =	vcvt.s32.f32 v22  }
0x1f7: {  	v35 =	vld [tilespmem:s20+$0x30];
	(xrf1) =	vsort.dscd.msk.f32 $0xffff, v10, v10;
	v28 =	vadd.f32 $9.999999740e-06, v12;
	v30 =	vadd.f32 $9.999999740e-06, v11;
	v54 =	vcvt.s32.f32 v27  }
0x1f8: {  	(xrf1) =	vsort.ascd.msk.f32 $0xffff, v7, v7;
	v31 =	vadd.f32 $9.999999740e-06, v8;
	v0 =	vmul.f32 $8.262958320e-08, v58;
	v58 =	vmul.f32 $8.262958320e-08, v59  }
0x1f9: {  	(xrf1) =	vsort.dscd.msk.f32 $0xffff, v15, v15;
	v32 =	vadd.f32 $9.999999740e-06, v16;
	v59 =	vmul.f32 $8.262958320e-08, v63;
	v55 =	vcvt.s32.f32 v28  }
0x1fa: {  	v23 =	vmax.f32 v57, v23;
	v56 =	vcvt.s32.f32 v30;
	v57 =	vcvt.s32.f32 v31  }
0x1fb: {  	(xrf0) =	vmax.scan.msk.f32 $0xffff, v23;
	v63 =	vmax.f32 v44, v24;
	v23 =	vcvt.s32.f32 v32;
	v48 =	vmul.f32 $8.262958320e-08, v54  }
0x1fc: {  	(xrf1) =	vsort.ascd.msk.f32 $0xffff, v12, v12;
	v0 =	vadd.f32 $-8.806091300e+01, v0;
	v45 =	vadd.f32 $-8.806091300e+01, v58;
	v58 =	vmax.f32 v36, v35  }
0x1fd: {  	(xrf1) =	vsort.dscd.msk.f32 $0xffff, v11, v11;
	v46 =	vadd.f32 $-8.806091300e+01, v59;
	v47 =	vmax.f32 v63, v58;
	v49 =	vmul.f32 $8.262958320e-08, v55  }
0x1fe: {  	v48 =	vadd.f32 $-8.806091300e+01, v48;
	v51 =	vmul.f32 $8.262958320e-08, v57;
	v57 =	vsub.f32 $0.0e+00, v0  }
0x1ff: {  	(xrf1) =	vsort.ascd.msk.f32 $0xffff, v8, v8;
	v50 =	vmul.f32 $8.262958320e-08, v56;
	v59 =	vsub.f32 $0.0e+00, v45;
	v53 =	vsub.f32 $0.0e+00, v46  }
0x200: {  	v23 =	vmul.f32 $8.262958320e-08, v23;
	(xrf0) =	vmax.scan.msk.f32 $0xffff, v47;
	v49 =	vadd.f32 $-8.806091300e+01, v49;
	v47 =	vsub.f32 $0.0e+00, v48  }
0x201: {  	(xrf1) =	vsort.dscd.msk.f32 $0xffff, v16, v16;
	v50 =	vadd.f32 $-8.806091300e+01, v50;
	v51 =	vadd.f32 $-8.806091300e+01, v51;
	v52 =	vmul.f32 $1.442695020e+00, v57  }
0x202: {  	v23 =	vadd.f32 $-8.806091300e+01, v23;
	v54 =	vmul.f32 $1.442695020e+00, v59;
	v47 =	vmul.f32 $1.442695020e+00, v47  }
0x203: {  	v55, _, _ =	vpop (xrf0);
	v53 =	vmul.f32 $1.442695020e+00, v53;
	v63 =	vsub.f32 $0.0e+00, v49;
	(erf) = vpow2.f32 v52  }
0x204: {  	v55 =	vbroadcast v55, $0xF;
	v52 =	vsub.f32 $0.0e+00, v50;
	(erf) = vpow2.f32 v54;
	v57, _, _ =	vpop (xrf1)  }
0x205: {  	v54 =	vsub.f32 $0.0e+00, v51;
	v56 =	vmul.f32 $1.442695020e+00, v63;
	(erf) = vpow2.f32 v53;
	v58, _, _ =	vpop (xrf1)  }
0x206: {  	v41 =	vsub.f32 v41, v55;
	v52 =	vmul.f32 $1.442695020e+00, v52;
	(erf) = vpow2.f32 v47;
	v47, _, _ =	vpop (xrf1)  }
0x207: {  	v53 =	vsub.f32 $0.0e+00, v23;
	v63 =	vmin.f32 v57, v58;
	v57 =	vmax.f32 v57, v58;
	v58, _, _ =	vpop (xrf1)  }
0x208: {  	v54 =	vmul.f32 $1.442695020e+00, v54;
	(xrf1) =	vsort.ascd.msk.f32 $0xffff, v63, v63;
	v63 =	vmax.f32 v47, v58;
	v47 =	vmin.f32 v47, v58  }
0x209: {  	vm2 =	vgt.f32 v19, $0.0e+00;
	(erf) = vpow2.f32 v56;
	v53 =	vmul.f32 $1.442695020e+00, v53;
	v56, _, _ =	vpop (xrf0);
	(xrf1) =	vsort.ascd.msk.f32 $0xffff, v57, v57  }
0x20a: {  	v42 =	vsub.f32 v42, v55;
	v41 =	vmul.f32 $1.442695020e+00, v41;
	(erf) = vpow2.f32 v52;
	v52, _, _ =	vpop (xrf1);
	(xrf1) =	vsort.dscd.msk.f32 $0xffff, v63, v63  }
0x20b: {  	(erf) = vpow2.f32 v54;
	v54 =	vsub.f32 v39, v55;
	v63 =	vnsel vm1, $0x0, v13;
	(xrf1) =	vsort.dscd.msk.f32 $0xffff, v47, v47;
	v47, _, _ =	vpop (xrf1)  }
0x20c: {  	v39 =	vadd.f32 v18, v43;
	v43 =	vsub.f32 v40, v55;
	(erf) = vpow2.f32 v53;
	v57 =	vpop (erf)  }
0x20d: {  	v42 =	vmul.f32 $1.442695020e+00, v42;
	vm1 =	vgt.f32 v21, $0.0e+00;
	v54 =	vmul.f32 $1.442695020e+00, v54;
	v53, _, _ =	vpop (xrf1)  }
0x20e: {  	v40 =	vadd.f32 v63, v38;
	v38 =	vbroadcast v56, $0xF;
	v43 =	vmul.f32 $1.442695020e+00, v43;
	v63 =	vpop (erf)  }
0x20f: {  	(erf) = vpow2.f32 v54;
	v56 =	vmin.f32 v52, v47;
	v47 =	vmax.f32 v52, v47;
	v18, _, _ =	vpop (xrf1)  }
0x210: {  	v19 =	vsub.f32 v44, v38;
	v58 =	vmul.f32 v57, v33;
	v21 =	vpop (erf);
	(erf) = vpow2.f32 v43  }
0x211: {  	(xrf1) =	vsort.ascd.msk.f32 $0xffff, v56, v56;
	v59 =	vmul.f32 v63, v34;
	v52 =	vpop (erf);
	(erf) = vpow2.f32 v41;
	v41 =	vmax.f32 v53, v18  }
0x212: {  	v18 =	vmin.f32 v53, v18;
	(xrf1) =	vsort.ascd.msk.f32 $0xffff, v47, v47;
	v47 =	vnsel vm3, $0x0, v17;
	v0 =	vadd.f32 v58, v0;
	v43 =	vpop (erf)  }
0x213: {  	(xrf1) =	vsort.dscd.msk.f32 $0xffff, v41, v41;
	v41 =	vnsel vm2, $0x0, v17;
	v17 =	vmul.f32 v21, v22;
	v21 =	vmul.f32 v52, v27;
	v44 =	vpop (erf)  }
0x214: {  	v19 =	vmul.f32 $1.442695020e+00, v19;
	v45 =	vadd.f32 v59, v45;
	(xrf1) =	vsort.dscd.msk.f32 $0xffff, v18, v18;
	v18 =	vmul.f32 v43, v28;
	v63 =	vpop (erf)  }
0x215: {  	v0 =	vadd.f32 $-1.000000000e+00, v0;
	v58 =	vmul.f32 v44, v30;
	v17 =	vadd.f32 v17, v46;
	v57 =	vpop (erf)  }
0x216: {  	(erf) = vpow2.f32 v42;
	v21 =	vadd.f32 v21, v48;
	v45 =	vadd.f32 $-1.000000000e+00, v45;
	v44, _, _ =	vpop (xrf1)  }
0x217: {  	v59 =	vmul.f32 v63, v31;
	v18 =	vadd.f32 v18, v49;
	v43 =	vadd.f32 v58, v50;
	v53, _, _ =	vpop (xrf1)  }
0x218: {  	(erf) = vpow2.f32 v19;
	v49 =	vadd.f32 $-1.000000000e+00, v17;
	v17 =	vsub.f32 $0.0e+00, v45;
	v48, _, _ =	vpop (xrf1)  }
0x219: {  	v63 =	vmul.f32 v57, v32;
	v54 =	vadd.f32 $-1.000000000e+00, v21;
	v46 =	vadd.f32 v59, v51;
	v50, _, _ =	vpop (xrf1)  }
0x21a: {  	v42 =	vadd.f32 $-1.000000000e+00, v18;
	v57 =	vmax.f32 v44, v48;
	v58 =	vmax.f32 v53, v50  }
0x21b: {  	v23 =	vadd.f32 v63, v23;
	v63 =	vsub.f32 $0.0e+00, v0;
	v59 =	vmax.f32 v57, v58  }
0x21c: {  	v18 =	vmul.f32 $1.442695020e+00, v17;
	v55 =	vsub.f32 $0.0e+00, v49;
	v21 =	vmin.f32 v57, v58;
	(xrf1) =	vsort.ascd.msk.f32 $0xffff, v59, v59  }
0x21d: {  	v19 =	vmul.f32 $1.442695020e+00, v63;
	v56 =	vmin.f32 v53, v50;
	(xrf1) =	vsort.ascd.msk.f32 $0xffff, v21, v21;
	v21 =	vmin.f32 v44, v48  }
0x21e: {  	v46 =	vadd.f32 $-1.000000000e+00, v46;
	v17 =	vpop (erf);
	v57 =	vsub.f32 $0.0e+00, v54;
	v50 =	vmin.f32 v21, v56  }
0x21f: {  	(erf) = vpow2.f32 v19;
	v19 =	vmul.f32 $1.442695020e+00, v55;
	v58 =	vsub.f32 $0.0e+00, v42;
	v51, _, _ =	vpop (xrf1)  }
0x220: {  	v43 =	vadd.f32 $-1.000000000e+00, v43;
	(erf) = vpow2.f32 v18;
	v53, _, _ =	vpop (xrf1);
	v18 =	vmul.f32 $1.442695020e+00, v57  }
0x221: {  	v52 =	vsub.f32 $0.0e+00, v46;
	(erf) = vpow2.f32 v19;
	v19 =	vmul.f32 $1.442695020e+00, v58;
	(xrf1) =	vsort.ascd.msk.f32 $0xffff, v50, v50;
	v50, _, _ =	vpop (xrf1)  }
0x222: {  	v59 =	vsub.f32 $0.0e+00, v43;
	v44 =	vadd.f32 $-1.000000000e+00, v23;
	v23, _, _ =	vpop (xrf1)  }
0x223: {  	v21 =	vmax.f32 v21, v56;
	v55 =	vmin.f32 v51, v50;
	v63 =	vmin.f32 v53, v23  }
0x224: {  	v48 =	vmul.f32 $1.442695020e+00, v59;
	(erf) = vpow2.f32 v18;
	(xrf1) =	vsort.ascd.msk.f32 $0xffff, v21, v21;
	v18 =	vpop (erf);
	v21 =	vmin.f32 v55, v63  }
0x225: {  	(erf) = vpow2.f32 v19;
	v19 =	vpop (erf);
	v55 =	vmax.f32 v55, v63;
	v63 =	vsub.f32 $0.0e+00, v44  }
0x226: {  	vm2 =	vgt.f32 v20, $0.0e+00;
	v52 =	vmul.f32 $1.442695020e+00, v52;
	(erf) = vpow2.f32 v48;
	v20 =	vpop (erf)  }
0x227: {  	v57 =	vnsel vm1, $0x0, v13;
	v13 =	vnsel vm2, $0x0, v13;
	(xrf1) =	vsort.ascd.msk.f32 $0xffff, v21, v21;
	v63 =	vmul.f32 $1.442695020e+00, v63;
	v21 =	vpop (erf)  }
0x228: {  	v14 =	vadd.f32 v2, v14;
	v41 =	vadd.f32 v13, v41;
	(erf) = vpow2.f32 v52;
	v56 =	vpop (erf)  }
0x229: {  	v50 =	vmax.f32 v51, v50;
	v51 =	vmax.f32 v53, v23;
	(xrf1) =	vsort.ascd.msk.f32 $0xffff, v55, v55;
	v48 =	vpop (erf)  }
0x22a: {  	v13 =	vadd.f32 v4, v25;
	v59 =	vsub.f32 v24, v38;
	v25 =	vmin.f32 v50, v51;
	v23, _, _ =	vpop (xrf1)  }
0x22b: {  	v5 =	vadd.f32 v39, v60;
	v2 =	vadd.f32 v40, v26;
	(erf) = vpow2.f32 v63;
	v63 =	vpop (erf);
	(xrf1) =	vsort.ascd.msk.f32 $0xffff, v25, v25  }
0x22c: {  	v36 =	vsub.f32 v36, v38;
	v47 =	vadd.f32 v57, v47;
	v25 =	vmul.f32 $1.442695020e+00, v59;
	v24, _, _ =	vpop (xrf1)  }
0x22d: {  	v4 =	vadd.f32 v37, v62;
	v38 =	vsub.f32 v35, v38;
	v51 =	vmax.f32 v50, v51;
	v26 =	vpop (erf);
	(xrf2) =	vadd.scan.msk.f32 $0xffff, v23  }
0x22e: {  	v36 =	vmul.f32 $1.442695020e+00, v36;
	v3 =	vadd.f32 v47, v29;
	v33 =	vmul.f32 v56, v33;
	(xrf1) =	vsort.ascd.msk.f32 $0xffff, v51, v51;
	v29 =	vpop (erf)  }
0x22f: {  	v58 =	vadd.f32 v41, v1;
	v35 =	vadd.f32 v18, v17;
	v34 =	vmul.f32 v48, v34;
	v52 =	vpop (erf)  }
0x230: {  	v22 =	vmul.f32 v63, v22;
	v0 =	vadd.f32 v33, v0;
	(erf) = vpow2.f32 v25;
	(xrf2) =	vadd.scan.msk.f32 $0xffff, v24;
	v25, _, _ =	vpop (xrf1)  }
0x231: {  	v26 =	vmul.f32 v26, v27;
	v53 =	vadd.f32 v34, v45;
	v29 =	vmul.f32 v29, v28;
	v27 =	vpop (erf);
	(xrf2) =	vadd.scan.msk.f32 $0xffff, v25  }
0x232: {  	v22 =	vadd.f32 v22, v49;
	v0 =	vadd.f32 $-1.000000000e+00, v0;
	v31 =	vmul.f32 v27, v31;
	v27, _, _ =	vpop (xrf1)  }
0x233: {  	v30 =	vmul.f32 v52, v30;
	v54 =	vadd.f32 v26, v54;
	v33 =	vadd.f32 $-1.000000000e+00, v53;
	(xrf2) =	vadd.scan.msk.f32 $0xffff, v27  }
0x234: {  	s31 =	sadd.s32 $0xFFFFFE00, s17;
	v38 =	vmul.f32 $1.442695020e+00, v38;
	v55 =	vadd.f32 v29, v42;
	v22 =	vadd.f32 $-1.000000000e+00, v22;
	v28 =	vpop (erf)  }
0x235: {  	s25 =	sadd.s32 $0x400, s31;
	v0 =	vmul.f32 v0, v9;
	v30 =	vadd.f32 v30, v43;
	v32 =	vmul.f32 v28, v32;
	v28, _, _ =	vpop (xrf1)  }
0x236: {  	v34 =	vadd.f32 $-1.000000000e+00, v54;
	v56 =	vadd.f32 v31, v46;
	v31 =	vmov s25;
	(xrf2) =	vadd.scan.msk.f32 $0xffff, v28  }
0x237: {  	v33 =	vmul.f32 v33, v10;
	v37 =	vadd.f32 $-1.000000000e+00, v55;
	v32 =	vadd.f32 v32, v44;
	v29, _, _ =	vpop (xrf1)  }
0x238: {  	v59 =	vmul.f32 v22, v7;
	v30 =	vadd.f32 $-1.000000000e+00, v30;
	v34 =	vmul.f32 v34, v15;
	(xrf2) =	vadd.scan.msk.f32 $0xffff, v29;
	v41, _, _ =	vpop (xrf2)  }
0x239: {  	s26 =	sadd.s32 $0x401, s31;
	v57 =	vand.u32 $0xFFFFFFFE, v31;
	v39 =	vadd.f32 $-1.000000000e+00, v56;
	v32 =	vadd.f32 $-1.000000000e+00, v32;
	v31, _, _ =	vpop (xrf1)  }
0x23a: {  	v26 =	vmov s26;
	v37 =	vmul.f32 v37, v12;
	v60 =	vmul.f32 v30, v11;
	v42, _, _ =	vpop (xrf2);
	(xrf2) =	vadd.scan.msk.f32 $0xffff, v31  }
0x23b: {  	v0 =	vadd.f32 v33, v0;
	v39 =	vmul.f32 v39, v8;
	v32 =	vmul.f32 v32, v16;
	v62, _, _ =	vpop (xrf2)  }
0x23c: {  	v44 =	vadd.f32 v20, v19;
	v63 =	vadd.f32 v34, v59;
	v30 =	vbroadcast v57, $0x0;
	v34, _, _ =	vpop (xrf1)  }
0x23d: {  	v49 =	vadd.f32 v60, v37;
	v48, _, _ =	vpop (xrf2);
	v32 =	vadd.f32 v32, v39;
	v52 =	vperm.xlane v62, v61  }
0x23e: {  	v0 =	vadd.f32 v63, v0;
	(xrf2) =	vadd.scan.msk.f32 $0xffff, v34;
	v51 =	vsub.f32 $1.000000000e+00, v62;
	v54 =	vperm.xlane v48, v61  }
0x23f: {  	v22 =	vpop (erf);
	(erf) = vpow2.f32 v36;
	v32 =	vadd.f32 v32, v49;
	v40 =	vadd.f32 v48, v52  }
0x240: {  	v60 =	vperm.xlane v42, v61;
	v33 =	vadd.f32 v51, v25;
	v57 =	vadd.f32 v54, v52;
	v50, _, _ =	vpop (xrf2)  }
0x241: {  	v40 =	vsub.f32 $1.000000000e+00, v40;
	v53 =	vsub.f32 $1.000000000e+00, v50;
	v37 =	vperm.xlane v50, v61  }
0x242: {  	(erf) = vpow2.f32 v38;
	v55, _, _ =	vpop (xrf2);
	v42 =	vadd.f32 v42, v57;
	v38 =	vadd.f32 v60, v57  }
0x243: {  	v56 =	vperm.xlane v55, v61;
	v36 =	vadd.f32 v53, v28;
	v59 =	vadd.f32 v55, v37  }
0x244: {  	vm1 =	vle.f32 v33, $7.500000000e-01;
	v48 =	vsub.f32 $1.000000000e+00, v42;
	v38 =	vadd.f32 v41, v38;
	v62, _, _ =	vpop (xrf2);
	(xrf2) =	vadd.scan.msk.f32 $0xffff, v0  }
0x245: {  	v37 =	vadd.f32 v56, v37;
	v39 =	vsub.f32 $1.000000000e+00, v59;
	v63 =	vperm.xlane v62, v61  }
0x246: {  	v0 =	vadd.f32 v40, v27;
	vm2 =	vle.f32 v36, $7.500000000e-01;
	v36 =	vadd.f32 v48, v24;
	(xrf2) =	vadd.scan.msk.f32 $0xffff, v32  }
0x247: {  	v49 =	vmpcnt.ones.xlane vm1;
	v45 =	vadd.f32 v62, v37;
	v37 =	vadd.f32 v63, v37  }
0x248: {  	v52 =	vsub.f32 $1.000000000e+00, v38;
	v50, _, _ =	vpop (xrf2);
	v51 =	vmpcnt.ones.xlane vm2;
	v39 =	vadd.f32 v39, v29  }
0x249: {  	vm1 =	vle.f32 v0, $7.500000000e-01;
	v0 =	vsub.f32 $1.000000000e+00, v45;
	v32 =	vadd.f32 v50, v37  }
0x24a: {  	v33 =	vadd.f32 v52, v23;
	v53 =	vmpcnt.ones.xlane vm1;
	vm1 =	vle.f32 v36, $7.500000000e-01  }
0x24b: {  	vm2 =	vle.f32 v39, $7.500000000e-01;
	v0 =	vadd.f32 v0, v31;
	v32 =	vsub.f32 $1.000000000e+00, v32  }
0x24c: {  	v47 =	vadd.f32 v22, v21;
	v55 =	vmpcnt.ones.xlane vm1;
	v39 =	vmpcnt.ones.xlane vm2  }
0x24d: {  	v38 =	vadd.s32 v49, v53;
	vm2 =	vle.f32 v33, $7.500000000e-01;
	vm1 =	vle.f32 v0, $7.500000000e-01  }
0x24e: {  	v56 =	vmpcnt.ones.xlane vm2;
	v0 =	vmpcnt.ones.xlane vm1;
	v54 =	vadd.f32 v32, v34;
	v59, _, _ =	vpop (xrf2)  }
0x24f: {  	v62 =	vadd.f32 v44, v35;
	v38 =	vadd.s32 v55, v38;
	v37 =	vadd.s32 v51, v39;
	v32 =	vpop (erf)  }
0x250: {  	v36 =	vadd.s32 v56, v38;
	v0 =	vadd.s32 v0, v37;
	vm1 =	vle.f32 v54, $7.500000000e-01;
	v61, _, _ =	vpop (xrf2)  }
0x251: {  	(v2sf) =	vpush v59, $0xF;
	v33 =	vpop (erf);
	v57 =	vmpcnt.ones.xlane vm1;
	vm1 =	vgt.s32 v36, $0x2  }
0x252: {  	(v2sf) =	vpush v61, $0xF;
	v60 =	vadd.f32 v33, v32;
	v63 =	vnsel vm1, $0x2, v36  }
0x253: {  	v0 =	vadd.s32 v57, v0;
	v42 =	vsub.s32 $0x40, v63;
	v44 =	vsub.s32 $0x30, v63  }
0x254: {  	v40 =	vsub.s32 $0x10, v63;
	v37 =	vsub.s32 $0x20, v63;
	vm2 =	vgt.s32 v0, $0x2  }
0x255: {  	s22 =	sadd.f32 s23, s22;
	v39 =	vadd.f32 v60, v47;
	vm4 =	vgt.s32 v42, $0x0;
	v45 =	vshra.s32 v42, $0x4  }
0x256: {  	vm8 =	vgt.s32 v44, $0x0;
	vm5 =	vgt.s32 v40, $0x0;
	vm3 =	vgt.s32 v37, $0x0  }
0x257: {  	s19 =	sadd.f32 s22, s19;
	v0 =	vnsel vm2, $0x2, v0;
	vm1 =	veq.s32 v45, $0x0;
	vm2 =	veq.s32 v45, $0x1  }
0x258: {  	s21 =	sadd.f32 s24, s30;
	v38 =	vsub.s32 $0x40, v0;
	v41 =	vsub.s32 $0x30, v0;
	v36 =	vsub.s32 $0x20, v0  }
0x259: {  	v43 =	vsub.s32 $0x10, v0;
	v35 =	vshra.s32 v38, $0x4;
	vm10 =	vgt.s32 v38, $0x0  }
0x25a: {  	s22 =	simm.s32 $0xFFFFFE04;
	s19 =	sadd.f32 s21, s19;
	s21 =	simm.s32 $0xFFFFFE02;
	(xrf2) =	vadd.scan.msk.f32 $0xffff, v62;
	vm9 =	vgt.s32 v41, $0x0;
	vm7 =	vgt.s32 v43, $0x0;
	vm11 =	vgt.s32 v36, $0x0  }
.LBB2_5:
0x25b: {  	vm13 =	veq.s32 v45, $0x2;
	vm6 =	veq.s32 v35, $0x1  }
0x25c: {  	vm12 =	veq.s32 v35, $0x2;
	v0 =	vnsel vm4, $0x0, v42;
	v52 =	vnsel vm8, $0x0, v44  }
0x25d: {  	v38 =	vnsel vm10, $0x0, v38;
	v53 =	vnsel vm5, $0x0, v40;
	v54 =	vnsel vm9, $0x0, v41  }
0x25e: {  	v55 =	vnsel vm7, $0x0, v43;
	v37 =	vnsel vm3, $0x0, v37;
	v36 =	vnsel vm11, $0x0, v36;
	(xrf2) =	vadd.scan.msk.f32 $0xffff, v39  }
0x25f: {  	vm3 =	veq.s32 v35, $0x0;
	v0 =	vmin.u32 v0, $0xF;
	v42 =	vmin.u32 v52, $0xF  }
0x260: {  	v23 =	vperm.xlane v23, v53;
	v0 =	vperm.xlane v25, v0;
	v25 =	vmin.u32 v37, $0xF  }
0x261: {  	v34 =	vperm.xlane v34, v55;
	v36 =	vmin.u32 v36, $0xF;
	v24 =	vperm.xlane v24, v25  }
0x262: {  	v31 =	vperm.xlane v31, v36;
	v27 =	vperm.xlane v27, v42;
	v25 =	vmin.u32 v54, $0xF  }
0x263: {  	v56 =	vmin.u32 v38, $0xF;
	v25 =	vperm.xlane v29, v25;
	v23 =	vsel vm13, v24, v23;
	s23 =	spop (v2sf)  }
0x264: {  	v24 =	vperm.xlane v28, v56;
	v28 =	vsel vm12, v31, v34;
	v23 =	vsel vm2, v27, v23;
	s23 =	ssub.f32 $0.0e+00, s23  }
0x265: {  	v25 =	vsel vm6, v25, v28;
	vm2 =	vmmov vm0;
	v0 =	vsel vm1, v0, v23;
	s24 =	spop (v2sf)  }
0x266: {  	v23 =	vsel vm3, v24, v25;
	vm1 =	vmmov vm0;
	vm3 =	vge.f32 v15, v0;
	s24 =	ssub.f32 $0.0e+00, s24;
	p1 =	sge.f32 s23, $3.799999950e+00  }
0x267: {  	v39 =	vld.idx.msk [tilespmem:v26+s10+$0x0], $0xffff;
	vm4 =	vge.f32 v16, v23;
	vm5 =	vge.f32 v9, v0;
	vm6 =	vge.f32 v12, v23;
	v26, _, _ =	vpop (xrf2)  }
0x268: {  	v40 =	vld.idx.msk [tilespmem:v30+s10+$0x0], $0xffff;
	vm7 =	vge.f32 v11, v23;
	v24 =	vadd.f32 $0.0e+00, v26;
	v25, _, _ =	vpop (xrf2);
	p2 =	sge.f32 s24, $3.799999950e+00;
	vm2 =	vmneg @p1 vm2  }
0x269: {  	vm8 =	vge.f32 v8, v23;
	v25 =	vadd.f32 $0.0e+00, v25;
	vm3 =	vmor vm3, vm2  }
0x26a: {  	vm1 =	vmneg @p2 vm1;
	v42 =	vnsel vm3, $0x0, v15;
	v15 =	vbroadcast v24, $0xF  }
0x26b: {  	v25 =	vbroadcast v25, $0xF;
	vm5 =	vmor vm5, vm2;
	vm4 =	vmor vm4, vm1  }
0x26c: {  	v41 =	vnsel vm4, $0x0, v16;
	vm3 =	vgt.f32 v42, $0.0e+00;
	(erf) = vrcp.f32 v15  }
0x26d: {  	vm4 =	vgt.f32 v41, $0.0e+00;
	v16 =	vnsel vm3, $0x0, v40;
	vm3 =	vge.f32 v10, v0  }
0x26e: {  	v24 =	vnsel vm4, $0x0, v39;
	vm4 =	vge.f32 v7, v0;
	(erf) = vrcp.f32 v25  }
0x26f: {  	vm3 =	vmor vm3, vm2;
	v0 =	vnsel vm5, $0x0, v9;
	v15 =	vadd.f32 v24, v16  }
0x270: {  	s20 =	sadd.s32 $0x80, s20;
	vm2 =	vmor vm4, vm2;
	vm4 =	vmor vm6, vm1;
	vm6 =	vmor vm7, vm1  }
0x271: {  	v45 =	vld [tilespmem:s20+$0xFFFFFFC0];
	vm1 =	vmor vm8, vm1;
	v36 =	vmul.f32 v0, v40;
	v48 =	vnsel vm2, $0x0, v7  }
0x272: {  	v46 =	vld [tilespmem:s20+$0xFFFFFFD0];
	v7 =	vnsel vm4, $0x0, v12;
	v49 =	vnsel vm6, $0x0, v11;
	v47 =	vnsel vm1, $0x0, v8  }
0x273: {  	v43 =	vld [tilespmem:s20+$0xFFFFFFE0];
	vm2 =	vgt.f32 v0, $0.0e+00;
	v6 =	vadd.f32 v15, v6;
	v37 =	vmul.f32 v7, v39  }
0x274: {  	v44 =	vld [tilespmem:s20+$0xFFFFFFF0];
	v15 =	vnsel vm3, $0x0, v10;
	v25 =	vmul.f32 v49, v39;
	v24 =	vmul.f32 v48, v40  }
0x275: {  	v35 =	vmul.f32 v47, v39;
	vm3 =	vgt.f32 v7, $0.0e+00;
	v1 =	vmul.f32 v15, v40;
	v0 =	vpop (erf)  }
0x276: {  	vm6 =	vgt.f32 v47, $0.0e+00;
	v9 =	vmul.f32 v0, v17;
	v10 =	vmul.f32 v0, v18  }
0x277: {  	vm1 =	vgt.f32 v15, $0.0e+00;
	v7 =	vmul.f32 v0, v19;
	v15 =	vmul.f32 v0, v20;
	v0 =	vpop (erf)  }
0x278: {  	v47 =	vmul.f32 v42, v40;
	v18 =	vmax.f32 v45, v46;
	v12 =	vmul.f32 v0, v21  }
0x279: {  	v19 =	vmax.f32 v43, v44;
	v11 =	vmul.f32 v0, v22;
	v8 =	vmul.f32 v0, v32  }
0x27a: {  	v38 =	vld [tilespmem:s20+$0x10];
	v16 =	vmul.f32 v0, v33;
	v27 =	vadd.f32 $9.999999740e-06, v9;
	v34 =	vadd.f32 $9.999999740e-06, v10  }
0x27b: {  	v17 =	vld [tilespmem:s20+$0x0];
	v18 =	vmax.f32 v18, v19;
	v22 =	vadd.f32 $9.999999740e-06, v7;
	v26 =	vadd.f32 $9.999999740e-06, v15;
	(xrf1) =	vsort.ascd.msk.f32 $0xffff, v9, v9  }
0x27c: {  	v33 =	vld [tilespmem:s20+$0x20];
	v28 =	vadd.f32 $9.999999740e-06, v12;
	v29 =	vadd.f32 $9.999999740e-06, v11;
	(xrf1) =	vsort.dscd.msk.f32 $0xffff, v10, v10;
	v0 =	vcvt.s32.f32 v27  }
0x27d: {  	v32 =	vld [tilespmem:s20+$0x30];
	v30 =	vadd.f32 $9.999999740e-06, v8;
	v20 =	vcvt.s32.f32 v34;
	v21 =	vcvt.s32.f32 v22;
	(xrf1) =	vsort.ascd.msk.f32 $0xffff, v7, v7  }
0x27e: {  	v31 =	vadd.f32 $9.999999740e-06, v16;
	v50 =	vcvt.s32.f32 v26;
	v51 =	vcvt.s32.f32 v28;
	(xrf1) =	vsort.dscd.msk.f32 $0xffff, v15, v15  }
0x27f: {  	vm5 =	vgt.f32 v49, $0.0e+00;
	(xrf0) =	vmax.scan.msk.f32 $0xffff, v18;
	v19 =	vcvt.s32.f32 v29;
	v52 =	vcvt.s32.f32 v30  }
0x280: {  	vm4 =	vgt.f32 v48, $0.0e+00;
	v53 =	vcvt.s32.f32 v31;
	v0 =	vmul.f32 $8.262958320e-08, v0  }
0x281: {  	v57 =	vmax.f32 v17, v38;
	v18 =	vmul.f32 $8.262958320e-08, v20;
	v21 =	vmul.f32 $8.262958320e-08, v21  }
0x282: {  	(xrf1) =	vsort.ascd.msk.f32 $0xffff, v12, v12;
	v59 =	vmul.f32 $8.262958320e-08, v50;
	v62 =	vmax.f32 v33, v32;
	v0 =	vadd.f32 $-8.806091300e+01, v0  }
0x283: {  	v23 =	vmovc v14;
	v14 =	vmovc v13;
	[tilespmem:$0x1FF90] =	vst v1;
	v60 =	vmul.f32 $8.262958320e-08, v51;
	v19 =	vmul.f32 $8.262958320e-08, v19;
	v51 =	vadd.f32 $-8.806091300e+01, v21  }
0x284: {  	v13 =	vmovc v6;
	(xrf1) =	vsort.dscd.msk.f32 $0xffff, v11, v11;
	v48 =	vmax.f32 v57, v62;
	v20 =	vadd.f32 $-8.806091300e+01, v18;
	v54 =	vsub.f32 $0.0e+00, v0  }
0x285: {  	v21 =	vadd.f32 $-8.806091300e+01, v19;
	v19 =	vmul.f32 $8.262958320e-08, v53;
	v53, _, _ =	vpop (xrf0);
	(xrf0) =	vmax.scan.msk.f32 $0xffff, v48;
	v48 =	vsub.f32 $0.0e+00, v51  }
0x286: {  	v6 =	vmovc v5;
	(xrf1) =	vsort.ascd.msk.f32 $0xffff, v8, v8;
	v18 =	vadd.f32 $-8.806091300e+01, v59;
	v63 =	vsub.f32 $0.0e+00, v20;
	v1 =	vmul.f32 $1.442695020e+00, v54  }
0x287: {  	v5 =	vmovc v4;
	v4 =	vmovc v3;
	v3 =	vmov v2;
	v61 =	vmul.f32 $8.262958320e-08, v52;
	v50 =	vadd.f32 $-8.806091300e+01, v60  }
0x288: {  	v2 =	vmovc v58;
	(xrf1) =	vsort.dscd.msk.f32 $0xffff, v16, v16;
	v55 =	vsub.f32 $0.0e+00, v18;
	v60 =	vmul.f32 $1.442695020e+00, v63;
	(erf) = vpow2.f32 v1  }
0x289: {  	v49 =	vadd.f32 $-8.806091300e+01, v61;
	v56 =	vsub.f32 $0.0e+00, v50;
	v61 =	vmul.f32 $1.442695020e+00, v48;
	v48, _, _ =	vpop (xrf1)  }
0x28a: {  	v57 =	vsub.f32 $0.0e+00, v21;
	v1 =	vmul.f32 $1.442695020e+00, v55;
	(erf) = vpow2.f32 v60;
	v52, _, _ =	vpop (xrf1)  }
0x28b: {  	v19 =	vadd.f32 $-8.806091300e+01, v19;
	v56 =	vmul.f32 $1.442695020e+00, v56;
	(erf) = vpow2.f32 v61;
	v54, _, _ =	vpop (xrf1)  }
0x28c: {  	v58 =	vsub.f32 $0.0e+00, v49;
	v61 =	vmul.f32 $1.442695020e+00, v57;
	(erf) = vpow2.f32 v1;
	v55, _, _ =	vpop (xrf1)  }
0x28d: {  	v60 =	vmin.f32 v48, v52;
	v48 =	vmax.f32 v48, v52;
	v52 =	vmax.f32 v54, v55  }
0x28e: {  	v59 =	vsub.f32 $0.0e+00, v19;
	v58 =	vmul.f32 $1.442695020e+00, v58;
	(erf) = vpow2.f32 v56;
	(xrf1) =	vsort.ascd.msk.f32 $0xffff, v60, v60  }
0x28f: {  	v53 =	vbroadcast v53, $0xF;
	v57, _, _ =	vpop (xrf0);
	(erf) = vpow2.f32 v61;
	(xrf1) =	vsort.ascd.msk.f32 $0xffff, v48, v48  }
0x290: {  	v42 =	vnsel vm2, $0x0, v40;
	v1 =	vmul.f32 $1.442695020e+00, v59;
	(erf) = vpow2.f32 v58;
	(xrf1) =	vsort.dscd.msk.f32 $0xffff, v52, v52;
	v52, _, _ =	vpop (xrf1)  }
0x291: {  	v62 =	vsub.f32 v45, v53;
	v48 =	vmul.f32 v41, v39;
	v41 =	vbroadcast v57, $0xF;
	v57 =	vpop (erf)  }
0x292: {  	v45 =	vnsel vm3, $0x0, v39;
	v56 =	vmin.f32 v54, v55;
	(erf) = vpow2.f32 v1;
	v55, _, _ =	vpop (xrf1)  }
0x293: {  	v44 =	vsub.f32 v44, v53;
	v59 =	vsub.f32 v46, v53;
	(xrf1) =	vsort.dscd.msk.f32 $0xffff, v56, v56;
	v56 =	vmul.f32 $1.442695020e+00, v62;
	v61 =	vpop (erf)  }
0x294: {  	v42 =	vadd.f32 v45, v42;
	v46 =	vnsel vm1, $0x0, v40;
	v60 =	vsub.f32 v43, v53;
	v54, _, _ =	vpop (xrf1)  }
0x295: {  	v43 =	vnsel vm5, $0x0, v39;
	v59 =	vmul.f32 $1.442695020e+00, v59;
	v53 =	vpop (erf);
	(erf) = vpow2.f32 v56  }
0x296: {  	v43 =	vadd.f32 v43, v46;
	v60 =	vmul.f32 $1.442695020e+00, v60;
	v17 =	vsub.f32 v17, v41;
	v58, _, _ =	vpop (xrf1)  }
0x297: {  	v56 =	vmin.f32 v52, v55;
	v52 =	vmax.f32 v52, v55;
	v62 =	vpop (erf);
	(erf) = vpow2.f32 v59  }
0x298: {  	(xrf1) =	vsort.ascd.msk.f32 $0xffff, v56, v56;
	v55 =	vpop (erf);
	(erf) = vpow2.f32 v60;
	v63 =	vmax.f32 v54, v58;
	v54 =	vmin.f32 v54, v58  }
0x299: {  	(xrf1) =	vsort.ascd.msk.f32 $0xffff, v52, v52;
	v52 =	vmul.f32 v57, v27;
	v57 =	vmul.f32 v53, v22;
	v58 =	vpop (erf)  }
0x29a: {  	v48 =	vadd.f32 v48, v47;
	v38 =	vsub.f32 v38, v41;
	v1 =	vmul.f32 v61, v34;
	v59 =	vpop (erf)  }
0x29b: {  	v32 =	vsub.f32 v32, v41;
	v56 =	vnsel vm4, $0x0, v40;
	v53 =	vmul.f32 v62, v26;
	(xrf1) =	vsort.dscd.msk.f32 $0xffff, v63, v63;
	v60 =	vpop (erf)  }
0x29c: {  	v20 =	vadd.f32 v1, v20;
	v61 =	vmul.f32 v55, v28;
	(xrf1) =	vsort.dscd.msk.f32 $0xffff, v54, v54;
	v54 =	vnsel vm6, $0x0, v39;
	v55, _, _ =	vpop (xrf1)  }
0x29d: {  	v0 =	vadd.f32 v52, v0;
	v62 =	vmul.f32 v58, v29;
	v51 =	vadd.f32 v57, v51;
	v57, _, _ =	vpop (xrf1)  }
0x29e: {  	v58 =	vmul.f32 $1.442695020e+00, v17;
	v53 =	vadd.f32 v53, v18;
	v40 =	vadd.f32 $-1.000000000e+00, v20;
	v17 =	vpop (erf)  }
0x29f: {  	v63 =	vmul.f32 v59, v30;
	v52 =	vmul.f32 v60, v31;
	v39 =	vadd.f32 $-1.000000000e+00, v0;
	v59, _, _ =	vpop (xrf1)  }
0x2a0: {  	v44 =	vmul.f32 $1.442695020e+00, v44;
	v50 =	vadd.f32 v61, v50;
	v21 =	vadd.f32 v62, v21;
	v18 =	vpop (erf)  }
0x2a1: {  	v38 =	vmul.f32 $1.442695020e+00, v38;
	v52 =	vadd.f32 v52, v19;
	v62 =	vsub.f32 $0.0e+00, v39;
	v60, _, _ =	vpop (xrf1)  }
0x2a2: {  	v0 =	vmax.f32 v55, v59;
	v19 =	vpop (erf);
	(erf) = vpow2.f32 v44;
	v61 =	vmax.f32 v57, v60  }
0x2a3: {  	v49 =	vadd.f32 v63, v49;
	v44 =	vadd.f32 $-1.000000000e+00, v51;
	v20 =	vmax.f32 v0, v61  }
0x2a4: {  	v1 =	vmul.f32 $1.442695020e+00, v62;
	v51 =	vadd.f32 $-1.000000000e+00, v53;
	(erf) = vpow2.f32 v58;
	(xrf1) =	vsort.ascd.msk.f32 $0xffff, v20, v20  }
0x2a5: {  	v58 =	vsub.f32 $0.0e+00, v44;
	v0 =	vmin.f32 v0, v61;
	v20 =	vsub.f32 $0.0e+00, v40  }
0x2a6: {  	v50 =	vadd.f32 $-1.000000000e+00, v50;
	(xrf1) =	vsort.ascd.msk.f32 $0xffff, v0, v0;
	v0 =	vmin.f32 v55, v59;
	v55 =	vsub.f32 $0.0e+00, v51  }
0x2a7: {  	v49 =	vadd.f32 $-1.000000000e+00, v49;
	(erf) = vpow2.f32 v1;
	v53, _, _ =	vpop (xrf1);
	v20 =	vmul.f32 $1.442695020e+00, v20  }
0x2a8: {  	v61 =	vadd.f32 $-1.000000000e+00, v21;
	v21 =	vmin.f32 v57, v60;
	v63 =	vmul.f32 $1.442695020e+00, v58;
	v59, _, _ =	vpop (xrf1)  }
0x2a9: {  	v1 =	vmin.f32 v0, v21;
	v58, _, _ =	vpop (xrf1);
	v57 =	vmul.f32 $1.442695020e+00, v55;
	(erf) = vpow2.f32 v20  }
0x2aa: {  	v60 =	vsub.f32 $0.0e+00, v50;
	v0 =	vmax.f32 v0, v21;
	(xrf1) =	vsort.ascd.msk.f32 $0xffff, v1, v1;
	(erf) = vpow2.f32 v63;
	v55, _, _ =	vpop (xrf1)  }
0x2ab: {  	(xrf1) =	vsort.ascd.msk.f32 $0xffff, v0, v0;
	v0 =	vmin.f32 v53, v58;
	v20 =	vpop (erf);
	(erf) = vpow2.f32 v57;
	v57 =	vmin.f32 v59, v55  }
0x2ac: {  	v62 =	vsub.f32 $0.0e+00, v61;
	v60 =	vmul.f32 $1.442695020e+00, v60;
	v1 =	vmin.f32 v0, v57  }
0x2ad: {  	v52 =	vadd.f32 $-1.000000000e+00, v52;
	v63 =	vsub.f32 $0.0e+00, v49;
	v0 =	vmax.f32 v0, v57;
	(xrf1) =	vsort.ascd.msk.f32 $0xffff, v1, v1  }
0x2ae: {  	v62 =	vmul.f32 $1.442695020e+00, v62;
	v53 =	vmax.f32 v53, v58;
	v21 =	vpop (erf);
	(erf) = vpow2.f32 v60;
	(xrf1) =	vsort.ascd.msk.f32 $0xffff, v0, v0;
	v0 =	vld [tilespmem:$0x1FF90]  }
0x2af: {  	v58 =	vmovc v2;
	v2 =	vmovc v3;
	v3 =	vmov v4;
	v60 =	vmul.f32 $1.442695020e+00, v63;
	v63 =	vsub.f32 $0.0e+00, v52  }
0x2b0: {  	v4 =	vmovc v5;
	v5 =	vmovc v6;
	v6 =	vmov v13;
	v13 =	vmov v14;
	(erf) = vpow2.f32 v62  }
0x2b1: {  	v14 =	vmov v23;
	v1 =	vadd.f32 v37, v36;
	v37 =	vpop (erf);
	v63 =	vmul.f32 $1.442695020e+00, v63  }
0x2b2: {  	v55 =	vmax.f32 v59, v55;
	v5 =	vadd.f32 v48, v5;
	(erf) = vpow2.f32 v60;
	v23, _, _ =	vpop (xrf1)  }
0x2b3: {  	v0 =	vadd.f32 v25, v0;
	v25 =	vadd.f32 v35, v24;
	v35 =	vpop (erf);
	(erf) = vpow2.f32 v63  }
0x2b4: {  	v2 =	vadd.f32 v42, v2;
	v3 =	vadd.f32 v43, v3;
	v59 =	vmin.f32 v53, v55;
	(xrf2) =	vadd.scan.msk.f32 $0xffff, v23;
	v60 =	vpop (erf)  }
0x2b5: {  	v32 =	vmul.f32 $1.442695020e+00, v32;
	v62 =	vadd.f32 v54, v56;
	v37 =	vmul.f32 v37, v27;
	(xrf1) =	vsort.ascd.msk.f32 $0xffff, v59, v59;
	v24, _, _ =	vpop (xrf1)  }
0x2b6: {  	v57 =	vimm.s32 $0xF;
	v13 =	vadd.f32 v1, v13;
	v1 =	vsub.f32 v33, v41;
	v63 =	vpop (erf)  }
0x2b7: {  	v42 =	vmax.f32 v53, v55;
	v54 =	vadd.f32 v37, v39;
	(xrf2) =	vadd.scan.msk.f32 $0xffff, v24;
	v14 =	vadd.f32 v0, v14;
	v0 =	vpop (erf)  }
0x2b8: {  	v58 =	vadd.f32 v62, v58;
	v34 =	vmul.f32 v35, v34;
	v4 =	vadd.f32 v25, v4;
	v25, _, _ =	vpop (xrf1)  }
0x2b9: {  	v33 =	vadd.f32 $-1.000000000e+00, v54;
	v22 =	vmul.f32 v60, v22;
	(erf) = vpow2.f32 v38;
	(xrf1) =	vsort.ascd.msk.f32 $0xffff, v42, v42;
	v43 =	vpop (erf)  }
0x2ba: {  	v1 =	vmul.f32 $1.442695020e+00, v1;
	v35 =	vadd.f32 v18, v17;
	v26 =	vmul.f32 v63, v26;
	(xrf2) =	vadd.scan.msk.f32 $0xffff, v25;
	v27, _, _ =	vpop (xrf1)  }
0x2bb: {  	s30 =	sadd.s32 s21, s17;
	v33 =	vmul.f32 v33, v9;
	v34 =	vadd.f32 v34, v40;
	v55 =	vadd.f32 v22, v44;
	v48 =	vpop (erf)  }
0x2bc: {  	s31 =	sadd.s32 $0x401, s30;
	v44 =	vadd.f32 v20, v19;
	v0 =	vmul.f32 v0, v28;
	v56 =	vadd.f32 v26, v51;
	(xrf2) =	vadd.scan.msk.f32 $0xffff, v27;
	v28 =	vpop (erf)  }
0x2bd: {  	v26 =	vmov s31;
	v34 =	vadd.f32 $-1.000000000e+00, v34;
	v31 =	vmul.f32 v28, v31;
	v28, _, _ =	vpop (xrf1)  }
0x2be: {  	v53 =	vmul.f32 v43, v29;
	v37 =	vadd.f32 $-1.000000000e+00, v55;
	v30 =	vmul.f32 v48, v30;
	v36, _, _ =	vpop (xrf2);
	(xrf2) =	vadd.scan.msk.f32 $0xffff, v28  }
0x2bf: {  	s23 =	sadd.f32 s24, s23;
	v0 =	vadd.f32 v0, v50;
	v38 =	vadd.f32 $-1.000000000e+00, v56;
	v34 =	vmul.f32 v34, v10  }
0x2c0: {  	v59 =	vadd.f32 v53, v61;
	v37 =	vmul.f32 v37, v7;
	v30 =	vadd.f32 v30, v49;
	v29, _, _ =	vpop (xrf1)  }
0x2c1: {  	s19 =	sadd.f32 s23, s19;
	s23 =	sadd.s32 $0x400, s30;
	v0 =	vadd.f32 $-1.000000000e+00, v0;
	v38 =	vmul.f32 v38, v15;
	v33 =	vadd.f32 v34, v33;
	v41, _, _ =	vpop (xrf2);
	(xrf2) =	vadd.scan.msk.f32 $0xffff, v29  }
0x2c2: {  	v61 =	vmov s23;
	v39 =	vadd.f32 $-1.000000000e+00, v59;
	v60 =	vadd.f32 v31, v52;
	v22 =	vpop (erf)  }
0x2c3: {  	v30 =	vadd.f32 $-1.000000000e+00, v30;
	v0 =	vmul.f32 v0, v12;
	v37 =	vadd.f32 v38, v37;
	v31, _, _ =	vpop (xrf1)  }
0x2c4: {  	v39 =	vmul.f32 v39, v11;
	(erf) = vpow2.f32 v1;
	v40 =	vadd.f32 $-1.000000000e+00, v60;
	v63, _, _ =	vpop (xrf2);
	(xrf2) =	vadd.scan.msk.f32 $0xffff, v31  }
0x2c5: {  	v49 =	vmul.f32 v30, v8;
	v33 =	vadd.f32 v37, v33;
	(erf) = vpow2.f32 v32  }
0x2c6: {  	v46 =	vadd.f32 v22, v21;
	v48, _, _ =	vpop (xrf2);
	v40 =	vmul.f32 v40, v16;
	v52 =	vperm.xlane v63, v57  }
0x2c7: {  	v0 =	vadd.f32 v39, v0;
	v51 =	vsub.f32 $1.000000000e+00, v63;
	v53 =	vperm.xlane v48, v57;
	v34, _, _ =	vpop (xrf1)  }
0x2c8: {  	v62 =	vand.u32 $0xFFFFFFFE, v61;
	v1 =	vadd.f32 v40, v49;
	v55 =	vadd.f32 v48, v52;
	v50, _, _ =	vpop (xrf2);
	(xrf2) =	vadd.scan.msk.f32 $0xffff, v34  }
0x2c9: {  	v61 =	vperm.xlane v41, v57;
	v37 =	vadd.f32 v51, v25;
	v59 =	vadd.f32 v53, v52  }
0x2ca: {  	v30 =	vbroadcast v62, $0x0;
	v0 =	vadd.f32 v1, v0;
	v62 =	vsub.f32 $1.000000000e+00, v55  }
0x2cb: {  	v41 =	vadd.f32 v41, v59;
	v49 =	vadd.f32 v61, v59;
	v38 =	vperm.xlane v50, v57;
	v54, _, _ =	vpop (xrf2)  }
0x2cc: {  	v1 =	vsub.f32 $1.000000000e+00, v50;
	v51 =	vadd.f32 v62, v27;
	v56 =	vperm.xlane v54, v57  }
0x2cd: {  	vm1 =	vle.f32 v37, $7.500000000e-01;
	v32 =	vpop (erf);
	v53 =	vadd.f32 v36, v49;
	v60 =	vadd.f32 v54, v38  }
0x2ce: {  	v52 =	vmpcnt.ones.xlane vm1;
	v1 =	vadd.f32 v1, v28;
	v38 =	vadd.f32 v56, v38;
	v63, _, _ =	vpop (xrf2)  }
0x2cf: {  	(xrf2) =	vadd.scan.msk.f32 $0xffff, v33;
	v55 =	vsub.f32 $1.000000000e+00, v53;
	v33 =	vpop (erf);
	v48 =	vperm.xlane v63, v57;
	v39 =	vsub.f32 $1.000000000e+00, v60  }
0x2d0: {  	vm2 =	vle.f32 v1, $7.500000000e-01;
	v1 =	vsub.f32 $1.000000000e+00, v41;
	(xrf2) =	vadd.scan.msk.f32 $0xffff, v0;
	v62 =	vadd.f32 v33, v32  }
0x2d1: {  	vm1 =	vle.f32 v51, $7.500000000e-01;
	v50 =	vadd.f32 v63, v38;
	v38 =	vadd.f32 v48, v38  }
0x2d2: {  	v56 =	vmpcnt.ones.xlane vm1;
	v39 =	vadd.f32 v39, v29;
	v1 =	vadd.f32 v1, v24;
	v0, _, _ =	vpop (xrf2)  }
0x2d3: {  	v54 =	vmpcnt.ones.xlane vm2;
	v37 =	vsub.f32 $1.000000000e+00, v50;
	v0 =	vadd.f32 v0, v38  }
0x2d4: {  	vm2 =	vle.f32 v39, $7.500000000e-01;
	vm1 =	vle.f32 v1, $7.500000000e-01;
	v38 =	vadd.f32 v55, v23  }
0x2d5: {  	v39 =	vadd.s32 v52, v56;
	v37 =	vadd.f32 v37, v31;
	v0 =	vsub.f32 $1.000000000e+00, v0  }
0x2d6: {  	v59 =	vmpcnt.ones.xlane vm2;
	v1 =	vmpcnt.ones.xlane vm1;
	vm2 =	vle.f32 v38, $7.500000000e-01  }
0x2d7: {  	vm1 =	vle.f32 v37, $7.500000000e-01;
	v38 =	vmpcnt.ones.xlane vm2;
	v60 =	vadd.f32 v0, v34  }
0x2d8: {  	v36 =	vadd.s32 v54, v59;
	v1 =	vadd.s32 v1, v39;
	v39 =	vadd.f32 v62, v46  }
0x2d9: {  	v37 =	vmpcnt.ones.xlane vm1;
	v1 =	vadd.s32 v38, v1;
	vm1 =	vle.f32 v60, $7.500000000e-01;
	v0, _, _ =	vpop (xrf2)  }
0x2da: {  	v61 =	vmpcnt.ones.xlane vm1;
	(v2sf) =	vpush v0, $0xF;
	v0, _, _ =	vpop (xrf2);
	vm1 =	vgt.s32 v1, $0x2  }
0x2db: {  	v36 =	vadd.s32 v37, v36;
	(v2sf) =	vpush v0, $0xF;
	v1 =	vnsel vm1, $0x2, v1  }
0x2dc: {  	v0 =	vadd.f32 v44, v35;
	v36 =	vadd.s32 v61, v36;
	v42 =	vsub.s32 $0x40, v1  }
0x2dd: {  	v44 =	vsub.s32 $0x30, v1;
	v40 =	vsub.s32 $0x10, v1;
	v37 =	vsub.s32 $0x20, v1  }
0x2de: {  	p0 =	sne.s32 s22, $0xFFFFFFFE;
	vm2 =	vgt.s32 v36, $0x2;
	vm4 =	vgt.s32 v42, $0x0;
	v45 =	vshra.s32 v42, $0x4  }
.Ltmp1:
0x2df: {  	vm8 =	vgt.s32 v44, $0x0;
	vm5 =	vgt.s32 v40, $0x0;
	vm3 =	vgt.s32 v37, $0x0;
	(pc) =	sbr.rel @p0 .LBB2_5-.Ltmp1, $4  }
0x2e0: {  	v63 =	vnsel vm2, $0x2, v36;
	vm1 =	veq.s32 v45, $0x0;
	vm2 =	veq.s32 v45, $0x1  }
0x2e1: {  	v38 =	vsub.s32 $0x40, v63;
	v41 =	vsub.s32 $0x30, v63;
	v36 =	vsub.s32 $0x20, v63  }
0x2e2: {  	v43 =	vsub.s32 $0x10, v63;
	v35 =	vshra.s32 v38, $0x4;
	vm10 =	vgt.s32 v38, $0x0  }
0x2e3: {  	s21 =	smov.u32 s22;
	s22 =	sadd.s32 $0x2, s22;
	(xrf2) =	vadd.scan.msk.f32 $0xffff, v0;
	vm9 =	vgt.s32 v41, $0x0;
	vm7 =	vgt.s32 v43, $0x0;
	vm11 =	vgt.s32 v36, $0x0  }
0x2e4: {  	_ = 	snop  }
0x2e5: {  	(xrf2) =	vadd.scan.msk.f32 $0xffff, v39;
	_ =	sdelay $0x5  }
0x2e6: {  	vm13 =	veq.s32 v45, $0x2  }
0x2e7: {  	vm6 =	veq.s32 v35, $0x1;
	vm12 =	veq.s32 v35, $0x2;
	v1 =	vnsel vm4, $0x0, v42  }
0x2e8: {  	v51 =	vnsel vm8, $0x0, v44;
	v38 =	vnsel vm10, $0x0, v38;
	v40 =	vnsel vm5, $0x0, v40;
	v0, _, _ =	vpop (xrf2)  }
0x2e9: {  	v41 =	vnsel vm9, $0x0, v41;
	v43 =	vnsel vm7, $0x0, v43;
	v0 =	vadd.f32 $0.0e+00, v0  }
0x2ea: {  	v37 =	vnsel vm3, $0x0, v37;
	v36 =	vnsel vm11, $0x0, v36;
	vm3 =	veq.s32 v35, $0x0;
	v52, _, _ =	vpop (xrf2)  }
0x2eb: {  	v1 =	vmin.u32 v1, $0xF;
	v42 =	vadd.f32 $0.0e+00, v52;
	v0 =	vbroadcast v0, $0xF  }
0x2ec: {  	v23 =	vperm.xlane v23, v40;
	v34 =	vperm.xlane v34, v43;
	v54 =	vmin.u32 v37, $0xF  }
0x2ed: {  	v36 =	vmin.u32 v36, $0xF;
	v53 =	vbroadcast v42, $0xF;
	(erf) = vrcp.f32 v0  }
0x2ee: {  	v55 =	vmin.u32 v41, $0xF;
	v1 =	vperm.xlane v25, v1;
	v24 =	vperm.xlane v24, v54;
	s20 =	spop (v2sf)  }
0x2ef: {  	v31 =	vperm.xlane v31, v36;
	s20 =	ssub.f32 $0.0e+00, s20;
	s22 =	spop (v2sf);
	v0 =	vmin.u32 v51, $0xF;
	(erf) = vrcp.f32 v53  }
0x2f0: {  	v56 =	vmin.u32 v38, $0xF;
	v25 =	vperm.xlane v29, v55;
	s22 =	ssub.f32 $0.0e+00, s22;
	v0 =	vperm.xlane v27, v0  }
0x2f1: {  	v59 =	vperm.xlane v28, v56;
	v23 =	vsel vm13, v24, v23;
	v60 =	vsel vm12, v31, v34;
	p0 =	sge.f32 s20, $3.799999950e+00  }
0x2f2: {  	p1 =	sge.f32 s22, $3.799999950e+00;
	v0 =	vsel vm2, v0, v23;
	v23 =	vsel vm6, v25, v60;
	vm2 =	vmmov vm0  }
0x2f3: {  	v0 =	vsel vm1, v1, v0;
	vm2 =	vmneg @p0 vm2;
	vm1 =	vmmov vm0  }
0x2f4: {  	v1 =	vsel vm3, v59, v23;
	vm3 =	vge.f32 v15, v0;
	vm1 =	vmneg @p1 vm1  }
0x2f5: {  	vm10 =	vge.f32 v16, v1;
	vm11 =	vge.f32 v10, v0;
	vm12 =	vge.f32 v7, v0  }
0x2f6: {  	vm13 =	vge.f32 v12, v1;
	vm14 =	vge.f32 v11, v1;
	vm3 =	vmor vm3, vm2;
	v23 =	vpop (erf)  }
0x2f7: {  	vm4 =	vmor vm10, vm1;
	v35 =	vnsel vm3, $0x0, v15;
	v15 =	vmul.f32 v23, v17  }
0x2f8: {  	v34 =	vnsel vm4, $0x0, v16;
	v17 =	vmul.f32 v23, v18;
	v16 =	vmul.f32 v23, v19;
	v61 =	vpop (erf)  }
0x2f9: {  	vm15 =	vge.f32 v8, v1;
	v23 =	vmul.f32 v23, v20;
	v18 =	vmul.f32 v61, v21  }
0x2fa: {  	v19 =	vmul.f32 v61, v22;
	v29 =	vadd.f32 $9.999999740e-06, v15;
	v31 =	vadd.f32 $9.999999740e-06, v17  }
0x2fb: {  	v20 =	vmul.f32 v61, v32;
	v32 =	vld.idx.msk [tilespmem:v30+s10+$0x0], $0xffff;
	v25 =	vadd.f32 $9.999999740e-06, v16;
	v27 =	vadd.f32 $9.999999740e-06, v23  }
0x2fc: {  	v21 =	vmul.f32 v61, v33;
	v30 =	vld.idx.msk [tilespmem:v26+s10+$0x0], $0xffff;
	v26 =	vadd.f32 $9.999999740e-06, v18;
	v28 =	vadd.f32 $9.999999740e-06, v19  }
0x2fd: {  	v22 =	vadd.f32 $9.999999740e-06, v20;
	v62 =	vcvt.s32.f32 v29;
	v63 =	vcvt.s32.f32 v31  }
0x2fe: {  	(xrf1) =	vsort.ascd.msk.f32 $0xffff, v15, v15;
	v24 =	vadd.f32 $9.999999740e-06, v21;
	v48 =	vcvt.s32.f32 v25;
	v49 =	vcvt.s32.f32 v27  }
0x2ff: {  	vm3 =	vgt.f32 v35, $0.0e+00;
	(xrf1) =	vsort.dscd.msk.f32 $0xffff, v17, v17;
	v50 =	vcvt.s32.f32 v26;
	v51 =	vcvt.s32.f32 v28  }
0x300: {  	vm4 =	vgt.f32 v34, $0.0e+00;
	(xrf1) =	vsort.ascd.msk.f32 $0xffff, v16, v16;
	v52 =	vcvt.s32.f32 v22;
	v54 =	vcvt.s32.f32 v24  }
0x301: {  	(xrf1) =	vsort.dscd.msk.f32 $0xffff, v23, v23;
	v53 =	vnsel vm3, $0x0, v32;
	v33 =	vmul.f32 $8.262958320e-08, v62;
	v36 =	vmul.f32 $8.262958320e-08, v63  }
0x302: {  	v55 =	vnsel vm4, $0x0, v30;
	v37 =	vmul.f32 $8.262958320e-08, v48;
	v38 =	vmul.f32 $8.262958320e-08, v49  }
0x303: {  	(xrf1) =	vsort.ascd.msk.f32 $0xffff, v18, v18;
	vm3 =	vge.f32 v9, v0;
	vm4 =	vmor vm11, vm2;
	v39 =	vmul.f32 $8.262958320e-08, v50  }
0x304: {  	v42 =	vadd.f32 v55, v53;
	(xrf1) =	vsort.dscd.msk.f32 $0xffff, v19, v19;
	v40 =	vmul.f32 $8.262958320e-08, v51;
	v41 =	vmul.f32 $8.262958320e-08, v52  }
0x305: {  	v43 =	vmul.f32 $8.262958320e-08, v54;
	v33 =	vadd.f32 $-8.806091300e+01, v33;
	v36 =	vadd.f32 $-8.806091300e+01, v36;
	(xrf1) =	vsort.ascd.msk.f32 $0xffff, v20, v20  }
0x306: {  	vm3 =	vmor vm3, vm2;
	v37 =	vadd.f32 $-8.806091300e+01, v37;
	v38 =	vadd.f32 $-8.806091300e+01, v38;
	(xrf1) =	vsort.dscd.msk.f32 $0xffff, v21, v21  }
0x307: {  	vm2 =	vmor vm12, vm2;
	v39 =	vadd.f32 $-8.806091300e+01, v39;
	v40 =	vadd.f32 $-8.806091300e+01, v40  }
0x308: {  	vm12 =	vmor vm13, vm1;
	v41 =	vadd.f32 $-8.806091300e+01, v41;
	v56 =	vsub.f32 $0.0e+00, v33  }
0x309: {  	vm13 =	vmor vm14, vm1;
	v43 =	vadd.f32 $-8.806091300e+01, v43;
	v59 =	vsub.f32 $0.0e+00, v36  }
0x30a: {  	v46 =	vsub.f32 $0.0e+00, v37;
	v47 =	vsub.f32 $0.0e+00, v38;
	v44 =	vmul.f32 $1.442695020e+00, v56  }
0x30b: {  	v48 =	vsub.f32 $0.0e+00, v39;
	v49 =	vsub.f32 $0.0e+00, v40;
	v45 =	vmul.f32 $1.442695020e+00, v59  }
0x30c: {  	v50 =	vsub.f32 $0.0e+00, v41;
	v46 =	vmul.f32 $1.442695020e+00, v46;
	(erf) = vpow2.f32 v44;
	v60, _, _ =	vpop (xrf1)  }
0x30d: {  	v51 =	vsub.f32 $0.0e+00, v43;
	v47 =	vmul.f32 $1.442695020e+00, v47;
	(erf) = vpow2.f32 v45;
	v61, _, _ =	vpop (xrf1)  }
0x30e: {  	v48 =	vmul.f32 $1.442695020e+00, v48;
	(erf) = vpow2.f32 v46;
	v52 =	vmin.f32 v60, v61;
	v62, _, _ =	vpop (xrf1)  }
0x30f: {  	v63 =	vmul.f32 $1.442695020e+00, v49;
	(erf) = vpow2.f32 v47;
	v44 =	vmax.f32 v60, v61;
	v53, _, _ =	vpop (xrf1);
	(xrf1) =	vsort.ascd.msk.f32 $0xffff, v52, v52  }
0x310: {  	v50 =	vmul.f32 $1.442695020e+00, v50;
	(erf) = vpow2.f32 v48;
	v54 =	vmax.f32 v62, v53;
	(xrf1) =	vsort.ascd.msk.f32 $0xffff, v44, v44  }
0x311: {  	v56 =	vmul.f32 $1.442695020e+00, v51;
	(erf) = vpow2.f32 v63;
	v55 =	vmin.f32 v62, v53;
	v59, _, _ =	vpop (xrf1);
	(xrf1) =	vsort.dscd.msk.f32 $0xffff, v54, v54  }
0x312: {  	v10 =	vnsel vm4, $0x0, v10;
	vm1 =	vmor vm15, vm1;
	(erf) = vpow2.f32 v50;
	v0, _, _ =	vpop (xrf1);
	(xrf1) =	vsort.dscd.msk.f32 $0xffff, v55, v55  }
0x313: {  	v9 =	vnsel vm3, $0x0, v9;
	v12 =	vnsel vm12, $0x0, v12;
	(erf) = vpow2.f32 v56;
	v60, _, _ =	vpop (xrf1)  }
0x314: {  	v11 =	vnsel vm13, $0x0, v11;
	v7 =	vnsel vm2, $0x0, v7;
	v8 =	vnsel vm1, $0x0, v8;
	v1, _, _ =	vpop (xrf1)  }
0x315: {  	vm3 =	vgt.f32 v10, $0.0e+00;
	v6 =	vadd.f32 v42, v6;
	v63 =	vmin.f32 v59, v0;
	v61 =	vpop (erf)  }
0x316: {  	vm1 =	vgt.f32 v9, $0.0e+00;
	v51 =	vmul.f32 v11, v30;
	v0 =	vmax.f32 v59, v0;
	(xrf1) =	vsort.ascd.msk.f32 $0xffff, v63, v63;
	v62 =	vpop (erf)  }
0x317: {  	vm2 =	vgt.f32 v12, $0.0e+00;
	v47 =	vmul.f32 v9, v32;
	(xrf1) =	vsort.ascd.msk.f32 $0xffff, v0, v0;
	v0 =	vmul.f32 v61, v29;
	v49 =	vpop (erf)  }
0x318: {  	v48 =	vmul.f32 v12, v30;
	v59 =	vmax.f32 v60, v1;
	v61 =	vmul.f32 v62, v31;
	v53 =	vpop (erf)  }
0x319: {  	v1 =	vmin.f32 v60, v1;
	v49 =	vmul.f32 v49, v25;
	v0 =	vadd.f32 v0, v33;
	v56 =	vpop (erf)  }
0x31a: {  	vm14 =	vgt.f32 v11, $0.0e+00;
	(xrf1) =	vsort.dscd.msk.f32 $0xffff, v59, v59;
	v9 =	vmul.f32 v53, v27;
	v36 =	vadd.f32 v61, v36;
	v60 =	vpop (erf)  }
0x31b: {  	(xrf1) =	vsort.dscd.msk.f32 $0xffff, v1, v1;
	v1 =	vmul.f32 v56, v26;
	v37 =	vadd.f32 v49, v37;
	v0 =	vadd.f32 $-1.000000000e+00, v0;
	v62 =	vpop (erf)  }
0x31c: {  	v56 =	vmul.f32 v60, v28;
	v9 =	vadd.f32 v9, v38;
	v36 =	vadd.f32 $-1.000000000e+00, v36;
	v63 =	vpop (erf)  }
0x31d: {  	v59 =	vmul.f32 v62, v22;
	v1 =	vadd.f32 v1, v39;
	v37 =	vadd.f32 $-1.000000000e+00, v37;
	v42, _, _ =	vpop (xrf1)  }
0x31e: {  	v50 =	vmul.f32 v10, v32;
	v33 =	vadd.f32 v56, v40;
	v56 =	vsub.f32 $0.0e+00, v0;
	v45, _, _ =	vpop (xrf1)  }
0x31f: {  	v60 =	vmul.f32 v63, v24;
	v9 =	vadd.f32 $-1.000000000e+00, v9;
	v40 =	vadd.f32 v59, v41;
	v39, _, _ =	vpop (xrf1)  }
0x320: {  	v53 =	vmul.f32 v8, v30;
	v59 =	vsub.f32 $0.0e+00, v36;
	v1 =	vadd.f32 $-1.000000000e+00, v1;
	v44, _, _ =	vpop (xrf1)  }
0x321: {  	v41 =	vadd.f32 v60, v43;
	v61 =	vmax.f32 v42, v39;
	v62 =	vmax.f32 v45, v44  }
0x322: {  	v43 =	vmul.f32 $1.442695020e+00, v56;
	v60 =	vsub.f32 $0.0e+00, v37;
	v63 =	vmax.f32 v61, v62  }
0x323: {  	v54 =	vadd.f32 $-1.000000000e+00, v33;
	v56 =	vsub.f32 $0.0e+00, v9;
	v49 =	vmul.f32 $1.442695020e+00, v59;
	(xrf1) =	vsort.ascd.msk.f32 $0xffff, v63, v63  }
0x324: {  	v59 =	vsub.f32 $0.0e+00, v1;
	v40 =	vadd.f32 $-1.000000000e+00, v40;
	(erf) = vpow2.f32 v43  }
0x325: {  	v43 =	vmul.f32 $1.442695020e+00, v56;
	v41 =	vadd.f32 $-1.000000000e+00, v41;
	v63 =	vmul.f32 $1.442695020e+00, v60  }
0x326: {  	(erf) = vpow2.f32 v49;
	v46 =	vmin.f32 v61, v62;
	v61 =	vmin.f32 v42, v39  }
0x327: {  	v62 =	vmin.f32 v45, v44;
	v44, _, _ =	vpop (xrf1);
	v60 =	vsub.f32 $0.0e+00, v54;
	(xrf1) =	vsort.ascd.msk.f32 $0xffff, v46, v46;
	(erf) = vpow2.f32 v63  }
0x328: {  	v45 =	vmin.f32 v61, v62;
	v52, _, _ =	vpop (xrf1);
	v33 =	vmax.f32 v61, v62;
	v61 =	vmul.f32 $1.442695020e+00, v59  }
0x329: {  	v62 =	vsub.f32 $0.0e+00, v40;
	v49, _, _ =	vpop (xrf1);
	(xrf1) =	vsort.ascd.msk.f32 $0xffff, v45, v45;
	v45 =	vmul.f32 $1.442695020e+00, v60;
	(erf) = vpow2.f32 v43  }
0x32a: {  	v59 =	vsub.f32 $0.0e+00, v41;
	v42, _, _ =	vpop (xrf1);
	v63 =	vmin.f32 v44, v49;
	(erf) = vpow2.f32 v61  }
0x32b: {  	v10 =	vmul.f32 $1.442695020e+00, v62;
	v55 =	vmin.f32 v52, v42;
	(erf) = vpow2.f32 v45  }
0x32c: {  	vm15 =	vgt.f32 v7, $0.0e+00;
	v38 =	vmul.f32 v7, v32;
	(xrf1) =	vsort.ascd.msk.f32 $0xffff, v33, v33;
	v60 =	vmin.f32 v63, v55  }
0x32d: {  	vm9 =	vgt.f32 v8, $0.0e+00;
	v62 =	vmul.f32 $1.442695020e+00, v59;
	(xrf1) =	vsort.ascd.msk.f32 $0xffff, v60, v60;
	(erf) = vpow2.f32 v10  }
0x32e: {  	v8 =	vmul.f32 v35, v32;
	v11 =	vadd.f32 v53, v38;
	v61 =	vmax.f32 v63, v55;
	v7 =	vpop (erf)  }
0x32f: {  	v12 =	vmax.f32 v44, v49;
	v42 =	vmax.f32 v52, v42;
	(xrf1) =	vsort.ascd.msk.f32 $0xffff, v61, v61;
	v35 =	vpop (erf);
	(erf) = vpow2.f32 v62  }
0x330: {  	v47 =	vadd.f32 v48, v47;
	v10 =	vmin.f32 v12, v42;
	v7 =	vmul.f32 v7, v29;
	v56 =	vpop (erf)  }
0x331: {  	v48 =	vadd.f32 v51, v50;
	v4 =	vadd.f32 v11, v4;
	v33, _, _ =	vpop (xrf1);
	(xrf1) =	vsort.ascd.msk.f32 $0xffff, v10, v10  }
0x332: {  	v59 =	vnsel vm3, $0x0, v32;
	v43 =	vmul.f32 v35, v31;
	v0 =	vadd.f32 v7, v0;
	v61 =	vpop (erf)  }
0x333: {  	v52 =	vmul.f32 v34, v30;
	v63 =	vnsel vm1, $0x0, v32;
	v55 =	vnsel vm2, $0x0, v30;
	v62 =	vpop (erf)  }
0x334: {  	v12 =	vmax.f32 v12, v42;
	v7 =	vadd.f32 v43, v36;
	v0 =	vadd.f32 $-1.000000000e+00, v0;
	v44 =	vpop (erf)  }
0x335: {  	v32 =	vnsel vm15, $0x0, v32;
	v60 =	vnsel vm14, $0x0, v30;
	v46 =	vmul.f32 v56, v25;
	v34, _, _ =	vpop (xrf1);
	(xrf1) =	vsort.ascd.msk.f32 $0xffff, v12, v12  }
0x336: {  	v7 =	vadd.f32 $-1.000000000e+00, v7;
	v0 =	vmul.f32 v0, v15;
	v27 =	vmul.f32 v61, v27;
	(xrf2) =	vadd.scan.msk.f32 $0xffff, v33;
	v49 =	vpop (erf)  }
0x337: {  	v10 =	vadd.f32 v52, v8;
	v8 =	vadd.f32 v55, v63;
	v63 =	vnsel vm9, $0x0, v30;
	v30, _, _ =	vpop (xrf1);
	(xrf2) =	vadd.scan.msk.f32 $0xffff, v34  }
0x338: {  	v61 =	vmul.f32 v7, v17;
	v7 =	vadd.f32 v47, v13;
	v50 =	vmul.f32 v62, v26;
	v51 =	vpop (erf);
	(xrf2) =	vadd.scan.msk.f32 $0xffff, v30  }
0x339: {  	v53 =	vadd.f32 v46, v37;
	v12 =	vadd.f32 v60, v59;
	v24 =	vmul.f32 v51, v24  }
0x33a: {  	v25 =	vadd.f32 v63, v32;
	v28 =	vmul.f32 v44, v28;
	v9 =	vadd.f32 v27, v9;
	v26, _, _ =	vpop (xrf1)  }
0x33b: {  	v0 =	vadd.f32 v61, v0;
	v52 =	vmul.f32 v49, v22;
	v1 =	vadd.f32 v50, v1;
	(xrf2) =	vadd.scan.msk.f32 $0xffff, v26;
	v22, _, _ =	vpop (xrf1)  }
0x33c: {  	v59 =	vadd.f32 $-1.000000000e+00, v53;
	v10 =	vadd.f32 v10, v5;
	(xrf2) =	vadd.scan.msk.f32 $0xffff, v22  }
0x33d: {  	v54 =	vadd.f32 v28, v54;
	v56 =	vadd.f32 v24, v41;
	v24, _, _ =	vpop (xrf1)  }
0x33e: {  	v9 =	vadd.f32 $-1.000000000e+00, v9;
	v55 =	vadd.f32 v52, v40;
	(xrf2) =	vadd.scan.msk.f32 $0xffff, v24  }
0x33f: {  	v1 =	vadd.f32 $-1.000000000e+00, v1;
	v31 =	vmul.f32 v59, v16;
	v60 =	vadd.f32 $-1.000000000e+00, v54;
	v27, _, _ =	vpop (xrf1)  }
0x340: {  	v62 =	vmul.f32 v9, v23;
	v28 =	vadd.f32 $-1.000000000e+00, v55;
	v29 =	vadd.f32 $-1.000000000e+00, v56;
	v36, _, _ =	vpop (xrf2);
	(xrf2) =	vadd.scan.msk.f32 $0xffff, v27  }
0x341: {  	s21 =	sadd.s32 s21, s17;
	v2 =	vadd.f32 v8, v2;
	v1 =	vmul.f32 v1, v18;
	v40 =	vmul.f32 v60, v19;
	v63, _, _ =	vpop (xrf2)  }
0x342: {  	s23 =	sadd.s32 $0x401, s21;
	s21 =	sadd.s32 $0x400, s21;
	v12 =	vadd.f32 v12, v3;
	v42 =	vmul.f32 v28, v20;
	v43 =	vmul.f32 v29, v21;
	v41, _, _ =	vpop (xrf2)  }
0x343: {  	v39 =	vmov s21;
	v9 =	vadd.f32 v48, v14;
	v44 =	vadd.f32 v62, v31;
	v31, _, _ =	vpop (xrf1)  }
0x344: {  	v1 =	vadd.f32 v40, v1;
	v46 =	vadd.f32 v43, v42;
	v49 =	vperm.xlane v41, v57;
	(xrf2) =	vadd.scan.msk.f32 $0xffff, v31  }
0x345: {  	v0 =	vadd.f32 v44, v0;
	v40 =	vmov s23;
	v45, _, _ =	vpop (xrf2);
	v48 =	vsub.f32 $1.000000000e+00, v41  }
0x346: {  	v1 =	vadd.f32 v46, v1;
	v51 =	vperm.xlane v45, v57;
	v47, _, _ =	vpop (xrf2);
	v35 =	vadd.f32 v45, v49  }
0x347: {  	v28 =	vadd.f32 v48, v30;
	v50 =	vsub.f32 $1.000000000e+00, v47;
	v14 =	vperm.xlane v47, v57  }
0x348: {  	v55 =	vperm.xlane v63, v57;
	v29 =	vadd.f32 v51, v49;
	v52, _, _ =	vpop (xrf2);
	v35 =	vsub.f32 $1.000000000e+00, v35  }
0x349: {  	v53 =	vperm.xlane v52, v57;
	v13 =	vadd.f32 v50, v22;
	v54 =	vadd.f32 v52, v14  }
0x34a: {  	v43 =	vand.u32 $0xFFFFFFFE, v39;
	v38 =	vadd.f32 v63, v29;
	v29 =	vadd.f32 v55, v29;
	v56, _, _ =	vpop (xrf2)  }
0x34b: {  	v14 =	vadd.f32 v53, v14;
	v32 =	vsub.f32 $1.000000000e+00, v54;
	v59 =	vperm.xlane v56, v57  }
0x34c: {  	vm1 =	vle.f32 v28, $7.500000000e-01;
	v61 =	vsub.f32 $1.000000000e+00, v38;
	v29 =	vadd.f32 v36, v29  }
0x34d: {  	v62 =	vmpcnt.ones.xlane vm1;
	(xrf2) =	vadd.scan.msk.f32 $0xffff, v0;
	v60 =	vadd.f32 v56, v14;
	v14 =	vadd.f32 v59, v14  }
0x34e: {  	vm2 =	vle.f32 v13, $7.500000000e-01;
	v32 =	vadd.f32 v32, v24;
	v0 =	vadd.f32 v35, v26;
	(xrf2) =	vadd.scan.msk.f32 $0xffff, v1;
	v1, _, _ =	vpop (xrf2)  }
0x34f: {  	v63 =	vmpcnt.ones.xlane vm2;
	v36 =	vsub.f32 $1.000000000e+00, v29;
	v1 =	vadd.f32 v1, v14  }
0x350: {  	v13 =	vadd.f32 v61, v34;
	vm1 =	vle.f32 v0, $7.500000000e-01;
	v0 =	vsub.f32 $1.000000000e+00, v60  }
0x351: {  	vm2 =	vle.f32 v32, $7.500000000e-01;
	v28 =	vadd.f32 v36, v33;
	v1 =	vsub.f32 $1.000000000e+00, v1  }
0x352: {  	v32 =	vmpcnt.ones.xlane vm2;
	v37 =	vmpcnt.ones.xlane vm1;
	v0 =	vadd.f32 v0, v27  }
0x353: {  	vm2 =	vle.f32 v28, $7.500000000e-01;
	vm1 =	vle.f32 v13, $7.500000000e-01;
	v1 =	vadd.f32 v1, v31  }
0x354: {  	v13 =	vmpcnt.ones.xlane vm1;
	v29 =	vadd.s32 v62, v37;
	vm1 =	vle.f32 v0, $7.500000000e-01  }
0x355: {  	v0 =	vmpcnt.ones.xlane vm1;
	vm1 =	vle.f32 v1, $7.500000000e-01;
	v1 =	vmpcnt.ones.xlane vm2  }
0x356: {  	v14 =	vadd.s32 v63, v32;
	v13 =	vadd.s32 v13, v29;
	v38 =	vmpcnt.ones.xlane vm1  }
0x357: {  	v55 =	vadd.f32 v25, v58;
	v41, _, _ =	vpop (xrf2);
	v0 =	vadd.s32 v0, v14;
	v1 =	vadd.s32 v1, v13  }
0x358: {  	(v2sf) =	vpush v41, $0xF;
	v42, _, _ =	vpop (xrf2);
	v0 =	vadd.s32 v38, v0;
	vm1 =	vgt.s32 v1, $0x2  }
0x359: {  	(v2sf) =	vpush v42, $0xF;
	vm2 =	vgt.s32 v0, $0x2;
	v1 =	vnsel vm1, $0x2, v1  }
0x35a: {  	v13 =	vbroadcast v43, $0x0;
	v0 =	vnsel vm2, $0x2, v0;
	v44 =	vsub.s32 $0x40, v1  }
0x35b: {  	v46 =	vsub.s32 $0x30, v1;
	v47 =	vsub.s32 $0x10, v1;
	v1 =	vsub.s32 $0x20, v1  }
0x35c: {  	v45 =	vsub.s32 $0x40, v0;
	v48 =	vsub.s32 $0x30, v0;
	v49 =	vsub.s32 $0x20, v0  }
0x35d: {  	v0 =	vsub.s32 $0x10, v0;
	vm4 =	vgt.s32 v44, $0x0;
	v50 =	vshra.s32 v44, $0x4  }
0x35e: {  	vm5 =	vgt.s32 v46, $0x0;
	vm6 =	vgt.s32 v47, $0x0;
	vm8 =	vgt.s32 v1, $0x0  }
0x35f: {  	v51 =	vshra.s32 v45, $0x4;
	vm7 =	vgt.s32 v45, $0x0;
	vm9 =	vgt.s32 v48, $0x0  }
0x360: {  	vm10 =	vgt.s32 v0, $0x0;
	vm1 =	veq.s32 v50, $0x0;
	vm2 =	veq.s32 v50, $0x1  }
0x361: {  	vm11 =	vgt.s32 v49, $0x0;
	vm12 =	veq.s32 v50, $0x2;
	v14 =	vnsel vm4, $0x0, v44  }
0x362: {  	v29 =	vnsel vm5, $0x0, v46;
	v32 =	vnsel vm6, $0x0, v47;
	v1 =	vnsel vm8, $0x0, v1  }
0x363: {  	vm3 =	veq.s32 v51, $0x1;
	vm13 =	veq.s32 v51, $0x2;
	v28 =	vnsel vm7, $0x0, v45  }
0x364: {  	v35 =	vnsel vm9, $0x0, v48;
	v0 =	vnsel vm10, $0x0, v0;
	v14 =	vmin.u32 v14, $0xF  }
0x365: {  	v36 =	vnsel vm11, $0x0, v49;
	v29 =	vmin.u32 v29, $0xF;
	v32 =	vperm.xlane v33, v32  }
0x366: {  	v1 =	vmin.u32 v1, $0xF;
	v0 =	vperm.xlane v31, v0;
	v14 =	vperm.xlane v30, v14  }
0x367: {  	v52 =	vmin.u32 v36, $0xF;
	v1 =	vperm.xlane v34, v1;
	v53 =	vmin.u32 v35, $0xF  }
0x368: {  	v26 =	vperm.xlane v26, v29;
	v28 =	vmin.u32 v28, $0xF;
	v27 =	vperm.xlane v27, v52;
	s29 =	spop (v2sf)  }
0x369: {  	v24 =	vperm.xlane v24, v53;
	v22 =	vperm.xlane v22, v28;
	v1 =	vsel vm12, v1, v32;
	s21 =	ssub.f32 $0.0e+00, s29;
	s30 =	spop (v2sf)  }
0x36a: {  	v0 =	vsel vm13, v27, v0;
	v1 =	vsel vm2, v26, v1;
	vm2 =	veq.s32 v51, $0x0;
	s23 =	ssub.f32 $0.0e+00, s30  }
0x36b: {  	v0 =	vsel vm3, v24, v0;
	vm3 =	vmmov vm0;
	v1 =	vsel vm1, v14, v1;
	p0 =	sge.f32 s21, $3.799999950e+00  }
0x36c: {  	v13 =	vld.idx.msk [tilespmem:v13+s10+$0x0], $0xffff;
	vm1 =	vmmov vm0;
	v0 =	vsel vm2, v22, v0;
	vm2 =	vge.f32 v23, v1;
	p1 =	sge.f32 s23, $3.799999950e+00  }
0x36d: {  	v54 =	vld.idx.msk [tilespmem:v40+s10+$0x0], $0xffff;
	vm11 =	vge.f32 v17, v1;
	vm12 =	vge.f32 v16, v1;
	vm3 =	vmneg @p0 vm3  }
0x36e: {  	vm10 =	vge.f32 v21, v0;
	vm1 =	vmneg @p1 vm1;
	vm2 =	vmor vm2, vm3  }
0x36f: {  	vm13 =	vge.f32 v18, v0;
	vm4 =	vmor vm10, vm1;
	v5 =	vnsel vm2, $0x0, v23  }
0x370: {  	vm14 =	vge.f32 v19, v0;
	v11 =	vnsel vm4, $0x0, v21;
	vm2 =	vgt.f32 v5, $0.0e+00  }
0x371: {  	vm4 =	vgt.f32 v11, $0.0e+00;
	v3 =	vnsel vm2, $0x0, v13;
	vm2 =	vge.f32 v15, v1  }
0x372: {  	vm15 =	vge.f32 v20, v0;
	v8 =	vnsel vm4, $0x0, v54;
	vm2 =	vmor vm2, vm3  }
0x373: {  	vm4 =	vmor vm11, vm3;
	vm3 =	vmor vm12, vm3;
	vm11 =	vmor vm13, vm1  }
0x374: {  	vm12 =	vmor vm14, vm1;
	vm1 =	vmor vm15, vm1;
	v3 =	vadd.f32 v8, v3  }
0x375: {  	v0 =	vnsel vm2, $0x0, v15;
	v1 =	vnsel vm4, $0x0, v17;
	v56 =	vnsel vm12, $0x0, v19  }
0x376: {  	v58 =	vnsel vm1, $0x0, v20;
	v59 =	vmul.f32 v0, v13;
	v60 =	vmul.f32 v1, v13  }
0x377: {  	v20 =	vmul.f32 v56, v54;
	vm1 =	vgt.f32 v0, $0.0e+00;
	v21 =	vmul.f32 v58, v54  }
0x378: {  	vm13 =	vgt.f32 v56, $0.0e+00;
	vm15 =	vgt.f32 v58, $0.0e+00;
	v22 =	vadd.f32 v3, v6  }
0x379: {  	v3 =	vnsel vm3, $0x0, v16;
	v6 =	vnsel vm11, $0x0, v18;
	vm3 =	vgt.f32 v1, $0.0e+00  }
0x37a: {  	v1 =	vmul.f32 v5, v13;
	v5 =	vmul.f32 v11, v54;
	v15 =	vnsel vm13, $0x0, v54  }
0x37b: {  	v18 =	vmul.f32 v6, v54;
	v0 =	vmul.f32 v3, v13;
	vm2 =	vgt.f32 v6, $0.0e+00  }
0x37c: {  	vm14 =	vgt.f32 v3, $0.0e+00;
	v3 =	vnsel vm1, $0x0, v13;
	v11 =	vnsel vm3, $0x0, v13  }
0x37d: {  	s18 =	sadd.s32 $0x1, s18;
	v62 =	vadd.f32 v20, v60;
	v6 =	vnsel vm2, $0x0, v54;
	v1 =	vadd.f32 v5, v1  }
0x37e: {  	s20 =	sadd.f32 s22, s20;
	p0 =	sne.s32 s18, $0x10;
	v13 =	vnsel vm14, $0x0, v13;
	v11 =	vadd.f32 v15, v11;
	v61 =	vadd.f32 v18, v59  }
.Ltmp2:
0x37f: {  	v5 =	vnsel vm15, $0x0, v54;
	v0 =	vadd.f32 v21, v0;
	v63 =	vadd.f32 v6, v3;
	(pc) =	sbr.rel @p0 .LBB2_2-.Ltmp2, $4  }
0x380: {  	s19 =	sadd.f32 s20, s19;
	v13 =	vadd.f32 v5, v13;
	v3 =	vadd.f32 v11, v12  }
0x381: {  	s31 =	sadd.f32 s23, s21;
	v8 =	vadd.f32 v61, v7;
	v7 =	vadd.f32 v62, v9  }
0x382: {  	v6 =	vadd.f32 v0, v4;
	v4 =	vadd.f32 v1, v10  }
0x383: {  	s17 =	sadd.s32 $0x400, s17;
	s19 =	sadd.f32 s31, s19;
	v5 =	vadd.f32 v63, v2;
	v2 =	vadd.f32 v13, v55  }
0x384: {  	[tilespmem:$0x14000] =	vst v8  }
0x385: {  	[tilespmem:$0x14010] =	vst v7  }
0x386: {  	[tilespmem:$0x14050] =	vst v3  }
0x387: {  	[tilespmem:$0x14020] =	vst v6  }
0x388: {  	[tilespmem:$0x14030] =	vst v4  }
0x389: {  	[tilespmem:$0x14070] =	vst v22  }
0x38a: {  	s16 =	sadd.s32 $0x1, s16;
	[tilespmem:$0x14040] =	vst v5  }
0x38b: {  	[tilespmem:$0x14060] =	vst v2;
	v0 =	vmov s19;
	p0 =	sne.s32 s16, s9  }
.Ltmp3:
0x38c: {  	[tilespmem:$0x14080] =	vst v0;
	(pc) =	sbr.rel @p0 .LBB2_1-.Ltmp3, $4  }
0x38d: {  	[hbm4b:s8+s3] =	stream.linear.scatter [tilespmem:s15], [sflag:$0x3], $0x90, $0x38;
	[tilespmem:$0x14100] =	vst v63  }
0x38e: {  	_ =	swait.ge [sflag:s11], $0x90  }
0x38f: {  	[sflag:s11] =	ssyncset.done $0x0  }
0x390: {  	[sflag:s11] =	ssyncadd.s32 $0xFFFFFF70  }
0x391: {  	_ =	sfence.sel $0x180000  }
0x392: {  	[bflag:$0x0] =	sbarrier.arrive $0xFFFF  }
0x393: {  	p0 =	sne.s32 s0, $0x0;
	_ =	strace $0x90000047  }
0x394: {  	s0 =	sadd.s32 @!p0 $0x100000, s1;
	[bflag:$0x2] =	sbarrier.arrive $0xFFFF  }
0x395: {  	[sflag:s0] =	ssyncadd.tile.s32 @!p0 $0x1;
	_ =	shalt  }
.Lfunc_end2:
_tile_overlayer_lowered:
.L_overlay_start_2:
0x396: {  	(tag) =	ssettag $0x2  }
0x397: {  	s0 =	rddreg [dreg:$0x0];
	s2 =	stileid.u32  }
0x398: {  	s1 =	rddreg [dreg:$0x1];
	p0 =	sne.s32 s2, $0x0  }
0x399: {  	s3 =	rddreg [dreg:$0x2];
	[bflag:$0x3] =	sbarrier.arrive $0xFFFF;
	s2 =	simm.s32 @!p0 $0x1C03  }
0x39a: {  	[timem:s3], [sflag:s2] =	dma.local @!p0 [hbm:s0], s1  }
0x39b: {  	s0 =	simm.s32 @!p0 $0x3  }
0x39c: {  	_ =	swait.ge @!p0 [sflag:s0], s1  }
0x39d: {  	s1 =	ssub.s32 @!p0 $0x0, s1;
	[sflag:s0] =	ssyncset.done @!p0 $0x0  }
0x39e: {  	[sflag:s0] =	ssyncadd.s32 @!p0 s1  }
0x39f: {  	[bflag:$0x3] =	sbarrier.arrive $0xFFFF  }
0x3a0: {  	_ =	shalt  }

</sc_bundles>
